<compile_context>
chip_gen: v7x
topology: tpu7x:2x2x1
jax: 0.10.2.dev20260603
libtpu: 0.0.44.dev20260713+nightly
codegen_flags: <defaults>
</compile_context>

<pallas_src>
import functools
import math

import numpy as np
import jax
import jax.numpy as jnp
from jax import lax
from jax.experimental import pallas as pl
from jax.experimental.pallas import tpu as pltpu
from jax.experimental.pallas import tpu_sc as plsc

_FIFTY_PERCENT_STD = 0.8696735925295497


def _erfi(x):
    total = 0.0
    for k in range(40):
        total += x ** (2 * k + 1) / (math.factorial(k) * (2 * k + 1))
    return 2.0 / math.sqrt(math.pi) * total


_GOAL_STD = math.sqrt(2.0) * _erfi(1.0 - 0.05)

_B, _R, _C = 2, 8192, 2048
_ROWS = _B * _R
_N = _ROWS * _C



def _np_threefry2x32(k0, k1, x0, x1):
    def rotl(v, d):
        return ((v << np.uint32(d)) | (v >> np.uint32(32 - d))).astype(np.uint32)

    ks = [np.uint32(k0), np.uint32(k1),
          np.uint32(np.uint32(k0) ^ np.uint32(k1) ^ np.uint32(0x1BD11BDA))]
    rotations = [[13, 15, 26, 6], [17, 29, 16, 24]]
    x0 = (x0 + ks[0]).astype(np.uint32)
    x1 = (x1 + ks[1]).astype(np.uint32)
    for i in range(5):
        for r in rotations[i % 2]:
            x0 = (x0 + x1).astype(np.uint32)
            x1 = rotl(x1, r)
            x1 = (x0 ^ x1).astype(np.uint32)
        x0 = (x0 + ks[(i + 1) % 3]).astype(np.uint32)
        x1 = (x1 + ks[(i + 2) % 3] + np.uint32(i + 1)).astype(np.uint32)
    return x0, x1


_FK0, _FK1 = _np_threefry2x32(0, 0, np.uint32(0), np.uint32(1))
_FK0, _FK1 = int(_FK0), int(_FK1)

_U_LO = float(np.nextafter(np.float32(-1.0), np.float32(0.0)))
_U_SCALE = float(np.float32(1.0) - np.float32(_U_LO))
_SQRT2 = float(np.array(np.sqrt(2), np.float32))

_ROTATIONS = [[13, 15, 26, 6], [17, 29, 16, 24]]


_TAIL_ROWS = 5632
_HEAD_ROWS = _ROWS - _TAIL_ROWS
_TAIL_N = _TAIL_ROWS * _C
_TAIL_FLAT0 = _HEAD_ROWS * _C


_NSUB = 32
_CH = 16384
_LANES = 16
_WAYS = 4


def _sc_tf_u(cnt_list):
    ks0 = jnp.uint32(_FK0)
    ks1 = jnp.uint32(_FK1)
    ks = [ks0, ks1, jnp.uint32(_FK0 ^ _FK1 ^ 0x1BD11BDA)]
    x0s = [jnp.full((_LANES,), ks0, jnp.uint32) for _ in cnt_list]
    x1s = [c + ks1 for c in cnt_list]
    for r in range(5):
        for d in _ROTATIONS[r % 2]:
            x0s = [a + b for a, b in zip(x0s, x1s)]
            x1s = [(b << jnp.uint32(d)) | (b >> jnp.uint32(32 - d)) for b in x1s]
            x1s = [a ^ b for a, b in zip(x0s, x1s)]
        x0s = [a + ks[(r + 1) % 3] for a in x0s]
        x1s = [b + ks[(r + 2) % 3] + jnp.uint32(r + 1) for b in x1s]
    us = []
    for a, b in zip(x0s, x1s):
        bits = a ^ b
        fb = (bits >> jnp.uint32(9)) | jnp.uint32(0x3F800000)
        f = lax.bitcast_convert_type(fb, jnp.float32) - jnp.float32(1.0)
        us.append(jnp.maximum(jnp.float32(_U_LO),
                              f * jnp.float32(_U_SCALE) + jnp.float32(_U_LO)))
    return us


_CH_ROWS = _CH // _C


def _make_sc_ugen(tail_rows, flat0):
    total_n = tail_rows * _C
    assert total_n % (_NSUB * _CH) == 0
    per_sub = total_n // _NSUB
    sub_rows = tail_rows // _NSUB
    n_chunks = per_sub // _CH
    mesh = plsc.VectorSubcoreMesh(core_axis_name="c", subcore_axis_name="s")

    @functools.partial(
        pl.kernel, mesh=mesh,
        out_type=jax.ShapeDtypeStruct((tail_rows, _C), jnp.float32),
        scratch_types=[pltpu.VMEM((_CH_ROWS, _C), jnp.float32)],
    )
    def ugen(out_hbm, buf):
        wid = lax.axis_index("s") * 2 + lax.axis_index("c")
        sub_base = flat0 + wid * per_sub

        def chunk_body(c, carry):
            chunk_base = sub_base + c * _CH

            def inner(i, carry2):
                base = chunk_base + i * (_LANES * _WAYS)
                iota = lax.iota(jnp.int32, _LANES)
                cnts = [(base + w * _LANES + iota).astype(jnp.uint32)
                        for w in range(_WAYS)]
                us = _sc_tf_u(cnts)
                r = i // (_C // (_LANES * _WAYS))
                col = (i % (_C // (_LANES * _WAYS))) * (_LANES * _WAYS)
                for w in range(_WAYS):
                    buf[r, pl.ds(col + w * _LANES, _LANES)] = us[w]
                return carry2

            lax.fori_loop(0, _CH // (_LANES * _WAYS), inner, 0, unroll=2)
            pltpu.sync_copy(
                buf,
                out_hbm.at[pl.ds(wid * sub_rows + c * _CH_ROWS, _CH_ROWS), :])
            return carry

        lax.fori_loop(0, n_chunks, chunk_body, 0)

    return ugen


def _sc_ugen():
    return _make_sc_ugen(_TAIL_ROWS, _TAIL_FLAT0)()


_STAT_ROWS = 1024
_S_STEPS = _ROWS // _STAT_ROWS
_MASK_ROWS = 256
_H_STEPS = _HEAD_ROWS // _MASK_ROWS


_ERFINV_LT = [2.81022636e-08, 3.43273939e-07, -3.5233877e-06, -4.39150654e-06,
              0.00021858087, -0.00125372503, -0.00417768164, 0.246640727,
              1.50140941]
_ERFINV_GE = [-0.000200214257, 0.000100950558, 0.00134934322, -0.00367342844,
              0.00573950773, -0.0076224613, 0.00943887047, 1.00167406,
              2.83297682]


def _erf_inv_inline(x):
    w = -jnp.log1p(-x * x)
    ws = w - jnp.float32(2.5)
    wb = jnp.sqrt(w) - jnp.float32(3.0)
    ps = jnp.full_like(x, _ERFINV_LT[0])
    for c in _ERFINV_LT[1:]:
        ps = ps * ws + jnp.float32(c)
    pb = jnp.full_like(x, _ERFINV_GE[0])
    for c in _ERFINV_GE[1:]:
        pb = pb * wb + jnp.float32(c)
    return jnp.where(w < jnp.float32(5.0), ps, pb) * x


def _noise_mask(u, std, mean, x):
    noise = jnp.float32(_SQRT2) * _erf_inv_inline(u)
    normalized = jnp.abs(x / std - mean) / _FIFTY_PERCENT_STD
    renorm = noise * normalized
    return jnp.where(renorm < _GOAL_STD, jnp.float32(0.0), x)


def _tf_u_2d(base_elem):
    row = lax.broadcasted_iota(jnp.uint32, (_MASK_ROWS, _C), 0)
    col = lax.broadcasted_iota(jnp.uint32, (_MASK_ROWS, _C), 1)
    cnt = base_elem + row * jnp.uint32(_C) + col
    ks0 = jnp.uint32(_FK0)
    ks1 = jnp.uint32(_FK1)
    ks = [ks0, ks1, jnp.uint32(_FK0 ^ _FK1 ^ 0x1BD11BDA)]
    x0 = jnp.full((_MASK_ROWS, _C), ks0, jnp.uint32)
    x1 = cnt + ks1
    for r in range(5):
        for d in _ROTATIONS[r % 2]:
            x0 = x0 + x1
            x1 = (x1 << jnp.uint32(d)) | (x1 >> jnp.uint32(32 - d))
            x1 = x0 ^ x1
        x0 = x0 + ks[(r + 1) % 3]
        x1 = x1 + ks[(r + 2) % 3] + jnp.uint32(r + 1)
    bits = x0 ^ x1
    fb = (bits >> jnp.uint32(9)) | jnp.uint32(0x3F800000)
    f = lax.bitcast_convert_type(fb, jnp.float32) - jnp.float32(1.0)
    return jnp.maximum(jnp.float32(_U_LO),
                       f * jnp.float32(_U_SCALE) + jnp.float32(_U_LO))


def _main_body(xs_ref, xm_ref, o_ref, acc_ref):
    i = pl.program_id(0)

    @pl.when(i == 0)
    def _():
        acc_ref[0] = 0.0
        acc_ref[1] = 0.0

    @pl.when(i < _S_STEPS)
    def _():
        xs = xs_ref[...]
        acc_ref[0] += jnp.sum(xs)
        acc_ref[1] += jnp.sum(xs * xs)

    @pl.when(i == _S_STEPS)
    def _():
        n = jnp.float32(_N)
        mean = acc_ref[0] / n
        var = (acc_ref[1] - acc_ref[0] * mean) / (n - 1.0)
        acc_ref[2] = jnp.sqrt(var)
        acc_ref[3] = mean

    @pl.when(i >= _S_STEPS)
    def _():
        j = i - _S_STEPS
        u = _tf_u_2d(jnp.uint32(j * _MASK_ROWS * _C))
        o_ref[...] = _noise_mask(u, acc_ref[2], acc_ref[3], xm_ref[...])


def _mask_tail_body(params_ref, x_ref, u_ref, prev_ref, o_ref):
    del prev_ref
    o_ref[...] = _noise_mask(u_ref[...], params_ref[2], params_ref[3], x_ref[...])


def kernel(input):
    x2d = input.reshape(_ROWS, _C)

    u_tail = _sc_ugen()

    grid = _S_STEPS + _H_STEPS
    out_head, params = pl.pallas_call(
        _main_body,
        grid=(grid,),
        in_specs=[
            pl.BlockSpec((_STAT_ROWS, _C),
                         lambda i: (jnp.minimum(i, _S_STEPS - 1), 0)),
            pl.BlockSpec((_MASK_ROWS, _C),
                         lambda i: (jnp.maximum(i - _S_STEPS, 0), 0)),
        ],
        out_specs=[
            pl.BlockSpec((_MASK_ROWS, _C),
                         lambda i: (jnp.maximum(i - _S_STEPS, 0), 0)),
            pl.BlockSpec(memory_space=pltpu.SMEM),
        ],
        out_shape=[
            jax.ShapeDtypeStruct((_ROWS, _C), jnp.float32),
            jax.ShapeDtypeStruct((4,), jnp.float32),
        ],
    )(x2d, x2d)

    head_blocks = _HEAD_ROWS // _MASK_ROWS
    out = pl.pallas_call(
        _mask_tail_body,
        grid=(_TAIL_ROWS // _MASK_ROWS,),
        in_specs=[
            pl.BlockSpec(memory_space=pltpu.SMEM),
            pl.BlockSpec((_MASK_ROWS, _C), lambda i: (head_blocks + i, 0)),
            pl.BlockSpec((_MASK_ROWS, _C), lambda i: (i, 0)),
            pl.BlockSpec(memory_space=pl.ANY),
        ],
        out_specs=pl.BlockSpec((_MASK_ROWS, _C), lambda i: (head_blocks + i, 0)),
        out_shape=jax.ShapeDtypeStruct((_ROWS, _C), jnp.float32),
        input_output_aliases={3: 0},
    )(params, x2d, u_tail, out_head)

    return out.reshape(_B, _R, _C)

# --- scband reference (transcript-rebuilt; emitter-appended) ---
"""Pipeline reference for scband-rand-sparse-29850022708145 (READ-ONLY COPY).

The authoritative reference and input builder live on the scoring server;
editing this copy changes nothing except your own understanding.
"""

import jax, jax.numpy as jnp
import numpy as np
import math as m

FIFTY_PERCENT_STD = 0.8696735925295497


def _erfi(x):
    # Maclaurin series for the imaginary error function erfi(x),
    # matching scipy.special.erfi for |x| ~ 1.
    total = 0.0
    for k in range(40):
        total += x ** (2 * k + 1) / (m.factorial(k) * (2 * k + 1))
    return 2.0 / m.sqrt(m.pi) * total


def _percentile_to_std(percentile):
    # Faithful to the original (which calls erfi, not erfinv).
    return m.sqrt(2.0) * _erfi(percentile)


def setup_inputs(seed: int = 0) -> dict:
    key = jax.random.key(seed)
    x = jax.random.normal(key, (2, 8192, 2048), dtype=jnp.float32)
    return {"input": x}


def reference(input):
    avg_percent_activation = 0.05
    # mean is None in init -> compute std and mean from the input
    std = jnp.std(input, ddof=1)
    mean = jnp.mean(input)
    goal_std = _percentile_to_std(1.0 - avg_percent_activation)
    normalized = jnp.abs(input / std - mean) / FIFTY_PERCENT_STD
    # torch.normal(mean=0.0, std=normalized) == standard normal scaled per-element
    noise = jax.random.normal(jax.random.fold_in(jax.random.key(0), 1), input.shape, dtype=input.dtype)
    renorm = noise * normalized
    out = jnp.where(renorm < goal_std, jnp.zeros_like(input), input)
    # make_sparse_tensor=False and dense input -> return dense tensor
    return out

if __name__ == "__main__":
    import jax
    _d = setup_inputs()
    print(jax.jit(kernel)(*tuple(_d.values())))

</pallas_src>

<mosaic_0001>
#map = affine_map<(d0, d1) -> (0, 0)>
module attributes {stable_mosaic.version = 14 : i64} {
  func.func @ugen(%arg0: i32, %arg1: i32, %arg2: memref<5632x2048xf32, #tpu.memory_space<hbm>>, %arg3: memref<8x2048xf32, #tpu.memory_space<vmem>>) attributes {dimension_semantics = [#tpu.dimension_semantics<core_parallel>, #tpu.dimension_semantics<subcore_parallel>], iteration_bounds = array<i64: 2, 16>, scalar_prefetch = 0 : i64, scratch_operands = 1 : i64, tpu.core_type = #tpu.core_type<sc_vector_subcore>, window_params = [{transform_indices = #map}]} {
    %mul3A = arith.constant 2 : i32
    %mul3A_0 = arith.muli %arg1, %mul3A : i32
    %add3A = arith.addi %mul3A_0, %arg0 : i32
    %mul3A_1 = arith.constant 360448 : i32
    %mul3A_2 = arith.muli %add3A, %mul3A_1 : i32
    %add3A_3 = arith.constant 22020096 : i32
    %add3A_4 = arith.addi %add3A_3, %mul3A_2 : i32
    %scan3A = arith.constant 0 : i32
    %scan3A_5 = arith.constant 0 : i32
    %scan3A_6 = arith.constant 22 : i32
    %scan3A_7 = arith.addi %scan3A_5, %scan3A_6 : i32
    %scan3A_8 = arith.constant 1 : i32
    scf.for %scan3A_10 = %scan3A_5 to %scan3A_7 step %scan3A_8  : i32 {
      %mul3A_11 = arith.constant 16384 : i32
      %mul3A_12 = arith.muli %scan3A_10, %mul3A_11 : i32
      %add3A_13 = arith.addi %add3A_4, %mul3A_12 : i32
      %scan3A_14 = arith.constant 0 : i32
      %scan3A_15 = arith.constant 0 : i32
      %scan3A_16 = arith.constant 256 : i32
      %scan3A_17 = arith.addi %scan3A_15, %scan3A_16 : i32
      %scan3A_18 = arith.constant 2 : i32
      scf.for %scan3A_25 = %scan3A_15 to %scan3A_17 step %scan3A_18  : i32 {
        %mul3A_26 = arith.constant 64 : i32
        %mul3A_27 = arith.muli %scan3A_25, %mul3A_26 : i32
        %add3A_28 = arith.addi %add3A_13, %mul3A_27 : i32
        %iota3A = tpu.iota {dimensions = array<i32: 0>} : vector<16xi32>
        %add3A_29 = arith.constant 0 : i32
        %add3A_30 = arith.addi %add3A_28, %add3A_29 : i32
        %add3A_31 = vector.broadcast %add3A_30 : i32 to vector<16xi32>
        %add3A_32 = arith.addi %add3A_31, %iota3A : vector<16xi32>
        %add3A_33 = arith.constant 16 : i32
        %add3A_34 = arith.addi %add3A_28, %add3A_33 : i32
        %add3A_35 = vector.broadcast %add3A_34 : i32 to vector<16xi32>
        %add3A_36 = arith.addi %add3A_35, %iota3A : vector<16xi32>
        %add3A_37 = arith.constant 32 : i32
        %add3A_38 = arith.addi %add3A_28, %add3A_37 : i32
        %add3A_39 = vector.broadcast %add3A_38 : i32 to vector<16xi32>
        %add3A_40 = arith.addi %add3A_39, %iota3A : vector<16xi32>
        %add3A_41 = arith.constant 48 : i32
        %add3A_42 = arith.addi %add3A_28, %add3A_41 : i32
        %add3A_43 = vector.broadcast %add3A_42 : i32 to vector<16xi32>
        %add3A_44 = arith.addi %add3A_43, %iota3A : vector<16xi32>
        %broadcast_in_dim3A = arith.constant 928981903 : i32
        %broadcast_in_dim3A_45 = vector.broadcast %broadcast_in_dim3A : i32 to vector<16xi32>
        %broadcast_in_dim3A_46 = arith.constant 928981903 : i32
        %broadcast_in_dim3A_47 = vector.broadcast %broadcast_in_dim3A_46 : i32 to vector<16xi32>
        %broadcast_in_dim3A_48 = arith.constant 928981903 : i32
        %broadcast_in_dim3A_49 = vector.broadcast %broadcast_in_dim3A_48 : i32 to vector<16xi32>
        %broadcast_in_dim3A_50 = arith.constant 928981903 : i32
        %broadcast_in_dim3A_51 = vector.broadcast %broadcast_in_dim3A_50 : i32 to vector<16xi32>
        %add3A_52 = arith.constant -841280227 : i32
        %add3A_53 = vector.broadcast %add3A_52 : i32 to vector<16xi32>
        %add3A_54 = arith.addi %add3A_32, %add3A_53 : vector<16xi32>
        %add3A_55 = arith.constant -841280227 : i32
        %add3A_56 = vector.broadcast %add3A_55 : i32 to vector<16xi32>
        %add3A_57 = arith.addi %add3A_36, %add3A_56 : vector<16xi32>
        %add3A_58 = arith.constant -841280227 : i32
        %add3A_59 = vector.broadcast %add3A_58 : i32 to vector<16xi32>
        %add3A_60 = arith.addi %add3A_40, %add3A_59 : vector<16xi32>
        %add3A_61 = arith.constant -841280227 : i32
        %add3A_62 = vector.broadcast %add3A_61 : i32 to vector<16xi32>
        %add3A_63 = arith.addi %add3A_44, %add3A_62 : vector<16xi32>
        %add3A_64 = arith.addi %broadcast_in_dim3A_45, %add3A_54 : vector<16xi32>
        %add3A_65 = arith.addi %broadcast_in_dim3A_47, %add3A_57 : vector<16xi32>
        %add3A_66 = arith.addi %broadcast_in_dim3A_49, %add3A_60 : vector<16xi32>
        %add3A_67 = arith.addi %broadcast_in_dim3A_51, %add3A_63 : vector<16xi32>
        %shift_left3A = arith.constant 13 : i32
        %shift_left3A_68 = vector.broadcast %shift_left3A : i32 to vector<16xi32>
        %shift_left3A_69 = arith.shli %add3A_54, %shift_left3A_68 : vector<16xi32>
        %shift_right_logical3A = arith.constant 19 : i32
        %shift_right_logical3A_70 = vector.broadcast %shift_right_logical3A : i32 to vector<16xi32>
        %shift_right_logical3A_71 = arith.shrui %add3A_54, %shift_right_logical3A_70 : vector<16xi32>
        %or3A = arith.ori %shift_left3A_69, %shift_right_logical3A_71 : vector<16xi32>
        %shift_left3A_72 = arith.constant 13 : i32
        %shift_left3A_73 = vector.broadcast %shift_left3A_72 : i32 to vector<16xi32>
        %shift_left3A_74 = arith.shli %add3A_57, %shift_left3A_73 : vector<16xi32>
        %shift_right_logical3A_75 = arith.constant 19 : i32
        %shift_right_logical3A_76 = vector.broadcast %shift_right_logical3A_75 : i32 to vector<16xi32>
        %shift_right_logical3A_77 = arith.shrui %add3A_57, %shift_right_logical3A_76 : vector<16xi32>
        %or3A_78 = arith.ori %shift_left3A_74, %shift_right_logical3A_77 : vector<16xi32>
        %shift_left3A_79 = arith.constant 13 : i32
        %shift_left3A_80 = vector.broadcast %shift_left3A_79 : i32 to vector<16xi32>
        %shift_left3A_81 = arith.shli %add3A_60, %shift_left3A_80 : vector<16xi32>
        %shift_right_logical3A_82 = arith.constant 19 : i32
        %shift_right_logical3A_83 = vector.broadcast %shift_right_logical3A_82 : i32 to vector<16xi32>
        %shift_right_logical3A_84 = arith.shrui %add3A_60, %shift_right_logical3A_83 : vector<16xi32>
        %or3A_85 = arith.ori %shift_left3A_81, %shift_right_logical3A_84 : vector<16xi32>
        %shift_left3A_86 = arith.constant 13 : i32
        %shift_left3A_87 = vector.broadcast %shift_left3A_86 : i32 to vector<16xi32>
        %shift_left3A_88 = arith.shli %add3A_63, %shift_left3A_87 : vector<16xi32>
        %shift_right_logical3A_89 = arith.constant 19 : i32
        %shift_right_logical3A_90 = vector.broadcast %shift_right_logical3A_89 : i32 to vector<16xi32>
        %shift_right_logical3A_91 = arith.shrui %add3A_63, %shift_right_logical3A_90 : vector<16xi32>
        %or3A_92 = arith.ori %shift_left3A_88, %shift_right_logical3A_91 : vector<16xi32>
        %xor3A = arith.xori %add3A_64, %or3A : vector<16xi32>
        %xor3A_93 = arith.xori %add3A_65, %or3A_78 : vector<16xi32>
        %xor3A_94 = arith.xori %add3A_66, %or3A_85 : vector<16xi32>
        %xor3A_95 = arith.xori %add3A_67, %or3A_92 : vector<16xi32>
        %add3A_96 = arith.addi %add3A_64, %xor3A : vector<16xi32>
        %add3A_97 = arith.addi %add3A_65, %xor3A_93 : vector<16xi32>
        %add3A_98 = arith.addi %add3A_66, %xor3A_94 : vector<16xi32>
        %add3A_99 = arith.addi %add3A_67, %xor3A_95 : vector<16xi32>
        %shift_left3A_100 = arith.constant 15 : i32
        %shift_left3A_101 = vector.broadcast %shift_left3A_100 : i32 to vector<16xi32>
        %shift_left3A_102 = arith.shli %xor3A, %shift_left3A_101 : vector<16xi32>
        %shift_right_logical3A_103 = arith.constant 17 : i32
        %shift_right_logical3A_104 = vector.broadcast %shift_right_logical3A_103 : i32 to vector<16xi32>
        %shift_right_logical3A_105 = arith.shrui %xor3A, %shift_right_logical3A_104 : vector<16xi32>
        %or3A_106 = arith.ori %shift_left3A_102, %shift_right_logical3A_105 : vector<16xi32>
        %shift_left3A_107 = arith.constant 15 : i32
        %shift_left3A_108 = vector.broadcast %shift_left3A_107 : i32 to vector<16xi32>
        %shift_left3A_109 = arith.shli %xor3A_93, %shift_left3A_108 : vector<16xi32>
        %shift_right_logical3A_110 = arith.constant 17 : i32
        %shift_right_logical3A_111 = vector.broadcast %shift_right_logical3A_110 : i32 to vector<16xi32>
        %shift_right_logical3A_112 = arith.shrui %xor3A_93, %shift_right_logical3A_111 : vector<16xi32>
        %or3A_113 = arith.ori %shift_left3A_109, %shift_right_logical3A_112 : vector<16xi32>
        %shift_left3A_114 = arith.constant 15 : i32
        %shift_left3A_115 = vector.broadcast %shift_left3A_114 : i32 to vector<16xi32>
        %shift_left3A_116 = arith.shli %xor3A_94, %shift_left3A_115 : vector<16xi32>
        %shift_right_logical3A_117 = arith.constant 17 : i32
        %shift_right_logical3A_118 = vector.broadcast %shift_right_logical3A_117 : i32 to vector<16xi32>
        %shift_right_logical3A_119 = arith.shrui %xor3A_94, %shift_right_logical3A_118 : vector<16xi32>
        %or3A_120 = arith.ori %shift_left3A_116, %shift_right_logical3A_119 : vector<16xi32>
        %shift_left3A_121 = arith.constant 15 : i32
        %shift_left3A_122 = vector.broadcast %shift_left3A_121 : i32 to vector<16xi32>
        %shift_left3A_123 = arith.shli %xor3A_95, %shift_left3A_122 : vector<16xi32>
        %shift_right_logical3A_124 = arith.constant 17 : i32
        %shift_right_logical3A_125 = vector.broadcast %shift_right_logical3A_124 : i32 to vector<16xi32>
        %shift_right_logical3A_126 = arith.shrui %xor3A_95, %shift_right_logical3A_125 : vector<16xi32>
        %or3A_127 = arith.ori %shift_left3A_123, %shift_right_logical3A_126 : vector<16xi32>
        %xor3A_128 = arith.xori %add3A_96, %or3A_106 : vector<16xi32>
        %xor3A_129 = arith.xori %add3A_97, %or3A_113 : vector<16xi32>
        %xor3A_130 = arith.xori %add3A_98, %or3A_120 : vector<16xi32>
        %xor3A_131 = arith.xori %add3A_99, %or3A_127 : vector<16xi32>
        %add3A_132 = arith.addi %add3A_96, %xor3A_128 : vector<16xi32>
        %add3A_133 = arith.addi %add3A_97, %xor3A_129 : vector<16xi32>
        %add3A_134 = arith.addi %add3A_98, %xor3A_130 : vector<16xi32>
        %add3A_135 = arith.addi %add3A_99, %xor3A_131 : vector<16xi32>
        %shift_left3A_136 = arith.constant 26 : i32
        %shift_left3A_137 = vector.broadcast %shift_left3A_136 : i32 to vector<16xi32>
        %shift_left3A_138 = arith.shli %xor3A_128, %shift_left3A_137 : vector<16xi32>
        %shift_right_logical3A_139 = arith.constant 6 : i32
        %shift_right_logical3A_140 = vector.broadcast %shift_right_logical3A_139 : i32 to vector<16xi32>
        %shift_right_logical3A_141 = arith.shrui %xor3A_128, %shift_right_logical3A_140 : vector<16xi32>
        %or3A_142 = arith.ori %shift_left3A_138, %shift_right_logical3A_141 : vector<16xi32>
        %shift_left3A_143 = arith.constant 26 : i32
        %shift_left3A_144 = vector.broadcast %shift_left3A_143 : i32 to vector<16xi32>
        %shift_left3A_145 = arith.shli %xor3A_129, %shift_left3A_144 : vector<16xi32>
        %shift_right_logical3A_146 = arith.constant 6 : i32
        %shift_right_logical3A_147 = vector.broadcast %shift_right_logical3A_146 : i32 to vector<16xi32>
        %shift_right_logical3A_148 = arith.shrui %xor3A_129, %shift_right_logical3A_147 : vector<16xi32>
        %or3A_149 = arith.ori %shift_left3A_145, %shift_right_logical3A_148 : vector<16xi32>
        %shift_left3A_150 = arith.constant 26 : i32
        %shift_left3A_151 = vector.broadcast %shift_left3A_150 : i32 to vector<16xi32>
        %shift_left3A_152 = arith.shli %xor3A_130, %shift_left3A_151 : vector<16xi32>
        %shift_right_logical3A_153 = arith.constant 6 : i32
        %shift_right_logical3A_154 = vector.broadcast %shift_right_logical3A_153 : i32 to vector<16xi32>
        %shift_right_logical3A_155 = arith.shrui %xor3A_130, %shift_right_logical3A_154 : vector<16xi32>
        %or3A_156 = arith.ori %shift_left3A_152, %shift_right_logical3A_155 : vector<16xi32>
        %shift_left3A_157 = arith.constant 26 : i32
        %shift_left3A_158 = vector.broadcast %shift_left3A_157 : i32 to vector<16xi32>
        %shift_left3A_159 = arith.shli %xor3A_131, %shift_left3A_158 : vector<16xi32>
        %shift_right_logical3A_160 = arith.constant 6 : i32
        %shift_right_logical3A_161 = vector.broadcast %shift_right_logical3A_160 : i32 to vector<16xi32>
        %shift_right_logical3A_162 = arith.shrui %xor3A_131, %shift_right_logical3A_161 : vector<16xi32>
        %or3A_163 = arith.ori %shift_left3A_159, %shift_right_logical3A_162 : vector<16xi32>
        %xor3A_164 = arith.xori %add3A_132, %or3A_142 : vector<16xi32>
        %xor3A_165 = arith.xori %add3A_133, %or3A_149 : vector<16xi32>
        %xor3A_166 = arith.xori %add3A_134, %or3A_156 : vector<16xi32>
        %xor3A_167 = arith.xori %add3A_135, %or3A_163 : vector<16xi32>
        %add3A_168 = arith.addi %add3A_132, %xor3A_164 : vector<16xi32>
        %add3A_169 = arith.addi %add3A_133, %xor3A_165 : vector<16xi32>
        %add3A_170 = arith.addi %add3A_134, %xor3A_166 : vector<16xi32>
        %add3A_171 = arith.addi %add3A_135, %xor3A_167 : vector<16xi32>
        %shift_left3A_172 = arith.constant 6 : i32
        %shift_left3A_173 = vector.broadcast %shift_left3A_172 : i32 to vector<16xi32>
        %shift_left3A_174 = arith.shli %xor3A_164, %shift_left3A_173 : vector<16xi32>
        %shift_right_logical3A_175 = arith.constant 26 : i32
        %shift_right_logical3A_176 = vector.broadcast %shift_right_logical3A_175 : i32 to vector<16xi32>
        %shift_right_logical3A_177 = arith.shrui %xor3A_164, %shift_right_logical3A_176 : vector<16xi32>
        %or3A_178 = arith.ori %shift_left3A_174, %shift_right_logical3A_177 : vector<16xi32>
        %shift_left3A_179 = arith.constant 6 : i32
        %shift_left3A_180 = vector.broadcast %shift_left3A_179 : i32 to vector<16xi32>
        %shift_left3A_181 = arith.shli %xor3A_165, %shift_left3A_180 : vector<16xi32>
        %shift_right_logical3A_182 = arith.constant 26 : i32
        %shift_right_logical3A_183 = vector.broadcast %shift_right_logical3A_182 : i32 to vector<16xi32>
        %shift_right_logical3A_184 = arith.shrui %xor3A_165, %shift_right_logical3A_183 : vector<16xi32>
        %or3A_185 = arith.ori %shift_left3A_181, %shift_right_logical3A_184 : vector<16xi32>
        %shift_left3A_186 = arith.constant 6 : i32
        %shift_left3A_187 = vector.broadcast %shift_left3A_186 : i32 to vector<16xi32>
        %shift_left3A_188 = arith.shli %xor3A_166, %shift_left3A_187 : vector<16xi32>
        %shift_right_logical3A_189 = arith.constant 26 : i32
        %shift_right_logical3A_190 = vector.broadcast %shift_right_logical3A_189 : i32 to vector<16xi32>
        %shift_right_logical3A_191 = arith.shrui %xor3A_166, %shift_right_logical3A_190 : vector<16xi32>
        %or3A_192 = arith.ori %shift_left3A_188, %shift_right_logical3A_191 : vector<16xi32>
        %shift_left3A_193 = arith.constant 6 : i32
        %shift_left3A_194 = vector.broadcast %shift_left3A_193 : i32 to vector<16xi32>
        %shift_left3A_195 = arith.shli %xor3A_167, %shift_left3A_194 : vector<16xi32>
        %shift_right_logical3A_196 = arith.constant 26 : i32
        %shift_right_logical3A_197 = vector.broadcast %shift_right_logical3A_196 : i32 to vector<16xi32>
        %shift_right_logical3A_198 = arith.shrui %xor3A_167, %shift_right_logical3A_197 : vector<16xi32>
        %or3A_199 = arith.ori %shift_left3A_195, %shift_right_logical3A_198 : vector<16xi32>
        %xor3A_200 = arith.xori %add3A_168, %or3A_178 : vector<16xi32>
        %xor3A_201 = arith.xori %add3A_169, %or3A_185 : vector<16xi32>
        %xor3A_202 = arith.xori %add3A_170, %or3A_192 : vector<16xi32>
        %xor3A_203 = arith.xori %add3A_171, %or3A_199 : vector<16xi32>
        %add3A_204 = arith.constant -841280227 : i32
        %add3A_205 = vector.broadcast %add3A_204 : i32 to vector<16xi32>
        %add3A_206 = arith.addi %add3A_168, %add3A_205 : vector<16xi32>
        %add3A_207 = arith.constant -841280227 : i32
        %add3A_208 = vector.broadcast %add3A_207 : i32 to vector<16xi32>
        %add3A_209 = arith.addi %add3A_169, %add3A_208 : vector<16xi32>
        %add3A_210 = arith.constant -841280227 : i32
        %add3A_211 = vector.broadcast %add3A_210 : i32 to vector<16xi32>
        %add3A_212 = arith.addi %add3A_170, %add3A_211 : vector<16xi32>
        %add3A_213 = arith.constant -841280227 : i32
        %add3A_214 = vector.broadcast %add3A_213 : i32 to vector<16xi32>
        %add3A_215 = arith.addi %add3A_171, %add3A_214 : vector<16xi32>
        %add3A_216 = arith.constant -514511544 : i32
        %add3A_217 = vector.broadcast %add3A_216 : i32 to vector<16xi32>
        %add3A_218 = arith.addi %xor3A_200, %add3A_217 : vector<16xi32>
        %add3A_219 = arith.constant 1 : i32
        %add3A_220 = vector.broadcast %add3A_219 : i32 to vector<16xi32>
        %add3A_221 = arith.addi %add3A_218, %add3A_220 : vector<16xi32>
        %add3A_222 = arith.constant -514511544 : i32
        %add3A_223 = vector.broadcast %add3A_222 : i32 to vector<16xi32>
        %add3A_224 = arith.addi %xor3A_201, %add3A_223 : vector<16xi32>
        %add3A_225 = arith.constant 1 : i32
        %add3A_226 = vector.broadcast %add3A_225 : i32 to vector<16xi32>
        %add3A_227 = arith.addi %add3A_224, %add3A_226 : vector<16xi32>
        %add3A_228 = arith.constant -514511544 : i32
        %add3A_229 = vector.broadcast %add3A_228 : i32 to vector<16xi32>
        %add3A_230 = arith.addi %xor3A_202, %add3A_229 : vector<16xi32>
        %add3A_231 = arith.constant 1 : i32
        %add3A_232 = vector.broadcast %add3A_231 : i32 to vector<16xi32>
        %add3A_233 = arith.addi %add3A_230, %add3A_232 : vector<16xi32>
        %add3A_234 = arith.constant -514511544 : i32
        %add3A_235 = vector.broadcast %add3A_234 : i32 to vector<16xi32>
        %add3A_236 = arith.addi %xor3A_203, %add3A_235 : vector<16xi32>
        %add3A_237 = arith.constant 1 : i32
        %add3A_238 = vector.broadcast %add3A_237 : i32 to vector<16xi32>
        %add3A_239 = arith.addi %add3A_236, %add3A_238 : vector<16xi32>
        %add3A_240 = arith.addi %add3A_206, %add3A_221 : vector<16xi32>
        %add3A_241 = arith.addi %add3A_209, %add3A_227 : vector<16xi32>
        %add3A_242 = arith.addi %add3A_212, %add3A_233 : vector<16xi32>
        %add3A_243 = arith.addi %add3A_215, %add3A_239 : vector<16xi32>
        %shift_left3A_244 = arith.constant 17 : i32
        %shift_left3A_245 = vector.broadcast %shift_left3A_244 : i32 to vector<16xi32>
        %shift_left3A_246 = arith.shli %add3A_221, %shift_left3A_245 : vector<16xi32>
        %shift_right_logical3A_247 = arith.constant 15 : i32
        %shift_right_logical3A_248 = vector.broadcast %shift_right_logical3A_247 : i32 to vector<16xi32>
        %shift_right_logical3A_249 = arith.shrui %add3A_221, %shift_right_logical3A_248 : vector<16xi32>
        %or3A_250 = arith.ori %shift_left3A_246, %shift_right_logical3A_249 : vector<16xi32>
        %shift_left3A_251 = arith.constant 17 : i32
        %shift_left3A_252 = vector.broadcast %shift_left3A_251 : i32 to vector<16xi32>
        %shift_left3A_253 = arith.shli %add3A_227, %shift_left3A_252 : vector<16xi32>
        %shift_right_logical3A_254 = arith.constant 15 : i32
        %shift_right_logical3A_255 = vector.broadcast %shift_right_logical3A_254 : i32 to vector<16xi32>
        %shift_right_logical3A_256 = arith.shrui %add3A_227, %shift_right_logical3A_255 : vector<16xi32>
        %or3A_257 = arith.ori %shift_left3A_253, %shift_right_logical3A_256 : vector<16xi32>
        %shift_left3A_258 = arith.constant 17 : i32
        %shift_left3A_259 = vector.broadcast %shift_left3A_258 : i32 to vector<16xi32>
        %shift_left3A_260 = arith.shli %add3A_233, %shift_left3A_259 : vector<16xi32>
        %shift_right_logical3A_261 = arith.constant 15 : i32
        %shift_right_logical3A_262 = vector.broadcast %shift_right_logical3A_261 : i32 to vector<16xi32>
        %shift_right_logical3A_263 = arith.shrui %add3A_233, %shift_right_logical3A_262 : vector<16xi32>
        %or3A_264 = arith.ori %shift_left3A_260, %shift_right_logical3A_263 : vector<16xi32>
        %shift_left3A_265 = arith.constant 17 : i32
        %shift_left3A_266 = vector.broadcast %shift_left3A_265 : i32 to vector<16xi32>
        %shift_left3A_267 = arith.shli %add3A_239, %shift_left3A_266 : vector<16xi32>
        %shift_right_logical3A_268 = arith.constant 15 : i32
        %shift_right_logical3A_269 = vector.broadcast %shift_right_logical3A_268 : i32 to vector<16xi32>
        %shift_right_logical3A_270 = arith.shrui %add3A_239, %shift_right_logical3A_269 : vector<16xi32>
        %or3A_271 = arith.ori %shift_left3A_267, %shift_right_logical3A_270 : vector<16xi32>
        %xor3A_272 = arith.xori %add3A_240, %or3A_250 : vector<16xi32>
        %xor3A_273 = arith.xori %add3A_241, %or3A_257 : vector<16xi32>
        %xor3A_274 = arith.xori %add3A_242, %or3A_264 : vector<16xi32>
        %xor3A_275 = arith.xori %add3A_243, %or3A_271 : vector<16xi32>
        %add3A_276 = arith.addi %add3A_240, %xor3A_272 : vector<16xi32>
        %add3A_277 = arith.addi %add3A_241, %xor3A_273 : vector<16xi32>
        %add3A_278 = arith.addi %add3A_242, %xor3A_274 : vector<16xi32>
        %add3A_279 = arith.addi %add3A_243, %xor3A_275 : vector<16xi32>
        %shift_left3A_280 = arith.constant 29 : i32
        %shift_left3A_281 = vector.broadcast %shift_left3A_280 : i32 to vector<16xi32>
        %shift_left3A_282 = arith.shli %xor3A_272, %shift_left3A_281 : vector<16xi32>
        %shift_right_logical3A_283 = arith.constant 3 : i32
        %shift_right_logical3A_284 = vector.broadcast %shift_right_logical3A_283 : i32 to vector<16xi32>
        %shift_right_logical3A_285 = arith.shrui %xor3A_272, %shift_right_logical3A_284 : vector<16xi32>
        %or3A_286 = arith.ori %shift_left3A_282, %shift_right_logical3A_285 : vector<16xi32>
        %shift_left3A_287 = arith.constant 29 : i32
        %shift_left3A_288 = vector.broadcast %shift_left3A_287 : i32 to vector<16xi32>
        %shift_left3A_289 = arith.shli %xor3A_273, %shift_left3A_288 : vector<16xi32>
        %shift_right_logical3A_290 = arith.constant 3 : i32
        %shift_right_logical3A_291 = vector.broadcast %shift_right_logical3A_290 : i32 to vector<16xi32>
        %shift_right_logical3A_292 = arith.shrui %xor3A_273, %shift_right_logical3A_291 : vector<16xi32>
        %or3A_293 = arith.ori %shift_left3A_289, %shift_right_logical3A_292 : vector<16xi32>
        %shift_left3A_294 = arith.constant 29 : i32
        %shift_left3A_295 = vector.broadcast %shift_left3A_294 : i32 to vector<16xi32>
        %shift_left3A_296 = arith.shli %xor3A_274, %shift_left3A_295 : vector<16xi32>
        %shift_right_logical3A_297 = arith.constant 3 : i32
        %shift_right_logical3A_298 = vector.broadcast %shift_right_logical3A_297 : i32 to vector<16xi32>
        %shift_right_logical3A_299 = arith.shrui %xor3A_274, %shift_right_logical3A_298 : vector<16xi32>
        %or3A_300 = arith.ori %shift_left3A_296, %shift_right_logical3A_299 : vector<16xi32>
        %shift_left3A_301 = arith.constant 29 : i32
        %shift_left3A_302 = vector.broadcast %shift_left3A_301 : i32 to vector<16xi32>
        %shift_left3A_303 = arith.shli %xor3A_275, %shift_left3A_302 : vector<16xi32>
        %shift_right_logical3A_304 = arith.constant 3 : i32
        %shift_right_logical3A_305 = vector.broadcast %shift_right_logical3A_304 : i32 to vector<16xi32>
        %shift_right_logical3A_306 = arith.shrui %xor3A_275, %shift_right_logical3A_305 : vector<16xi32>
        %or3A_307 = arith.ori %shift_left3A_303, %shift_right_logical3A_306 : vector<16xi32>
        %xor3A_308 = arith.xori %add3A_276, %or3A_286 : vector<16xi32>
        %xor3A_309 = arith.xori %add3A_277, %or3A_293 : vector<16xi32>
        %xor3A_310 = arith.xori %add3A_278, %or3A_300 : vector<16xi32>
        %xor3A_311 = arith.xori %add3A_279, %or3A_307 : vector<16xi32>
        %add3A_312 = arith.addi %add3A_276, %xor3A_308 : vector<16xi32>
        %add3A_313 = arith.addi %add3A_277, %xor3A_309 : vector<16xi32>
        %add3A_314 = arith.addi %add3A_278, %xor3A_310 : vector<16xi32>
        %add3A_315 = arith.addi %add3A_279, %xor3A_311 : vector<16xi32>
        %shift_left3A_316 = arith.constant 16 : i32
        %shift_left3A_317 = vector.broadcast %shift_left3A_316 : i32 to vector<16xi32>
        %shift_left3A_318 = arith.shli %xor3A_308, %shift_left3A_317 : vector<16xi32>
        %shift_right_logical3A_319 = arith.constant 16 : i32
        %shift_right_logical3A_320 = vector.broadcast %shift_right_logical3A_319 : i32 to vector<16xi32>
        %shift_right_logical3A_321 = arith.shrui %xor3A_308, %shift_right_logical3A_320 : vector<16xi32>
        %or3A_322 = arith.ori %shift_left3A_318, %shift_right_logical3A_321 : vector<16xi32>
        %shift_left3A_323 = arith.constant 16 : i32
        %shift_left3A_324 = vector.broadcast %shift_left3A_323 : i32 to vector<16xi32>
        %shift_left3A_325 = arith.shli %xor3A_309, %shift_left3A_324 : vector<16xi32>
        %shift_right_logical3A_326 = arith.constant 16 : i32
        %shift_right_logical3A_327 = vector.broadcast %shift_right_logical3A_326 : i32 to vector<16xi32>
        %shift_right_logical3A_328 = arith.shrui %xor3A_309, %shift_right_logical3A_327 : vector<16xi32>
        %or3A_329 = arith.ori %shift_left3A_325, %shift_right_logical3A_328 : vector<16xi32>
        %shift_left3A_330 = arith.constant 16 : i32
        %shift_left3A_331 = vector.broadcast %shift_left3A_330 : i32 to vector<16xi32>
        %shift_left3A_332 = arith.shli %xor3A_310, %shift_left3A_331 : vector<16xi32>
        %shift_right_logical3A_333 = arith.constant 16 : i32
        %shift_right_logical3A_334 = vector.broadcast %shift_right_logical3A_333 : i32 to vector<16xi32>
        %shift_right_logical3A_335 = arith.shrui %xor3A_310, %shift_right_logical3A_334 : vector<16xi32>
        %or3A_336 = arith.ori %shift_left3A_332, %shift_right_logical3A_335 : vector<16xi32>
        %shift_left3A_337 = arith.constant 16 : i32
        %shift_left3A_338 = vector.broadcast %shift_left3A_337 : i32 to vector<16xi32>
        %shift_left3A_339 = arith.shli %xor3A_311, %shift_left3A_338 : vector<16xi32>
        %shift_right_logical3A_340 = arith.constant 16 : i32
        %shift_right_logical3A_341 = vector.broadcast %shift_right_logical3A_340 : i32 to vector<16xi32>
        %shift_right_logical3A_342 = arith.shrui %xor3A_311, %shift_right_logical3A_341 : vector<16xi32>
        %or3A_343 = arith.ori %shift_left3A_339, %shift_right_logical3A_342 : vector<16xi32>
        %xor3A_344 = arith.xori %add3A_312, %or3A_322 : vector<16xi32>
        %xor3A_345 = arith.xori %add3A_313, %or3A_329 : vector<16xi32>
        %xor3A_346 = arith.xori %add3A_314, %or3A_336 : vector<16xi32>
        %xor3A_347 = arith.xori %add3A_315, %or3A_343 : vector<16xi32>
        %add3A_348 = arith.addi %add3A_312, %xor3A_344 : vector<16xi32>
        %add3A_349 = arith.addi %add3A_313, %xor3A_345 : vector<16xi32>
        %add3A_350 = arith.addi %add3A_314, %xor3A_346 : vector<16xi32>
        %add3A_351 = arith.addi %add3A_315, %xor3A_347 : vector<16xi32>
        %shift_left3A_352 = arith.constant 24 : i32
        %shift_left3A_353 = vector.broadcast %shift_left3A_352 : i32 to vector<16xi32>
        %shift_left3A_354 = arith.shli %xor3A_344, %shift_left3A_353 : vector<16xi32>
        %shift_right_logical3A_355 = arith.constant 8 : i32
        %shift_right_logical3A_356 = vector.broadcast %shift_right_logical3A_355 : i32 to vector<16xi32>
        %shift_right_logical3A_357 = arith.shrui %xor3A_344, %shift_right_logical3A_356 : vector<16xi32>
        %or3A_358 = arith.ori %shift_left3A_354, %shift_right_logical3A_357 : vector<16xi32>
        %shift_left3A_359 = arith.constant 24 : i32
        %shift_left3A_360 = vector.broadcast %shift_left3A_359 : i32 to vector<16xi32>
        %shift_left3A_361 = arith.shli %xor3A_345, %shift_left3A_360 : vector<16xi32>
        %shift_right_logical3A_362 = arith.constant 8 : i32
        %shift_right_logical3A_363 = vector.broadcast %shift_right_logical3A_362 : i32 to vector<16xi32>
        %shift_right_logical3A_364 = arith.shrui %xor3A_345, %shift_right_logical3A_363 : vector<16xi32>
        %or3A_365 = arith.ori %shift_left3A_361, %shift_right_logical3A_364 : vector<16xi32>
        %shift_left3A_366 = arith.constant 24 : i32
        %shift_left3A_367 = vector.broadcast %shift_left3A_366 : i32 to vector<16xi32>
        %shift_left3A_368 = arith.shli %xor3A_346, %shift_left3A_367 : vector<16xi32>
        %shift_right_logical3A_369 = arith.constant 8 : i32
        %shift_right_logical3A_370 = vector.broadcast %shift_right_logical3A_369 : i32 to vector<16xi32>
        %shift_right_logical3A_371 = arith.shrui %xor3A_346, %shift_right_logical3A_370 : vector<16xi32>
        %or3A_372 = arith.ori %shift_left3A_368, %shift_right_logical3A_371 : vector<16xi32>
        %shift_left3A_373 = arith.constant 24 : i32
        %shift_left3A_374 = vector.broadcast %shift_left3A_373 : i32 to vector<16xi32>
        %shift_left3A_375 = arith.shli %xor3A_347, %shift_left3A_374 : vector<16xi32>
        %shift_right_logical3A_376 = arith.constant 8 : i32
        %shift_right_logical3A_377 = vector.broadcast %shift_right_logical3A_376 : i32 to vector<16xi32>
        %shift_right_logical3A_378 = arith.shrui %xor3A_347, %shift_right_logical3A_377 : vector<16xi32>
        %or3A_379 = arith.ori %shift_left3A_375, %shift_right_logical3A_378 : vector<16xi32>
        %xor3A_380 = arith.xori %add3A_348, %or3A_358 : vector<16xi32>
        %xor3A_381 = arith.xori %add3A_349, %or3A_365 : vector<16xi32>
        %xor3A_382 = arith.xori %add3A_350, %or3A_372 : vector<16xi32>
        %xor3A_383 = arith.xori %add3A_351, %or3A_379 : vector<16xi32>
        %add3A_384 = arith.constant -514511544 : i32
        %add3A_385 = vector.broadcast %add3A_384 : i32 to vector<16xi32>
        %add3A_386 = arith.addi %add3A_348, %add3A_385 : vector<16xi32>
        %add3A_387 = arith.constant -514511544 : i32
        %add3A_388 = vector.broadcast %add3A_387 : i32 to vector<16xi32>
        %add3A_389 = arith.addi %add3A_349, %add3A_388 : vector<16xi32>
        %add3A_390 = arith.constant -514511544 : i32
        %add3A_391 = vector.broadcast %add3A_390 : i32 to vector<16xi32>
        %add3A_392 = arith.addi %add3A_350, %add3A_391 : vector<16xi32>
        %add3A_393 = arith.constant -514511544 : i32
        %add3A_394 = vector.broadcast %add3A_393 : i32 to vector<16xi32>
        %add3A_395 = arith.addi %add3A_351, %add3A_394 : vector<16xi32>
        %add3A_396 = arith.constant 928981903 : i32
        %add3A_397 = vector.broadcast %add3A_396 : i32 to vector<16xi32>
        %add3A_398 = arith.addi %xor3A_380, %add3A_397 : vector<16xi32>
        %add3A_399 = arith.constant 2 : i32
        %add3A_400 = vector.broadcast %add3A_399 : i32 to vector<16xi32>
        %add3A_401 = arith.addi %add3A_398, %add3A_400 : vector<16xi32>
        %add3A_402 = arith.constant 928981903 : i32
        %add3A_403 = vector.broadcast %add3A_402 : i32 to vector<16xi32>
        %add3A_404 = arith.addi %xor3A_381, %add3A_403 : vector<16xi32>
        %add3A_405 = arith.constant 2 : i32
        %add3A_406 = vector.broadcast %add3A_405 : i32 to vector<16xi32>
        %add3A_407 = arith.addi %add3A_404, %add3A_406 : vector<16xi32>
        %add3A_408 = arith.constant 928981903 : i32
        %add3A_409 = vector.broadcast %add3A_408 : i32 to vector<16xi32>
        %add3A_410 = arith.addi %xor3A_382, %add3A_409 : vector<16xi32>
        %add3A_411 = arith.constant 2 : i32
        %add3A_412 = vector.broadcast %add3A_411 : i32 to vector<16xi32>
        %add3A_413 = arith.addi %add3A_410, %add3A_412 : vector<16xi32>
        %add3A_414 = arith.constant 928981903 : i32
        %add3A_415 = vector.broadcast %add3A_414 : i32 to vector<16xi32>
        %add3A_416 = arith.addi %xor3A_383, %add3A_415 : vector<16xi32>
        %add3A_417 = arith.constant 2 : i32
        %add3A_418 = vector.broadcast %add3A_417 : i32 to vector<16xi32>
        %add3A_419 = arith.addi %add3A_416, %add3A_418 : vector<16xi32>
        %add3A_420 = arith.addi %add3A_386, %add3A_401 : vector<16xi32>
        %add3A_421 = arith.addi %add3A_389, %add3A_407 : vector<16xi32>
        %add3A_422 = arith.addi %add3A_392, %add3A_413 : vector<16xi32>
        %add3A_423 = arith.addi %add3A_395, %add3A_419 : vector<16xi32>
        %shift_left3A_424 = arith.constant 13 : i32
        %shift_left3A_425 = vector.broadcast %shift_left3A_424 : i32 to vector<16xi32>
        %shift_left3A_426 = arith.shli %add3A_401, %shift_left3A_425 : vector<16xi32>
        %shift_right_logical3A_427 = arith.constant 19 : i32
        %shift_right_logical3A_428 = vector.broadcast %shift_right_logical3A_427 : i32 to vector<16xi32>
        %shift_right_logical3A_429 = arith.shrui %add3A_401, %shift_right_logical3A_428 : vector<16xi32>
        %or3A_430 = arith.ori %shift_left3A_426, %shift_right_logical3A_429 : vector<16xi32>
        %shift_left3A_431 = arith.constant 13 : i32
        %shift_left3A_432 = vector.broadcast %shift_left3A_431 : i32 to vector<16xi32>
        %shift_left3A_433 = arith.shli %add3A_407, %shift_left3A_432 : vector<16xi32>
        %shift_right_logical3A_434 = arith.constant 19 : i32
        %shift_right_logical3A_435 = vector.broadcast %shift_right_logical3A_434 : i32 to vector<16xi32>
        %shift_right_logical3A_436 = arith.shrui %add3A_407, %shift_right_logical3A_435 : vector<16xi32>
        %or3A_437 = arith.ori %shift_left3A_433, %shift_right_logical3A_436 : vector<16xi32>
        %shift_left3A_438 = arith.constant 13 : i32
        %shift_left3A_439 = vector.broadcast %shift_left3A_438 : i32 to vector<16xi32>
        %shift_left3A_440 = arith.shli %add3A_413, %shift_left3A_439 : vector<16xi32>
        %shift_right_logical3A_441 = arith.constant 19 : i32
        %shift_right_logical3A_442 = vector.broadcast %shift_right_logical3A_441 : i32 to vector<16xi32>
        %shift_right_logical3A_443 = arith.shrui %add3A_413, %shift_right_logical3A_442 : vector<16xi32>
        %or3A_444 = arith.ori %shift_left3A_440, %shift_right_logical3A_443 : vector<16xi32>
        %shift_left3A_445 = arith.constant 13 : i32
        %shift_left3A_446 = vector.broadcast %shift_left3A_445 : i32 to vector<16xi32>
        %shift_left3A_447 = arith.shli %add3A_419, %shift_left3A_446 : vector<16xi32>
        %shift_right_logical3A_448 = arith.constant 19 : i32
        %shift_right_logical3A_449 = vector.broadcast %shift_right_logical3A_448 : i32 to vector<16xi32>
        %shift_right_logical3A_450 = arith.shrui %add3A_419, %shift_right_logical3A_449 : vector<16xi32>
        %or3A_451 = arith.ori %shift_left3A_447, %shift_right_logical3A_450 : vector<16xi32>
        %xor3A_452 = arith.xori %add3A_420, %or3A_430 : vector<16xi32>
        %xor3A_453 = arith.xori %add3A_421, %or3A_437 : vector<16xi32>
        %xor3A_454 = arith.xori %add3A_422, %or3A_444 : vector<16xi32>
        %xor3A_455 = arith.xori %add3A_423, %or3A_451 : vector<16xi32>
        %add3A_456 = arith.addi %add3A_420, %xor3A_452 : vector<16xi32>
        %add3A_457 = arith.addi %add3A_421, %xor3A_453 : vector<16xi32>
        %add3A_458 = arith.addi %add3A_422, %xor3A_454 : vector<16xi32>
        %add3A_459 = arith.addi %add3A_423, %xor3A_455 : vector<16xi32>
        %shift_left3A_460 = arith.constant 15 : i32
        %shift_left3A_461 = vector.broadcast %shift_left3A_460 : i32 to vector<16xi32>
        %shift_left3A_462 = arith.shli %xor3A_452, %shift_left3A_461 : vector<16xi32>
        %shift_right_logical3A_463 = arith.constant 17 : i32
        %shift_right_logical3A_464 = vector.broadcast %shift_right_logical3A_463 : i32 to vector<16xi32>
        %shift_right_logical3A_465 = arith.shrui %xor3A_452, %shift_right_logical3A_464 : vector<16xi32>
        %or3A_466 = arith.ori %shift_left3A_462, %shift_right_logical3A_465 : vector<16xi32>
        %shift_left3A_467 = arith.constant 15 : i32
        %shift_left3A_468 = vector.broadcast %shift_left3A_467 : i32 to vector<16xi32>
        %shift_left3A_469 = arith.shli %xor3A_453, %shift_left3A_468 : vector<16xi32>
        %shift_right_logical3A_470 = arith.constant 17 : i32
        %shift_right_logical3A_471 = vector.broadcast %shift_right_logical3A_470 : i32 to vector<16xi32>
        %shift_right_logical3A_472 = arith.shrui %xor3A_453, %shift_right_logical3A_471 : vector<16xi32>
        %or3A_473 = arith.ori %shift_left3A_469, %shift_right_logical3A_472 : vector<16xi32>
        %shift_left3A_474 = arith.constant 15 : i32
        %shift_left3A_475 = vector.broadcast %shift_left3A_474 : i32 to vector<16xi32>
        %shift_left3A_476 = arith.shli %xor3A_454, %shift_left3A_475 : vector<16xi32>
        %shift_right_logical3A_477 = arith.constant 17 : i32
        %shift_right_logical3A_478 = vector.broadcast %shift_right_logical3A_477 : i32 to vector<16xi32>
        %shift_right_logical3A_479 = arith.shrui %xor3A_454, %shift_right_logical3A_478 : vector<16xi32>
        %or3A_480 = arith.ori %shift_left3A_476, %shift_right_logical3A_479 : vector<16xi32>
        %shift_left3A_481 = arith.constant 15 : i32
        %shift_left3A_482 = vector.broadcast %shift_left3A_481 : i32 to vector<16xi32>
        %shift_left3A_483 = arith.shli %xor3A_455, %shift_left3A_482 : vector<16xi32>
        %shift_right_logical3A_484 = arith.constant 17 : i32
        %shift_right_logical3A_485 = vector.broadcast %shift_right_logical3A_484 : i32 to vector<16xi32>
        %shift_right_logical3A_486 = arith.shrui %xor3A_455, %shift_right_logical3A_485 : vector<16xi32>
        %or3A_487 = arith.ori %shift_left3A_483, %shift_right_logical3A_486 : vector<16xi32>
        %xor3A_488 = arith.xori %add3A_456, %or3A_466 : vector<16xi32>
        %xor3A_489 = arith.xori %add3A_457, %or3A_473 : vector<16xi32>
        %xor3A_490 = arith.xori %add3A_458, %or3A_480 : vector<16xi32>
        %xor3A_491 = arith.xori %add3A_459, %or3A_487 : vector<16xi32>
        %add3A_492 = arith.addi %add3A_456, %xor3A_488 : vector<16xi32>
        %add3A_493 = arith.addi %add3A_457, %xor3A_489 : vector<16xi32>
        %add3A_494 = arith.addi %add3A_458, %xor3A_490 : vector<16xi32>
        %add3A_495 = arith.addi %add3A_459, %xor3A_491 : vector<16xi32>
        %shift_left3A_496 = arith.constant 26 : i32
        %shift_left3A_497 = vector.broadcast %shift_left3A_496 : i32 to vector<16xi32>
        %shift_left3A_498 = arith.shli %xor3A_488, %shift_left3A_497 : vector<16xi32>
        %shift_right_logical3A_499 = arith.constant 6 : i32
        %shift_right_logical3A_500 = vector.broadcast %shift_right_logical3A_499 : i32 to vector<16xi32>
        %shift_right_logical3A_501 = arith.shrui %xor3A_488, %shift_right_logical3A_500 : vector<16xi32>
        %or3A_502 = arith.ori %shift_left3A_498, %shift_right_logical3A_501 : vector<16xi32>
        %shift_left3A_503 = arith.constant 26 : i32
        %shift_left3A_504 = vector.broadcast %shift_left3A_503 : i32 to vector<16xi32>
        %shift_left3A_505 = arith.shli %xor3A_489, %shift_left3A_504 : vector<16xi32>
        %shift_right_logical3A_506 = arith.constant 6 : i32
        %shift_right_logical3A_507 = vector.broadcast %shift_right_logical3A_506 : i32 to vector<16xi32>
        %shift_right_logical3A_508 = arith.shrui %xor3A_489, %shift_right_logical3A_507 : vector<16xi32>
        %or3A_509 = arith.ori %shift_left3A_505, %shift_right_logical3A_508 : vector<16xi32>
        %shift_left3A_510 = arith.constant 26 : i32
        %shift_left3A_511 = vector.broadcast %shift_left3A_510 : i32 to vector<16xi32>
        %shift_left3A_512 = arith.shli %xor3A_490, %shift_left3A_511 : vector<16xi32>
        %shift_right_logical3A_513 = arith.constant 6 : i32
        %shift_right_logical3A_514 = vector.broadcast %shift_right_logical3A_513 : i32 to vector<16xi32>
        %shift_right_logical3A_515 = arith.shrui %xor3A_490, %shift_right_logical3A_514 : vector<16xi32>
        %or3A_516 = arith.ori %shift_left3A_512, %shift_right_logical3A_515 : vector<16xi32>
        %shift_left3A_517 = arith.constant 26 : i32
        %shift_left3A_518 = vector.broadcast %shift_left3A_517 : i32 to vector<16xi32>
        %shift_left3A_519 = arith.shli %xor3A_491, %shift_left3A_518 : vector<16xi32>
        %shift_right_logical3A_520 = arith.constant 6 : i32
        %shift_right_logical3A_521 = vector.broadcast %shift_right_logical3A_520 : i32 to vector<16xi32>
        %shift_right_logical3A_522 = arith.shrui %xor3A_491, %shift_right_logical3A_521 : vector<16xi32>
        %or3A_523 = arith.ori %shift_left3A_519, %shift_right_logical3A_522 : vector<16xi32>
        %xor3A_524 = arith.xori %add3A_492, %or3A_502 : vector<16xi32>
        %xor3A_525 = arith.xori %add3A_493, %or3A_509 : vector<16xi32>
        %xor3A_526 = arith.xori %add3A_494, %or3A_516 : vector<16xi32>
        %xor3A_527 = arith.xori %add3A_495, %or3A_523 : vector<16xi32>
        %add3A_528 = arith.addi %add3A_492, %xor3A_524 : vector<16xi32>
        %add3A_529 = arith.addi %add3A_493, %xor3A_525 : vector<16xi32>
        %add3A_530 = arith.addi %add3A_494, %xor3A_526 : vector<16xi32>
        %add3A_531 = arith.addi %add3A_495, %xor3A_527 : vector<16xi32>
        %shift_left3A_532 = arith.constant 6 : i32
        %shift_left3A_533 = vector.broadcast %shift_left3A_532 : i32 to vector<16xi32>
        %shift_left3A_534 = arith.shli %xor3A_524, %shift_left3A_533 : vector<16xi32>
        %shift_right_logical3A_535 = arith.constant 26 : i32
        %shift_right_logical3A_536 = vector.broadcast %shift_right_logical3A_535 : i32 to vector<16xi32>
        %shift_right_logical3A_537 = arith.shrui %xor3A_524, %shift_right_logical3A_536 : vector<16xi32>
        %or3A_538 = arith.ori %shift_left3A_534, %shift_right_logical3A_537 : vector<16xi32>
        %shift_left3A_539 = arith.constant 6 : i32
        %shift_left3A_540 = vector.broadcast %shift_left3A_539 : i32 to vector<16xi32>
        %shift_left3A_541 = arith.shli %xor3A_525, %shift_left3A_540 : vector<16xi32>
        %shift_right_logical3A_542 = arith.constant 26 : i32
        %shift_right_logical3A_543 = vector.broadcast %shift_right_logical3A_542 : i32 to vector<16xi32>
        %shift_right_logical3A_544 = arith.shrui %xor3A_525, %shift_right_logical3A_543 : vector<16xi32>
        %or3A_545 = arith.ori %shift_left3A_541, %shift_right_logical3A_544 : vector<16xi32>
        %shift_left3A_546 = arith.constant 6 : i32
        %shift_left3A_547 = vector.broadcast %shift_left3A_546 : i32 to vector<16xi32>
        %shift_left3A_548 = arith.shli %xor3A_526, %shift_left3A_547 : vector<16xi32>
        %shift_right_logical3A_549 = arith.constant 26 : i32
        %shift_right_logical3A_550 = vector.broadcast %shift_right_logical3A_549 : i32 to vector<16xi32>
        %shift_right_logical3A_551 = arith.shrui %xor3A_526, %shift_right_logical3A_550 : vector<16xi32>
        %or3A_552 = arith.ori %shift_left3A_548, %shift_right_logical3A_551 : vector<16xi32>
        %shift_left3A_553 = arith.constant 6 : i32
        %shift_left3A_554 = vector.broadcast %shift_left3A_553 : i32 to vector<16xi32>
        %shift_left3A_555 = arith.shli %xor3A_527, %shift_left3A_554 : vector<16xi32>
        %shift_right_logical3A_556 = arith.constant 26 : i32
        %shift_right_logical3A_557 = vector.broadcast %shift_right_logical3A_556 : i32 to vector<16xi32>
        %shift_right_logical3A_558 = arith.shrui %xor3A_527, %shift_right_logical3A_557 : vector<16xi32>
        %or3A_559 = arith.ori %shift_left3A_555, %shift_right_logical3A_558 : vector<16xi32>
        %xor3A_560 = arith.xori %add3A_528, %or3A_538 : vector<16xi32>
        %xor3A_561 = arith.xori %add3A_529, %or3A_545 : vector<16xi32>
        %xor3A_562 = arith.xori %add3A_530, %or3A_552 : vector<16xi32>
        %xor3A_563 = arith.xori %add3A_531, %or3A_559 : vector<16xi32>
        %add3A_564 = arith.constant 928981903 : i32
        %add3A_565 = vector.broadcast %add3A_564 : i32 to vector<16xi32>
        %add3A_566 = arith.addi %add3A_528, %add3A_565 : vector<16xi32>
        %add3A_567 = arith.constant 928981903 : i32
        %add3A_568 = vector.broadcast %add3A_567 : i32 to vector<16xi32>
        %add3A_569 = arith.addi %add3A_529, %add3A_568 : vector<16xi32>
        %add3A_570 = arith.constant 928981903 : i32
        %add3A_571 = vector.broadcast %add3A_570 : i32 to vector<16xi32>
        %add3A_572 = arith.addi %add3A_530, %add3A_571 : vector<16xi32>
        %add3A_573 = arith.constant 928981903 : i32
        %add3A_574 = vector.broadcast %add3A_573 : i32 to vector<16xi32>
        %add3A_575 = arith.addi %add3A_531, %add3A_574 : vector<16xi32>
        %add3A_576 = arith.constant -841280227 : i32
        %add3A_577 = vector.broadcast %add3A_576 : i32 to vector<16xi32>
        %add3A_578 = arith.addi %xor3A_560, %add3A_577 : vector<16xi32>
        %add3A_579 = arith.constant 3 : i32
        %add3A_580 = vector.broadcast %add3A_579 : i32 to vector<16xi32>
        %add3A_581 = arith.addi %add3A_578, %add3A_580 : vector<16xi32>
        %add3A_582 = arith.constant -841280227 : i32
        %add3A_583 = vector.broadcast %add3A_582 : i32 to vector<16xi32>
        %add3A_584 = arith.addi %xor3A_561, %add3A_583 : vector<16xi32>
        %add3A_585 = arith.constant 3 : i32
        %add3A_586 = vector.broadcast %add3A_585 : i32 to vector<16xi32>
        %add3A_587 = arith.addi %add3A_584, %add3A_586 : vector<16xi32>
        %add3A_588 = arith.constant -841280227 : i32
        %add3A_589 = vector.broadcast %add3A_588 : i32 to vector<16xi32>
        %add3A_590 = arith.addi %xor3A_562, %add3A_589 : vector<16xi32>
        %add3A_591 = arith.constant 3 : i32
        %add3A_592 = vector.broadcast %add3A_591 : i32 to vector<16xi32>
        %add3A_593 = arith.addi %add3A_590, %add3A_592 : vector<16xi32>
        %add3A_594 = arith.constant -841280227 : i32
        %add3A_595 = vector.broadcast %add3A_594 : i32 to vector<16xi32>
        %add3A_596 = arith.addi %xor3A_563, %add3A_595 : vector<16xi32>
        %add3A_597 = arith.constant 3 : i32
        %add3A_598 = vector.broadcast %add3A_597 : i32 to vector<16xi32>
        %add3A_599 = arith.addi %add3A_596, %add3A_598 : vector<16xi32>
        %add3A_600 = arith.addi %add3A_566, %add3A_581 : vector<16xi32>
        %add3A_601 = arith.addi %add3A_569, %add3A_587 : vector<16xi32>
        %add3A_602 = arith.addi %add3A_572, %add3A_593 : vector<16xi32>
        %add3A_603 = arith.addi %add3A_575, %add3A_599 : vector<16xi32>
        %shift_left3A_604 = arith.constant 17 : i32
        %shift_left3A_605 = vector.broadcast %shift_left3A_604 : i32 to vector<16xi32>
        %shift_left3A_606 = arith.shli %add3A_581, %shift_left3A_605 : vector<16xi32>
        %shift_right_logical3A_607 = arith.constant 15 : i32
        %shift_right_logical3A_608 = vector.broadcast %shift_right_logical3A_607 : i32 to vector<16xi32>
        %shift_right_logical3A_609 = arith.shrui %add3A_581, %shift_right_logical3A_608 : vector<16xi32>
        %or3A_610 = arith.ori %shift_left3A_606, %shift_right_logical3A_609 : vector<16xi32>
        %shift_left3A_611 = arith.constant 17 : i32
        %shift_left3A_612 = vector.broadcast %shift_left3A_611 : i32 to vector<16xi32>
        %shift_left3A_613 = arith.shli %add3A_587, %shift_left3A_612 : vector<16xi32>
        %shift_right_logical3A_614 = arith.constant 15 : i32
        %shift_right_logical3A_615 = vector.broadcast %shift_right_logical3A_614 : i32 to vector<16xi32>
        %shift_right_logical3A_616 = arith.shrui %add3A_587, %shift_right_logical3A_615 : vector<16xi32>
        %or3A_617 = arith.ori %shift_left3A_613, %shift_right_logical3A_616 : vector<16xi32>
        %shift_left3A_618 = arith.constant 17 : i32
        %shift_left3A_619 = vector.broadcast %shift_left3A_618 : i32 to vector<16xi32>
        %shift_left3A_620 = arith.shli %add3A_593, %shift_left3A_619 : vector<16xi32>
        %shift_right_logical3A_621 = arith.constant 15 : i32
        %shift_right_logical3A_622 = vector.broadcast %shift_right_logical3A_621 : i32 to vector<16xi32>
        %shift_right_logical3A_623 = arith.shrui %add3A_593, %shift_right_logical3A_622 : vector<16xi32>
        %or3A_624 = arith.ori %shift_left3A_620, %shift_right_logical3A_623 : vector<16xi32>
        %shift_left3A_625 = arith.constant 17 : i32
        %shift_left3A_626 = vector.broadcast %shift_left3A_625 : i32 to vector<16xi32>
        %shift_left3A_627 = arith.shli %add3A_599, %shift_left3A_626 : vector<16xi32>
        %shift_right_logical3A_628 = arith.constant 15 : i32
        %shift_right_logical3A_629 = vector.broadcast %shift_right_logical3A_628 : i32 to vector<16xi32>
        %shift_right_logical3A_630 = arith.shrui %add3A_599, %shift_right_logical3A_629 : vector<16xi32>
        %or3A_631 = arith.ori %shift_left3A_627, %shift_right_logical3A_630 : vector<16xi32>
        %xor3A_632 = arith.xori %add3A_600, %or3A_610 : vector<16xi32>
        %xor3A_633 = arith.xori %add3A_601, %or3A_617 : vector<16xi32>
        %xor3A_634 = arith.xori %add3A_602, %or3A_624 : vector<16xi32>
        %xor3A_635 = arith.xori %add3A_603, %or3A_631 : vector<16xi32>
        %add3A_636 = arith.addi %add3A_600, %xor3A_632 : vector<16xi32>
        %add3A_637 = arith.addi %add3A_601, %xor3A_633 : vector<16xi32>
        %add3A_638 = arith.addi %add3A_602, %xor3A_634 : vector<16xi32>
        %add3A_639 = arith.addi %add3A_603, %xor3A_635 : vector<16xi32>
        %shift_left3A_640 = arith.constant 29 : i32
        %shift_left3A_641 = vector.broadcast %shift_left3A_640 : i32 to vector<16xi32>
        %shift_left3A_642 = arith.shli %xor3A_632, %shift_left3A_641 : vector<16xi32>
        %shift_right_logical3A_643 = arith.constant 3 : i32
        %shift_right_logical3A_644 = vector.broadcast %shift_right_logical3A_643 : i32 to vector<16xi32>
        %shift_right_logical3A_645 = arith.shrui %xor3A_632, %shift_right_logical3A_644 : vector<16xi32>
        %or3A_646 = arith.ori %shift_left3A_642, %shift_right_logical3A_645 : vector<16xi32>
        %shift_left3A_647 = arith.constant 29 : i32
        %shift_left3A_648 = vector.broadcast %shift_left3A_647 : i32 to vector<16xi32>
        %shift_left3A_649 = arith.shli %xor3A_633, %shift_left3A_648 : vector<16xi32>
        %shift_right_logical3A_650 = arith.constant 3 : i32
        %shift_right_logical3A_651 = vector.broadcast %shift_right_logical3A_650 : i32 to vector<16xi32>
        %shift_right_logical3A_652 = arith.shrui %xor3A_633, %shift_right_logical3A_651 : vector<16xi32>
        %or3A_653 = arith.ori %shift_left3A_649, %shift_right_logical3A_652 : vector<16xi32>
        %shift_left3A_654 = arith.constant 29 : i32
        %shift_left3A_655 = vector.broadcast %shift_left3A_654 : i32 to vector<16xi32>
        %shift_left3A_656 = arith.shli %xor3A_634, %shift_left3A_655 : vector<16xi32>
        %shift_right_logical3A_657 = arith.constant 3 : i32
        %shift_right_logical3A_658 = vector.broadcast %shift_right_logical3A_657 : i32 to vector<16xi32>
        %shift_right_logical3A_659 = arith.shrui %xor3A_634, %shift_right_logical3A_658 : vector<16xi32>
        %or3A_660 = arith.ori %shift_left3A_656, %shift_right_logical3A_659 : vector<16xi32>
        %shift_left3A_661 = arith.constant 29 : i32
        %shift_left3A_662 = vector.broadcast %shift_left3A_661 : i32 to vector<16xi32>
        %shift_left3A_663 = arith.shli %xor3A_635, %shift_left3A_662 : vector<16xi32>
        %shift_right_logical3A_664 = arith.constant 3 : i32
        %shift_right_logical3A_665 = vector.broadcast %shift_right_logical3A_664 : i32 to vector<16xi32>
        %shift_right_logical3A_666 = arith.shrui %xor3A_635, %shift_right_logical3A_665 : vector<16xi32>
        %or3A_667 = arith.ori %shift_left3A_663, %shift_right_logical3A_666 : vector<16xi32>
        %xor3A_668 = arith.xori %add3A_636, %or3A_646 : vector<16xi32>
        %xor3A_669 = arith.xori %add3A_637, %or3A_653 : vector<16xi32>
        %xor3A_670 = arith.xori %add3A_638, %or3A_660 : vector<16xi32>
        %xor3A_671 = arith.xori %add3A_639, %or3A_667 : vector<16xi32>
        %add3A_672 = arith.addi %add3A_636, %xor3A_668 : vector<16xi32>
        %add3A_673 = arith.addi %add3A_637, %xor3A_669 : vector<16xi32>
        %add3A_674 = arith.addi %add3A_638, %xor3A_670 : vector<16xi32>
        %add3A_675 = arith.addi %add3A_639, %xor3A_671 : vector<16xi32>
        %shift_left3A_676 = arith.constant 16 : i32
        %shift_left3A_677 = vector.broadcast %shift_left3A_676 : i32 to vector<16xi32>
        %shift_left3A_678 = arith.shli %xor3A_668, %shift_left3A_677 : vector<16xi32>
        %shift_right_logical3A_679 = arith.constant 16 : i32
        %shift_right_logical3A_680 = vector.broadcast %shift_right_logical3A_679 : i32 to vector<16xi32>
        %shift_right_logical3A_681 = arith.shrui %xor3A_668, %shift_right_logical3A_680 : vector<16xi32>
        %or3A_682 = arith.ori %shift_left3A_678, %shift_right_logical3A_681 : vector<16xi32>
        %shift_left3A_683 = arith.constant 16 : i32
        %shift_left3A_684 = vector.broadcast %shift_left3A_683 : i32 to vector<16xi32>
        %shift_left3A_685 = arith.shli %xor3A_669, %shift_left3A_684 : vector<16xi32>
        %shift_right_logical3A_686 = arith.constant 16 : i32
        %shift_right_logical3A_687 = vector.broadcast %shift_right_logical3A_686 : i32 to vector<16xi32>
        %shift_right_logical3A_688 = arith.shrui %xor3A_669, %shift_right_logical3A_687 : vector<16xi32>
        %or3A_689 = arith.ori %shift_left3A_685, %shift_right_logical3A_688 : vector<16xi32>
        %shift_left3A_690 = arith.constant 16 : i32
        %shift_left3A_691 = vector.broadcast %shift_left3A_690 : i32 to vector<16xi32>
        %shift_left3A_692 = arith.shli %xor3A_670, %shift_left3A_691 : vector<16xi32>
        %shift_right_logical3A_693 = arith.constant 16 : i32
        %shift_right_logical3A_694 = vector.broadcast %shift_right_logical3A_693 : i32 to vector<16xi32>
        %shift_right_logical3A_695 = arith.shrui %xor3A_670, %shift_right_logical3A_694 : vector<16xi32>
        %or3A_696 = arith.ori %shift_left3A_692, %shift_right_logical3A_695 : vector<16xi32>
        %shift_left3A_697 = arith.constant 16 : i32
        %shift_left3A_698 = vector.broadcast %shift_left3A_697 : i32 to vector<16xi32>
        %shift_left3A_699 = arith.shli %xor3A_671, %shift_left3A_698 : vector<16xi32>
        %shift_right_logical3A_700 = arith.constant 16 : i32
        %shift_right_logical3A_701 = vector.broadcast %shift_right_logical3A_700 : i32 to vector<16xi32>
        %shift_right_logical3A_702 = arith.shrui %xor3A_671, %shift_right_logical3A_701 : vector<16xi32>
        %or3A_703 = arith.ori %shift_left3A_699, %shift_right_logical3A_702 : vector<16xi32>
        %xor3A_704 = arith.xori %add3A_672, %or3A_682 : vector<16xi32>
        %xor3A_705 = arith.xori %add3A_673, %or3A_689 : vector<16xi32>
        %xor3A_706 = arith.xori %add3A_674, %or3A_696 : vector<16xi32>
        %xor3A_707 = arith.xori %add3A_675, %or3A_703 : vector<16xi32>
        %add3A_708 = arith.addi %add3A_672, %xor3A_704 : vector<16xi32>
        %add3A_709 = arith.addi %add3A_673, %xor3A_705 : vector<16xi32>
        %add3A_710 = arith.addi %add3A_674, %xor3A_706 : vector<16xi32>
        %add3A_711 = arith.addi %add3A_675, %xor3A_707 : vector<16xi32>
        %shift_left3A_712 = arith.constant 24 : i32
        %shift_left3A_713 = vector.broadcast %shift_left3A_712 : i32 to vector<16xi32>
        %shift_left3A_714 = arith.shli %xor3A_704, %shift_left3A_713 : vector<16xi32>
        %shift_right_logical3A_715 = arith.constant 8 : i32
        %shift_right_logical3A_716 = vector.broadcast %shift_right_logical3A_715 : i32 to vector<16xi32>
        %shift_right_logical3A_717 = arith.shrui %xor3A_704, %shift_right_logical3A_716 : vector<16xi32>
        %or3A_718 = arith.ori %shift_left3A_714, %shift_right_logical3A_717 : vector<16xi32>
        %shift_left3A_719 = arith.constant 24 : i32
        %shift_left3A_720 = vector.broadcast %shift_left3A_719 : i32 to vector<16xi32>
        %shift_left3A_721 = arith.shli %xor3A_705, %shift_left3A_720 : vector<16xi32>
        %shift_right_logical3A_722 = arith.constant 8 : i32
        %shift_right_logical3A_723 = vector.broadcast %shift_right_logical3A_722 : i32 to vector<16xi32>
        %shift_right_logical3A_724 = arith.shrui %xor3A_705, %shift_right_logical3A_723 : vector<16xi32>
        %or3A_725 = arith.ori %shift_left3A_721, %shift_right_logical3A_724 : vector<16xi32>
        %shift_left3A_726 = arith.constant 24 : i32
        %shift_left3A_727 = vector.broadcast %shift_left3A_726 : i32 to vector<16xi32>
        %shift_left3A_728 = arith.shli %xor3A_706, %shift_left3A_727 : vector<16xi32>
        %shift_right_logical3A_729 = arith.constant 8 : i32
        %shift_right_logical3A_730 = vector.broadcast %shift_right_logical3A_729 : i32 to vector<16xi32>
        %shift_right_logical3A_731 = arith.shrui %xor3A_706, %shift_right_logical3A_730 : vector<16xi32>
        %or3A_732 = arith.ori %shift_left3A_728, %shift_right_logical3A_731 : vector<16xi32>
        %shift_left3A_733 = arith.constant 24 : i32
        %shift_left3A_734 = vector.broadcast %shift_left3A_733 : i32 to vector<16xi32>
        %shift_left3A_735 = arith.shli %xor3A_707, %shift_left3A_734 : vector<16xi32>
        %shift_right_logical3A_736 = arith.constant 8 : i32
        %shift_right_logical3A_737 = vector.broadcast %shift_right_logical3A_736 : i32 to vector<16xi32>
        %shift_right_logical3A_738 = arith.shrui %xor3A_707, %shift_right_logical3A_737 : vector<16xi32>
        %or3A_739 = arith.ori %shift_left3A_735, %shift_right_logical3A_738 : vector<16xi32>
        %xor3A_740 = arith.xori %add3A_708, %or3A_718 : vector<16xi32>
        %xor3A_741 = arith.xori %add3A_709, %or3A_725 : vector<16xi32>
        %xor3A_742 = arith.xori %add3A_710, %or3A_732 : vector<16xi32>
        %xor3A_743 = arith.xori %add3A_711, %or3A_739 : vector<16xi32>
        %add3A_744 = arith.constant -841280227 : i32
        %add3A_745 = vector.broadcast %add3A_744 : i32 to vector<16xi32>
        %add3A_746 = arith.addi %add3A_708, %add3A_745 : vector<16xi32>
        %add3A_747 = arith.constant -841280227 : i32
        %add3A_748 = vector.broadcast %add3A_747 : i32 to vector<16xi32>
        %add3A_749 = arith.addi %add3A_709, %add3A_748 : vector<16xi32>
        %add3A_750 = arith.constant -841280227 : i32
        %add3A_751 = vector.broadcast %add3A_750 : i32 to vector<16xi32>
        %add3A_752 = arith.addi %add3A_710, %add3A_751 : vector<16xi32>
        %add3A_753 = arith.constant -841280227 : i32
        %add3A_754 = vector.broadcast %add3A_753 : i32 to vector<16xi32>
        %add3A_755 = arith.addi %add3A_711, %add3A_754 : vector<16xi32>
        %add3A_756 = arith.constant -514511544 : i32
        %add3A_757 = vector.broadcast %add3A_756 : i32 to vector<16xi32>
        %add3A_758 = arith.addi %xor3A_740, %add3A_757 : vector<16xi32>
        %add3A_759 = arith.constant 4 : i32
        %add3A_760 = vector.broadcast %add3A_759 : i32 to vector<16xi32>
        %add3A_761 = arith.addi %add3A_758, %add3A_760 : vector<16xi32>
        %add3A_762 = arith.constant -514511544 : i32
        %add3A_763 = vector.broadcast %add3A_762 : i32 to vector<16xi32>
        %add3A_764 = arith.addi %xor3A_741, %add3A_763 : vector<16xi32>
        %add3A_765 = arith.constant 4 : i32
        %add3A_766 = vector.broadcast %add3A_765 : i32 to vector<16xi32>
        %add3A_767 = arith.addi %add3A_764, %add3A_766 : vector<16xi32>
        %add3A_768 = arith.constant -514511544 : i32
        %add3A_769 = vector.broadcast %add3A_768 : i32 to vector<16xi32>
        %add3A_770 = arith.addi %xor3A_742, %add3A_769 : vector<16xi32>
        %add3A_771 = arith.constant 4 : i32
        %add3A_772 = vector.broadcast %add3A_771 : i32 to vector<16xi32>
        %add3A_773 = arith.addi %add3A_770, %add3A_772 : vector<16xi32>
        %add3A_774 = arith.constant -514511544 : i32
        %add3A_775 = vector.broadcast %add3A_774 : i32 to vector<16xi32>
        %add3A_776 = arith.addi %xor3A_743, %add3A_775 : vector<16xi32>
        %add3A_777 = arith.constant 4 : i32
        %add3A_778 = vector.broadcast %add3A_777 : i32 to vector<16xi32>
        %add3A_779 = arith.addi %add3A_776, %add3A_778 : vector<16xi32>
        %add3A_780 = arith.addi %add3A_746, %add3A_761 : vector<16xi32>
        %add3A_781 = arith.addi %add3A_749, %add3A_767 : vector<16xi32>
        %add3A_782 = arith.addi %add3A_752, %add3A_773 : vector<16xi32>
        %add3A_783 = arith.addi %add3A_755, %add3A_779 : vector<16xi32>
        %shift_left3A_784 = arith.constant 13 : i32
        %shift_left3A_785 = vector.broadcast %shift_left3A_784 : i32 to vector<16xi32>
        %shift_left3A_786 = arith.shli %add3A_761, %shift_left3A_785 : vector<16xi32>
        %shift_right_logical3A_787 = arith.constant 19 : i32
        %shift_right_logical3A_788 = vector.broadcast %shift_right_logical3A_787 : i32 to vector<16xi32>
        %shift_right_logical3A_789 = arith.shrui %add3A_761, %shift_right_logical3A_788 : vector<16xi32>
        %or3A_790 = arith.ori %shift_left3A_786, %shift_right_logical3A_789 : vector<16xi32>
        %shift_left3A_791 = arith.constant 13 : i32
        %shift_left3A_792 = vector.broadcast %shift_left3A_791 : i32 to vector<16xi32>
        %shift_left3A_793 = arith.shli %add3A_767, %shift_left3A_792 : vector<16xi32>
        %shift_right_logical3A_794 = arith.constant 19 : i32
        %shift_right_logical3A_795 = vector.broadcast %shift_right_logical3A_794 : i32 to vector<16xi32>
        %shift_right_logical3A_796 = arith.shrui %add3A_767, %shift_right_logical3A_795 : vector<16xi32>
        %or3A_797 = arith.ori %shift_left3A_793, %shift_right_logical3A_796 : vector<16xi32>
        %shift_left3A_798 = arith.constant 13 : i32
        %shift_left3A_799 = vector.broadcast %shift_left3A_798 : i32 to vector<16xi32>
        %shift_left3A_800 = arith.shli %add3A_773, %shift_left3A_799 : vector<16xi32>
        %shift_right_logical3A_801 = arith.constant 19 : i32
        %shift_right_logical3A_802 = vector.broadcast %shift_right_logical3A_801 : i32 to vector<16xi32>
        %shift_right_logical3A_803 = arith.shrui %add3A_773, %shift_right_logical3A_802 : vector<16xi32>
        %or3A_804 = arith.ori %shift_left3A_800, %shift_right_logical3A_803 : vector<16xi32>
        %shift_left3A_805 = arith.constant 13 : i32
        %shift_left3A_806 = vector.broadcast %shift_left3A_805 : i32 to vector<16xi32>
        %shift_left3A_807 = arith.shli %add3A_779, %shift_left3A_806 : vector<16xi32>
        %shift_right_logical3A_808 = arith.constant 19 : i32
        %shift_right_logical3A_809 = vector.broadcast %shift_right_logical3A_808 : i32 to vector<16xi32>
        %shift_right_logical3A_810 = arith.shrui %add3A_779, %shift_right_logical3A_809 : vector<16xi32>
        %or3A_811 = arith.ori %shift_left3A_807, %shift_right_logical3A_810 : vector<16xi32>
        %xor3A_812 = arith.xori %add3A_780, %or3A_790 : vector<16xi32>
        %xor3A_813 = arith.xori %add3A_781, %or3A_797 : vector<16xi32>
        %xor3A_814 = arith.xori %add3A_782, %or3A_804 : vector<16xi32>
        %xor3A_815 = arith.xori %add3A_783, %or3A_811 : vector<16xi32>
        %add3A_816 = arith.addi %add3A_780, %xor3A_812 : vector<16xi32>
        %add3A_817 = arith.addi %add3A_781, %xor3A_813 : vector<16xi32>
        %add3A_818 = arith.addi %add3A_782, %xor3A_814 : vector<16xi32>
        %add3A_819 = arith.addi %add3A_783, %xor3A_815 : vector<16xi32>
        %shift_left3A_820 = arith.constant 15 : i32
        %shift_left3A_821 = vector.broadcast %shift_left3A_820 : i32 to vector<16xi32>
        %shift_left3A_822 = arith.shli %xor3A_812, %shift_left3A_821 : vector<16xi32>
        %shift_right_logical3A_823 = arith.constant 17 : i32
        %shift_right_logical3A_824 = vector.broadcast %shift_right_logical3A_823 : i32 to vector<16xi32>
        %shift_right_logical3A_825 = arith.shrui %xor3A_812, %shift_right_logical3A_824 : vector<16xi32>
        %or3A_826 = arith.ori %shift_left3A_822, %shift_right_logical3A_825 : vector<16xi32>
        %shift_left3A_827 = arith.constant 15 : i32
        %shift_left3A_828 = vector.broadcast %shift_left3A_827 : i32 to vector<16xi32>
        %shift_left3A_829 = arith.shli %xor3A_813, %shift_left3A_828 : vector<16xi32>
        %shift_right_logical3A_830 = arith.constant 17 : i32
        %shift_right_logical3A_831 = vector.broadcast %shift_right_logical3A_830 : i32 to vector<16xi32>
        %shift_right_logical3A_832 = arith.shrui %xor3A_813, %shift_right_logical3A_831 : vector<16xi32>
        %or3A_833 = arith.ori %shift_left3A_829, %shift_right_logical3A_832 : vector<16xi32>
        %shift_left3A_834 = arith.constant 15 : i32
        %shift_left3A_835 = vector.broadcast %shift_left3A_834 : i32 to vector<16xi32>
        %shift_left3A_836 = arith.shli %xor3A_814, %shift_left3A_835 : vector<16xi32>
        %shift_right_logical3A_837 = arith.constant 17 : i32
        %shift_right_logical3A_838 = vector.broadcast %shift_right_logical3A_837 : i32 to vector<16xi32>
        %shift_right_logical3A_839 = arith.shrui %xor3A_814, %shift_right_logical3A_838 : vector<16xi32>
        %or3A_840 = arith.ori %shift_left3A_836, %shift_right_logical3A_839 : vector<16xi32>
        %shift_left3A_841 = arith.constant 15 : i32
        %shift_left3A_842 = vector.broadcast %shift_left3A_841 : i32 to vector<16xi32>
        %shift_left3A_843 = arith.shli %xor3A_815, %shift_left3A_842 : vector<16xi32>
        %shift_right_logical3A_844 = arith.constant 17 : i32
        %shift_right_logical3A_845 = vector.broadcast %shift_right_logical3A_844 : i32 to vector<16xi32>
        %shift_right_logical3A_846 = arith.shrui %xor3A_815, %shift_right_logical3A_845 : vector<16xi32>
        %or3A_847 = arith.ori %shift_left3A_843, %shift_right_logical3A_846 : vector<16xi32>
        %xor3A_848 = arith.xori %add3A_816, %or3A_826 : vector<16xi32>
        %xor3A_849 = arith.xori %add3A_817, %or3A_833 : vector<16xi32>
        %xor3A_850 = arith.xori %add3A_818, %or3A_840 : vector<16xi32>
        %xor3A_851 = arith.xori %add3A_819, %or3A_847 : vector<16xi32>
        %add3A_852 = arith.addi %add3A_816, %xor3A_848 : vector<16xi32>
        %add3A_853 = arith.addi %add3A_817, %xor3A_849 : vector<16xi32>
        %add3A_854 = arith.addi %add3A_818, %xor3A_850 : vector<16xi32>
        %add3A_855 = arith.addi %add3A_819, %xor3A_851 : vector<16xi32>
        %shift_left3A_856 = arith.constant 26 : i32
        %shift_left3A_857 = vector.broadcast %shift_left3A_856 : i32 to vector<16xi32>
        %shift_left3A_858 = arith.shli %xor3A_848, %shift_left3A_857 : vector<16xi32>
        %shift_right_logical3A_859 = arith.constant 6 : i32
        %shift_right_logical3A_860 = vector.broadcast %shift_right_logical3A_859 : i32 to vector<16xi32>
        %shift_right_logical3A_861 = arith.shrui %xor3A_848, %shift_right_logical3A_860 : vector<16xi32>
        %or3A_862 = arith.ori %shift_left3A_858, %shift_right_logical3A_861 : vector<16xi32>
        %shift_left3A_863 = arith.constant 26 : i32
        %shift_left3A_864 = vector.broadcast %shift_left3A_863 : i32 to vector<16xi32>
        %shift_left3A_865 = arith.shli %xor3A_849, %shift_left3A_864 : vector<16xi32>
        %shift_right_logical3A_866 = arith.constant 6 : i32
        %shift_right_logical3A_867 = vector.broadcast %shift_right_logical3A_866 : i32 to vector<16xi32>
        %shift_right_logical3A_868 = arith.shrui %xor3A_849, %shift_right_logical3A_867 : vector<16xi32>
        %or3A_869 = arith.ori %shift_left3A_865, %shift_right_logical3A_868 : vector<16xi32>
        %shift_left3A_870 = arith.constant 26 : i32
        %shift_left3A_871 = vector.broadcast %shift_left3A_870 : i32 to vector<16xi32>
        %shift_left3A_872 = arith.shli %xor3A_850, %shift_left3A_871 : vector<16xi32>
        %shift_right_logical3A_873 = arith.constant 6 : i32
        %shift_right_logical3A_874 = vector.broadcast %shift_right_logical3A_873 : i32 to vector<16xi32>
        %shift_right_logical3A_875 = arith.shrui %xor3A_850, %shift_right_logical3A_874 : vector<16xi32>
        %or3A_876 = arith.ori %shift_left3A_872, %shift_right_logical3A_875 : vector<16xi32>
        %shift_left3A_877 = arith.constant 26 : i32
        %shift_left3A_878 = vector.broadcast %shift_left3A_877 : i32 to vector<16xi32>
        %shift_left3A_879 = arith.shli %xor3A_851, %shift_left3A_878 : vector<16xi32>
        %shift_right_logical3A_880 = arith.constant 6 : i32
        %shift_right_logical3A_881 = vector.broadcast %shift_right_logical3A_880 : i32 to vector<16xi32>
        %shift_right_logical3A_882 = arith.shrui %xor3A_851, %shift_right_logical3A_881 : vector<16xi32>
        %or3A_883 = arith.ori %shift_left3A_879, %shift_right_logical3A_882 : vector<16xi32>
        %xor3A_884 = arith.xori %add3A_852, %or3A_862 : vector<16xi32>
        %xor3A_885 = arith.xori %add3A_853, %or3A_869 : vector<16xi32>
        %xor3A_886 = arith.xori %add3A_854, %or3A_876 : vector<16xi32>
        %xor3A_887 = arith.xori %add3A_855, %or3A_883 : vector<16xi32>
        %add3A_888 = arith.addi %add3A_852, %xor3A_884 : vector<16xi32>
        %add3A_889 = arith.addi %add3A_853, %xor3A_885 : vector<16xi32>
        %add3A_890 = arith.addi %add3A_854, %xor3A_886 : vector<16xi32>
        %add3A_891 = arith.addi %add3A_855, %xor3A_887 : vector<16xi32>
        %shift_left3A_892 = arith.constant 6 : i32
        %shift_left3A_893 = vector.broadcast %shift_left3A_892 : i32 to vector<16xi32>
        %shift_left3A_894 = arith.shli %xor3A_884, %shift_left3A_893 : vector<16xi32>
        %shift_right_logical3A_895 = arith.constant 26 : i32
        %shift_right_logical3A_896 = vector.broadcast %shift_right_logical3A_895 : i32 to vector<16xi32>
        %shift_right_logical3A_897 = arith.shrui %xor3A_884, %shift_right_logical3A_896 : vector<16xi32>
        %or3A_898 = arith.ori %shift_left3A_894, %shift_right_logical3A_897 : vector<16xi32>
        %shift_left3A_899 = arith.constant 6 : i32
        %shift_left3A_900 = vector.broadcast %shift_left3A_899 : i32 to vector<16xi32>
        %shift_left3A_901 = arith.shli %xor3A_885, %shift_left3A_900 : vector<16xi32>
        %shift_right_logical3A_902 = arith.constant 26 : i32
        %shift_right_logical3A_903 = vector.broadcast %shift_right_logical3A_902 : i32 to vector<16xi32>
        %shift_right_logical3A_904 = arith.shrui %xor3A_885, %shift_right_logical3A_903 : vector<16xi32>
        %or3A_905 = arith.ori %shift_left3A_901, %shift_right_logical3A_904 : vector<16xi32>
        %shift_left3A_906 = arith.constant 6 : i32
        %shift_left3A_907 = vector.broadcast %shift_left3A_906 : i32 to vector<16xi32>
        %shift_left3A_908 = arith.shli %xor3A_886, %shift_left3A_907 : vector<16xi32>
        %shift_right_logical3A_909 = arith.constant 26 : i32
        %shift_right_logical3A_910 = vector.broadcast %shift_right_logical3A_909 : i32 to vector<16xi32>
        %shift_right_logical3A_911 = arith.shrui %xor3A_886, %shift_right_logical3A_910 : vector<16xi32>
        %or3A_912 = arith.ori %shift_left3A_908, %shift_right_logical3A_911 : vector<16xi32>
        %shift_left3A_913 = arith.constant 6 : i32
        %shift_left3A_914 = vector.broadcast %shift_left3A_913 : i32 to vector<16xi32>
        %shift_left3A_915 = arith.shli %xor3A_887, %shift_left3A_914 : vector<16xi32>
        %shift_right_logical3A_916 = arith.constant 26 : i32
        %shift_right_logical3A_917 = vector.broadcast %shift_right_logical3A_916 : i32 to vector<16xi32>
        %shift_right_logical3A_918 = arith.shrui %xor3A_887, %shift_right_logical3A_917 : vector<16xi32>
        %or3A_919 = arith.ori %shift_left3A_915, %shift_right_logical3A_918 : vector<16xi32>
        %xor3A_920 = arith.xori %add3A_888, %or3A_898 : vector<16xi32>
        %xor3A_921 = arith.xori %add3A_889, %or3A_905 : vector<16xi32>
        %xor3A_922 = arith.xori %add3A_890, %or3A_912 : vector<16xi32>
        %xor3A_923 = arith.xori %add3A_891, %or3A_919 : vector<16xi32>
        %add3A_924 = arith.constant -514511544 : i32
        %add3A_925 = vector.broadcast %add3A_924 : i32 to vector<16xi32>
        %add3A_926 = arith.addi %add3A_888, %add3A_925 : vector<16xi32>
        %add3A_927 = arith.constant -514511544 : i32
        %add3A_928 = vector.broadcast %add3A_927 : i32 to vector<16xi32>
        %add3A_929 = arith.addi %add3A_889, %add3A_928 : vector<16xi32>
        %add3A_930 = arith.constant -514511544 : i32
        %add3A_931 = vector.broadcast %add3A_930 : i32 to vector<16xi32>
        %add3A_932 = arith.addi %add3A_890, %add3A_931 : vector<16xi32>
        %add3A_933 = arith.constant -514511544 : i32
        %add3A_934 = vector.broadcast %add3A_933 : i32 to vector<16xi32>
        %add3A_935 = arith.addi %add3A_891, %add3A_934 : vector<16xi32>
        %add3A_936 = arith.constant 928981903 : i32
        %add3A_937 = vector.broadcast %add3A_936 : i32 to vector<16xi32>
        %add3A_938 = arith.addi %xor3A_920, %add3A_937 : vector<16xi32>
        %add3A_939 = arith.constant 5 : i32
        %add3A_940 = vector.broadcast %add3A_939 : i32 to vector<16xi32>
        %add3A_941 = arith.addi %add3A_938, %add3A_940 : vector<16xi32>
        %add3A_942 = arith.constant 928981903 : i32
        %add3A_943 = vector.broadcast %add3A_942 : i32 to vector<16xi32>
        %add3A_944 = arith.addi %xor3A_921, %add3A_943 : vector<16xi32>
        %add3A_945 = arith.constant 5 : i32
        %add3A_946 = vector.broadcast %add3A_945 : i32 to vector<16xi32>
        %add3A_947 = arith.addi %add3A_944, %add3A_946 : vector<16xi32>
        %add3A_948 = arith.constant 928981903 : i32
        %add3A_949 = vector.broadcast %add3A_948 : i32 to vector<16xi32>
        %add3A_950 = arith.addi %xor3A_922, %add3A_949 : vector<16xi32>
        %add3A_951 = arith.constant 5 : i32
        %add3A_952 = vector.broadcast %add3A_951 : i32 to vector<16xi32>
        %add3A_953 = arith.addi %add3A_950, %add3A_952 : vector<16xi32>
        %add3A_954 = arith.constant 928981903 : i32
        %add3A_955 = vector.broadcast %add3A_954 : i32 to vector<16xi32>
        %add3A_956 = arith.addi %xor3A_923, %add3A_955 : vector<16xi32>
        %add3A_957 = arith.constant 5 : i32
        %add3A_958 = vector.broadcast %add3A_957 : i32 to vector<16xi32>
        %add3A_959 = arith.addi %add3A_956, %add3A_958 : vector<16xi32>
        %xor3A_960 = arith.xori %add3A_926, %add3A_941 : vector<16xi32>
        %shift_right_logical3A_961 = arith.constant 9 : i32
        %shift_right_logical3A_962 = vector.broadcast %shift_right_logical3A_961 : i32 to vector<16xi32>
        %shift_right_logical3A_963 = arith.shrui %xor3A_960, %shift_right_logical3A_962 : vector<16xi32>
        %or3A_964 = arith.constant 1065353216 : i32
        %or3A_965 = vector.broadcast %or3A_964 : i32 to vector<16xi32>
        %or3A_966 = arith.ori %shift_right_logical3A_963, %or3A_965 : vector<16xi32>
        %bitcast_convert_type3A = tpu.bitcast %or3A_966 : vector<16xi32> -> vector<16xf32>
        %sub3A = arith.constant 1.000000e+00 : f32
        %sub3A_967 = vector.broadcast %sub3A : f32 to vector<16xf32>
        %sub3A_968 = arith.subf %bitcast_convert_type3A, %sub3A_967 : vector<16xf32>
        %mul3A_969 = arith.constant 2.000000e+00 : f32
        %mul3A_970 = vector.broadcast %mul3A_969 : f32 to vector<16xf32>
        %mul3A_971 = arith.mulf %sub3A_968, %mul3A_970 : vector<16xf32>
        %add3A_972 = arith.constant -0.99999994 : f32
        %add3A_973 = vector.broadcast %add3A_972 : f32 to vector<16xf32>
        %add3A_974 = arith.addf %mul3A_971, %add3A_973 : vector<16xf32>
        %max3A = arith.constant -0.99999994 : f32
        %max3A_975 = vector.broadcast %max3A : f32 to vector<16xf32>
        %max3A_976 = arith.maximumf %max3A_975, %add3A_974 : vector<16xf32>
        %xor3A_977 = arith.xori %add3A_929, %add3A_947 : vector<16xi32>
        %shift_right_logical3A_978 = arith.constant 9 : i32
        %shift_right_logical3A_979 = vector.broadcast %shift_right_logical3A_978 : i32 to vector<16xi32>
        %shift_right_logical3A_980 = arith.shrui %xor3A_977, %shift_right_logical3A_979 : vector<16xi32>
        %or3A_981 = arith.constant 1065353216 : i32
        %or3A_982 = vector.broadcast %or3A_981 : i32 to vector<16xi32>
        %or3A_983 = arith.ori %shift_right_logical3A_980, %or3A_982 : vector<16xi32>
        %bitcast_convert_type3A_984 = tpu.bitcast %or3A_983 : vector<16xi32> -> vector<16xf32>
        %sub3A_985 = arith.constant 1.000000e+00 : f32
        %sub3A_986 = vector.broadcast %sub3A_985 : f32 to vector<16xf32>
        %sub3A_987 = arith.subf %bitcast_convert_type3A_984, %sub3A_986 : vector<16xf32>
        %mul3A_988 = arith.constant 2.000000e+00 : f32
        %mul3A_989 = vector.broadcast %mul3A_988 : f32 to vector<16xf32>
        %mul3A_990 = arith.mulf %sub3A_987, %mul3A_989 : vector<16xf32>
        %add3A_991 = arith.constant -0.99999994 : f32
        %add3A_992 = vector.broadcast %add3A_991 : f32 to vector<16xf32>
        %add3A_993 = arith.addf %mul3A_990, %add3A_992 : vector<16xf32>
        %max3A_994 = arith.constant -0.99999994 : f32
        %max3A_995 = vector.broadcast %max3A_994 : f32 to vector<16xf32>
        %max3A_996 = arith.maximumf %max3A_995, %add3A_993 : vector<16xf32>
        %xor3A_997 = arith.xori %add3A_932, %add3A_953 : vector<16xi32>
        %shift_right_logical3A_998 = arith.constant 9 : i32
        %shift_right_logical3A_999 = vector.broadcast %shift_right_logical3A_998 : i32 to vector<16xi32>
        %shift_right_logical3A_1000 = arith.shrui %xor3A_997, %shift_right_logical3A_999 : vector<16xi32>
        %or3A_1001 = arith.constant 1065353216 : i32
        %or3A_1002 = vector.broadcast %or3A_1001 : i32 to vector<16xi32>
        %or3A_1003 = arith.ori %shift_right_logical3A_1000, %or3A_1002 : vector<16xi32>
        %bitcast_convert_type3A_1004 = tpu.bitcast %or3A_1003 : vector<16xi32> -> vector<16xf32>
        %sub3A_1005 = arith.constant 1.000000e+00 : f32
        %sub3A_1006 = vector.broadcast %sub3A_1005 : f32 to vector<16xf32>
        %sub3A_1007 = arith.subf %bitcast_convert_type3A_1004, %sub3A_1006 : vector<16xf32>
        %mul3A_1008 = arith.constant 2.000000e+00 : f32
        %mul3A_1009 = vector.broadcast %mul3A_1008 : f32 to vector<16xf32>
        %mul3A_1010 = arith.mulf %sub3A_1007, %mul3A_1009 : vector<16xf32>
        %add3A_1011 = arith.constant -0.99999994 : f32
        %add3A_1012 = vector.broadcast %add3A_1011 : f32 to vector<16xf32>
        %add3A_1013 = arith.addf %mul3A_1010, %add3A_1012 : vector<16xf32>
        %max3A_1014 = arith.constant -0.99999994 : f32
        %max3A_1015 = vector.broadcast %max3A_1014 : f32 to vector<16xf32>
        %max3A_1016 = arith.maximumf %max3A_1015, %add3A_1013 : vector<16xf32>
        %xor3A_1017 = arith.xori %add3A_935, %add3A_959 : vector<16xi32>
        %shift_right_logical3A_1018 = arith.constant 9 : i32
        %shift_right_logical3A_1019 = vector.broadcast %shift_right_logical3A_1018 : i32 to vector<16xi32>
        %shift_right_logical3A_1020 = arith.shrui %xor3A_1017, %shift_right_logical3A_1019 : vector<16xi32>
        %or3A_1021 = arith.constant 1065353216 : i32
        %or3A_1022 = vector.broadcast %or3A_1021 : i32 to vector<16xi32>
        %or3A_1023 = arith.ori %shift_right_logical3A_1020, %or3A_1022 : vector<16xi32>
        %bitcast_convert_type3A_1024 = tpu.bitcast %or3A_1023 : vector<16xi32> -> vector<16xf32>
        %sub3A_1025 = arith.constant 1.000000e+00 : f32
        %sub3A_1026 = vector.broadcast %sub3A_1025 : f32 to vector<16xf32>
        %sub3A_1027 = arith.subf %bitcast_convert_type3A_1024, %sub3A_1026 : vector<16xf32>
        %mul3A_1028 = arith.constant 2.000000e+00 : f32
        %mul3A_1029 = vector.broadcast %mul3A_1028 : f32 to vector<16xf32>
        %mul3A_1030 = arith.mulf %sub3A_1027, %mul3A_1029 : vector<16xf32>
        %add3A_1031 = arith.constant -0.99999994 : f32
        %add3A_1032 = vector.broadcast %add3A_1031 : f32 to vector<16xf32>
        %add3A_1033 = arith.addf %mul3A_1030, %add3A_1032 : vector<16xf32>
        %max3A_1034 = arith.constant -0.99999994 : f32
        %max3A_1035 = vector.broadcast %max3A_1034 : f32 to vector<16xf32>
        %max3A_1036 = arith.maximumf %max3A_1035, %add3A_1033 : vector<16xf32>
        %jit3A = arith.constant 32 : i32
        %div3A = arith.divsi %scan3A_25, %jit3A : i32
        %sign3A = arith.constant 0 : i32
        %sign3A_1037 = arith.cmpi sgt, %scan3A_25, %sign3A : i32
        %sign3A_1038 = arith.extui %sign3A_1037 : i1 to i32
        %sign3A_1039 = arith.constant 0 : i32
        %sign3A_1040 = arith.cmpi slt, %scan3A_25, %sign3A_1039 : i32
        %sign3A_1041 = arith.extui %sign3A_1040 : i1 to i32
        %sign3A_1042 = arith.subi %sign3A_1038, %sign3A_1041 : i32
        %sign3A_1043 = arith.constant 0 : i32
        %sign3A_1044 = arith.cmpi sgt, %jit3A, %sign3A_1043 : i32
        %sign3A_1045 = arith.extui %sign3A_1044 : i1 to i32
        %sign3A_1046 = arith.constant 0 : i32
        %sign3A_1047 = arith.cmpi slt, %jit3A, %sign3A_1046 : i32
        %sign3A_1048 = arith.extui %sign3A_1047 : i1 to i32
        %sign3A_1049 = arith.subi %sign3A_1045, %sign3A_1048 : i32
        %ne3A = arith.cmpi ne, %sign3A_1042, %sign3A_1049 : i32
        %rem3A = arith.remsi %scan3A_25, %jit3A : i32
        %ne3A_1050 = arith.constant 0 : i32
        %ne3A_1051 = arith.cmpi ne, %rem3A, %ne3A_1050 : i32
        %and3A = arith.andi %ne3A, %ne3A_1051 : i1
        %sub3A_1052 = arith.constant 1 : i32
        %sub3A_1053 = arith.subi %div3A, %sub3A_1052 : i32
        %select_n3A = arith.select %and3A, %sub3A_1053, %div3A : i32
        %jit3A_1054 = arith.constant 32 : i32
        %eq3A = arith.constant 0 : i32
        %eq3A_1055 = arith.cmpi eq, %jit3A_1054, %eq3A : i32
        %jit3A_1056 = arith.constant 1 : i32
        %select_n3A_1057 = arith.select %eq3A_1055, %jit3A_1056, %jit3A_1054 : i32
        %rem3A_1058 = arith.remsi %scan3A_25, %select_n3A_1057 : i32
        %ne3A_1059 = arith.constant 0 : i32
        %ne3A_1060 = arith.cmpi ne, %rem3A_1058, %ne3A_1059 : i32
        %lt3A = arith.constant 0 : i32
        %lt3A_1061 = arith.cmpi slt, %rem3A_1058, %lt3A : i32
        %lt3A_1062 = arith.constant 0 : i32
        %lt3A_1063 = arith.cmpi slt, %select_n3A_1057, %lt3A_1062 : i32
        %ne3A_1064 = arith.xori %lt3A_1061, %lt3A_1063 : i1
        %and3A_1065 = arith.andi %ne3A_1064, %ne3A_1060 : i1
        %add3A_1066 = arith.addi %rem3A_1058, %select_n3A_1057 : i32
        %select_n3A_1067 = arith.select %and3A_1065, %add3A_1066, %rem3A_1058 : i32
        %mul3A_1068 = arith.constant 64 : i32
        %mul3A_1069 = arith.muli %select_n3A_1067, %mul3A_1068 : i32
        %add3A_1070 = arith.constant 0 : i32
        %add3A_1071 = arith.addi %mul3A_1069, %add3A_1070 : i32
        %swap3A = arith.index_cast %select_n3A : i32 to index
        %swap3A_1072 = arith.index_cast %add3A_1071 : i32 to index
        %swap3A_1073 = tpu.vector_load %arg3[%swap3A, %swap3A_1072] {strides = array<i32>} : memref<8x2048xf32, #tpu.memory_space<vmem>>, vector<1x16xf32>,
        %swap3A_1074 = vector.shape_cast %swap3A_1073 : vector<1x16xf32> to vector<16xf32>
        %swap3A_1075 = vector.shape_cast %max3A_976 : vector<16xf32> to vector<1x16xf32>
        tpu.vector_store %arg3[%swap3A, %swap3A_1072], %swap3A_1075 {strides = array<i32>} : memref<8x2048xf32, #tpu.memory_space<vmem>>, vector<1x16xf32>,
        %add3A_1076 = arith.constant 16 : i32
        %add3A_1077 = arith.addi %mul3A_1069, %add3A_1076 : i32
        %swap3A_1078 = arith.index_cast %select_n3A : i32 to index
        %swap3A_1079 = arith.index_cast %add3A_1077 : i32 to index
        %swap3A_1080 = tpu.vector_load %arg3[%swap3A_1078, %swap3A_1079] {strides = array<i32>} : memref<8x2048xf32, #tpu.memory_space<vmem>>, vector<1x16xf32>,
        %swap3A_1081 = vector.shape_cast %swap3A_1080 : vector<1x16xf32> to vector<16xf32>
        %swap3A_1082 = vector.shape_cast %max3A_996 : vector<16xf32> to vector<1x16xf32>
        tpu.vector_store %arg3[%swap3A_1078, %swap3A_1079], %swap3A_1082 {strides = array<i32>} : memref<8x2048xf32, #tpu.memory_space<vmem>>, vector<1x16xf32>,
        %add3A_1083 = arith.constant 32 : i32
        %add3A_1084 = arith.addi %mul3A_1069, %add3A_1083 : i32
        %swap3A_1085 = arith.index_cast %select_n3A : i32 to index
        %swap3A_1086 = arith.index_cast %add3A_1084 : i32 to index
        %swap3A_1087 = tpu.vector_load %arg3[%swap3A_1085, %swap3A_1086] {strides = array<i32>} : memref<8x2048xf32, #tpu.memory_space<vmem>>, vector<1x16xf32>,
        %swap3A_1088 = vector.shape_cast %swap3A_1087 : vector<1x16xf32> to vector<16xf32>
        %swap3A_1089 = vector.shape_cast %max3A_1016 : vector<16xf32> to vector<1x16xf32>
        tpu.vector_store %arg3[%swap3A_1085, %swap3A_1086], %swap3A_1089 {strides = array<i32>} : memref<8x2048xf32, #tpu.memory_space<vmem>>, vector<1x16xf32>,
        %add3A_1090 = arith.constant 48 : i32
        %add3A_1091 = arith.addi %mul3A_1069, %add3A_1090 : i32
        %swap3A_1092 = arith.index_cast %select_n3A : i32 to index
        %swap3A_1093 = arith.index_cast %add3A_1091 : i32 to index
        %swap3A_1094 = tpu.vector_load %arg3[%swap3A_1092, %swap3A_1093] {strides = array<i32>} : memref<8x2048xf32, #tpu.memory_space<vmem>>, vector<1x16xf32>,
        %swap3A_1095 = vector.shape_cast %swap3A_1094 : vector<1x16xf32> to vector<16xf32>
        %swap3A_1096 = vector.shape_cast %max3A_1036 : vector<16xf32> to vector<1x16xf32>
        tpu.vector_store %arg3[%swap3A_1092, %swap3A_1093], %swap3A_1096 {strides = array<i32>} : memref<8x2048xf32, #tpu.memory_space<vmem>>, vector<1x16xf32>,
        %scan3A_1097 = arith.constant 1 : i32
        %scan3A_1098 = arith.addi %scan3A_25, %scan3A_1097 : i32
        %mul3A_1099 = arith.constant 64 : i32
        %mul3A_1100 = arith.muli %scan3A_1098, %mul3A_1099 : i32
        %add3A_1101 = arith.addi %add3A_13, %mul3A_1100 : i32
        %iota3A_1102 = tpu.iota {dimensions = array<i32: 0>} : vector<16xi32>
        %add3A_1103 = arith.constant 0 : i32
        %add3A_1104 = arith.addi %add3A_1101, %add3A_1103 : i32
        %add3A_1105 = vector.broadcast %add3A_1104 : i32 to vector<16xi32>
        %add3A_1106 = arith.addi %add3A_1105, %iota3A_1102 : vector<16xi32>
        %add3A_1107 = arith.constant 16 : i32
        %add3A_1108 = arith.addi %add3A_1101, %add3A_1107 : i32
        %add3A_1109 = vector.broadcast %add3A_1108 : i32 to vector<16xi32>
        %add3A_1110 = arith.addi %add3A_1109, %iota3A_1102 : vector<16xi32>
        %add3A_1111 = arith.constant 32 : i32
        %add3A_1112 = arith.addi %add3A_1101, %add3A_1111 : i32
        %add3A_1113 = vector.broadcast %add3A_1112 : i32 to vector<16xi32>
        %add3A_1114 = arith.addi %add3A_1113, %iota3A_1102 : vector<16xi32>
        %add3A_1115 = arith.constant 48 : i32
        %add3A_1116 = arith.addi %add3A_1101, %add3A_1115 : i32
        %add3A_1117 = vector.broadcast %add3A_1116 : i32 to vector<16xi32>
        %add3A_1118 = arith.addi %add3A_1117, %iota3A_1102 : vector<16xi32>
        %broadcast_in_dim3A_1119 = arith.constant 928981903 : i32
        %broadcast_in_dim3A_1120 = vector.broadcast %broadcast_in_dim3A_1119 : i32 to vector<16xi32>
        %broadcast_in_dim3A_1121 = arith.constant 928981903 : i32
        %broadcast_in_dim3A_1122 = vector.broadcast %broadcast_in_dim3A_1121 : i32 to vector<16xi32>
        %broadcast_in_dim3A_1123 = arith.constant 928981903 : i32
        %broadcast_in_dim3A_1124 = vector.broadcast %broadcast_in_dim3A_1123 : i32 to vector<16xi32>
        %broadcast_in_dim3A_1125 = arith.constant 928981903 : i32
        %broadcast_in_dim3A_1126 = vector.broadcast %broadcast_in_dim3A_1125 : i32 to vector<16xi32>
        %add3A_1127 = arith.constant -841280227 : i32
        %add3A_1128 = vector.broadcast %add3A_1127 : i32 to vector<16xi32>
        %add3A_1129 = arith.addi %add3A_1106, %add3A_1128 : vector<16xi32>
        %add3A_1130 = arith.constant -841280227 : i32
        %add3A_1131 = vector.broadcast %add3A_1130 : i32 to vector<16xi32>
        %add3A_1132 = arith.addi %add3A_1110, %add3A_1131 : vector<16xi32>
        %add3A_1133 = arith.constant -841280227 : i32
        %add3A_1134 = vector.broadcast %add3A_1133 : i32 to vector<16xi32>
        %add3A_1135 = arith.addi %add3A_1114, %add3A_1134 : vector<16xi32>
        %add3A_1136 = arith.constant -841280227 : i32
        %add3A_1137 = vector.broadcast %add3A_1136 : i32 to vector<16xi32>
        %add3A_1138 = arith.addi %add3A_1118, %add3A_1137 : vector<16xi32>
        %add3A_1139 = arith.addi %broadcast_in_dim3A_1120, %add3A_1129 : vector<16xi32>
        %add3A_1140 = arith.addi %broadcast_in_dim3A_1122, %add3A_1132 : vector<16xi32>
        %add3A_1141 = arith.addi %broadcast_in_dim3A_1124, %add3A_1135 : vector<16xi32>
        %add3A_1142 = arith.addi %broadcast_in_dim3A_1126, %add3A_1138 : vector<16xi32>
        %shift_left3A_1143 = arith.constant 13 : i32
        %shift_left3A_1144 = vector.broadcast %shift_left3A_1143 : i32 to vector<16xi32>
        %shift_left3A_1145 = arith.shli %add3A_1129, %shift_left3A_1144 : vector<16xi32>
        %shift_right_logical3A_1146 = arith.constant 19 : i32
        %shift_right_logical3A_1147 = vector.broadcast %shift_right_logical3A_1146 : i32 to vector<16xi32>
        %shift_right_logical3A_1148 = arith.shrui %add3A_1129, %shift_right_logical3A_1147 : vector<16xi32>
        %or3A_1149 = arith.ori %shift_left3A_1145, %shift_right_logical3A_1148 : vector<16xi32>
        %shift_left3A_1150 = arith.constant 13 : i32
        %shift_left3A_1151 = vector.broadcast %shift_left3A_1150 : i32 to vector<16xi32>
        %shift_left3A_1152 = arith.shli %add3A_1132, %shift_left3A_1151 : vector<16xi32>
        %shift_right_logical3A_1153 = arith.constant 19 : i32
        %shift_right_logical3A_1154 = vector.broadcast %shift_right_logical3A_1153 : i32 to vector<16xi32>
        %shift_right_logical3A_1155 = arith.shrui %add3A_1132, %shift_right_logical3A_1154 : vector<16xi32>
        %or3A_1156 = arith.ori %shift_left3A_1152, %shift_right_logical3A_1155 : vector<16xi32>
        %shift_left3A_1157 = arith.constant 13 : i32
        %shift_left3A_1158 = vector.broadcast %shift_left3A_1157 : i32 to vector<16xi32>
        %shift_left3A_1159 = arith.shli %add3A_1135, %shift_left3A_1158 : vector<16xi32>
        %shift_right_logical3A_1160 = arith.constant 19 : i32
        %shift_right_logical3A_1161 = vector.broadcast %shift_right_logical3A_1160 : i32 to vector<16xi32>
        %shift_right_logical3A_1162 = arith.shrui %add3A_1135, %shift_right_logical3A_1161 : vector<16xi32>
        %or3A_1163 = arith.ori %shift_left3A_1159, %shift_right_logical3A_1162 : vector<16xi32>
        %shift_left3A_1164 = arith.constant 13 : i32
        %shift_left3A_1165 = vector.broadcast %shift_left3A_1164 : i32 to vector<16xi32>
        %shift_left3A_1166 = arith.shli %add3A_1138, %shift_left3A_1165 : vector<16xi32>
        %shift_right_logical3A_1167 = arith.constant 19 : i32
        %shift_right_logical3A_1168 = vector.broadcast %shift_right_logical3A_1167 : i32 to vector<16xi32>
        %shift_right_logical3A_1169 = arith.shrui %add3A_1138, %shift_right_logical3A_1168 : vector<16xi32>
        %or3A_1170 = arith.ori %shift_left3A_1166, %shift_right_logical3A_1169 : vector<16xi32>
        %xor3A_1171 = arith.xori %add3A_1139, %or3A_1149 : vector<16xi32>
        %xor3A_1172 = arith.xori %add3A_1140, %or3A_1156 : vector<16xi32>
        %xor3A_1173 = arith.xori %add3A_1141, %or3A_1163 : vector<16xi32>
        %xor3A_1174 = arith.xori %add3A_1142, %or3A_1170 : vector<16xi32>
        %add3A_1175 = arith.addi %add3A_1139, %xor3A_1171 : vector<16xi32>
        %add3A_1176 = arith.addi %add3A_1140, %xor3A_1172 : vector<16xi32>
        %add3A_1177 = arith.addi %add3A_1141, %xor3A_1173 : vector<16xi32>
        %add3A_1178 = arith.addi %add3A_1142, %xor3A_1174 : vector<16xi32>
        %shift_left3A_1179 = arith.constant 15 : i32
        %shift_left3A_1180 = vector.broadcast %shift_left3A_1179 : i32 to vector<16xi32>
        %shift_left3A_1181 = arith.shli %xor3A_1171, %shift_left3A_1180 : vector<16xi32>
        %shift_right_logical3A_1182 = arith.constant 17 : i32
        %shift_right_logical3A_1183 = vector.broadcast %shift_right_logical3A_1182 : i32 to vector<16xi32>
        %shift_right_logical3A_1184 = arith.shrui %xor3A_1171, %shift_right_logical3A_1183 : vector<16xi32>
        %or3A_1185 = arith.ori %shift_left3A_1181, %shift_right_logical3A_1184 : vector<16xi32>
        %shift_left3A_1186 = arith.constant 15 : i32
        %shift_left3A_1187 = vector.broadcast %shift_left3A_1186 : i32 to vector<16xi32>
        %shift_left3A_1188 = arith.shli %xor3A_1172, %shift_left3A_1187 : vector<16xi32>
        %shift_right_logical3A_1189 = arith.constant 17 : i32
        %shift_right_logical3A_1190 = vector.broadcast %shift_right_logical3A_1189 : i32 to vector<16xi32>
        %shift_right_logical3A_1191 = arith.shrui %xor3A_1172, %shift_right_logical3A_1190 : vector<16xi32>
        %or3A_1192 = arith.ori %shift_left3A_1188, %shift_right_logical3A_1191 : vector<16xi32>
        %shift_left3A_1193 = arith.constant 15 : i32
        %shift_left3A_1194 = vector.broadcast %shift_left3A_1193 : i32 to vector<16xi32>
        %shift_left3A_1195 = arith.shli %xor3A_1173, %shift_left3A_1194 : vector<16xi32>
        %shift_right_logical3A_1196 = arith.constant 17 : i32
        %shift_right_logical3A_1197 = vector.broadcast %shift_right_logical3A_1196 : i32 to vector<16xi32>
        %shift_right_logical3A_1198 = arith.shrui %xor3A_1173, %shift_right_logical3A_1197 : vector<16xi32>
        %or3A_1199 = arith.ori %shift_left3A_1195, %shift_right_logical3A_1198 : vector<16xi32>
        %shift_left3A_1200 = arith.constant 15 : i32
        %shift_left3A_1201 = vector.broadcast %shift_left3A_1200 : i32 to vector<16xi32>
        %shift_left3A_1202 = arith.shli %xor3A_1174, %shift_left3A_1201 : vector<16xi32>
        %shift_right_logical3A_1203 = arith.constant 17 : i32
        %shift_right_logical3A_1204 = vector.broadcast %shift_right_logical3A_1203 : i32 to vector<16xi32>
        %shift_right_logical3A_1205 = arith.shrui %xor3A_1174, %shift_right_logical3A_1204 : vector<16xi32>
        %or3A_1206 = arith.ori %shift_left3A_1202, %shift_right_logical3A_1205 : vector<16xi32>
        %xor3A_1207 = arith.xori %add3A_1175, %or3A_1185 : vector<16xi32>
        %xor3A_1208 = arith.xori %add3A_1176, %or3A_1192 : vector<16xi32>
        %xor3A_1209 = arith.xori %add3A_1177, %or3A_1199 : vector<16xi32>
        %xor3A_1210 = arith.xori %add3A_1178, %or3A_1206 : vector<16xi32>
        %add3A_1211 = arith.addi %add3A_1175, %xor3A_1207 : vector<16xi32>
        %add3A_1212 = arith.addi %add3A_1176, %xor3A_1208 : vector<16xi32>
        %add3A_1213 = arith.addi %add3A_1177, %xor3A_1209 : vector<16xi32>
        %add3A_1214 = arith.addi %add3A_1178, %xor3A_1210 : vector<16xi32>
        %shift_left3A_1215 = arith.constant 26 : i32
        %shift_left3A_1216 = vector.broadcast %shift_left3A_1215 : i32 to vector<16xi32>
        %shift_left3A_1217 = arith.shli %xor3A_1207, %shift_left3A_1216 : vector<16xi32>
        %shift_right_logical3A_1218 = arith.constant 6 : i32
        %shift_right_logical3A_1219 = vector.broadcast %shift_right_logical3A_1218 : i32 to vector<16xi32>
        %shift_right_logical3A_1220 = arith.shrui %xor3A_1207, %shift_right_logical3A_1219 : vector<16xi32>
        %or3A_1221 = arith.ori %shift_left3A_1217, %shift_right_logical3A_1220 : vector<16xi32>
        %shift_left3A_1222 = arith.constant 26 : i32
        %shift_left3A_1223 = vector.broadcast %shift_left3A_1222 : i32 to vector<16xi32>
        %shift_left3A_1224 = arith.shli %xor3A_1208, %shift_left3A_1223 : vector<16xi32>
        %shift_right_logical3A_1225 = arith.constant 6 : i32
        %shift_right_logical3A_1226 = vector.broadcast %shift_right_logical3A_1225 : i32 to vector<16xi32>
        %shift_right_logical3A_1227 = arith.shrui %xor3A_1208, %shift_right_logical3A_1226 : vector<16xi32>
        %or3A_1228 = arith.ori %shift_left3A_1224, %shift_right_logical3A_1227 : vector<16xi32>
        %shift_left3A_1229 = arith.constant 26 : i32
        %shift_left3A_1230 = vector.broadcast %shift_left3A_1229 : i32 to vector<16xi32>
        %shift_left3A_1231 = arith.shli %xor3A_1209, %shift_left3A_1230 : vector<16xi32>
        %shift_right_logical3A_1232 = arith.constant 6 : i32
        %shift_right_logical3A_1233 = vector.broadcast %shift_right_logical3A_1232 : i32 to vector<16xi32>
        %shift_right_logical3A_1234 = arith.shrui %xor3A_1209, %shift_right_logical3A_1233 : vector<16xi32>
        %or3A_1235 = arith.ori %shift_left3A_1231, %shift_right_logical3A_1234 : vector<16xi32>
        %shift_left3A_1236 = arith.constant 26 : i32
        %shift_left3A_1237 = vector.broadcast %shift_left3A_1236 : i32 to vector<16xi32>
        %shift_left3A_1238 = arith.shli %xor3A_1210, %shift_left3A_1237 : vector<16xi32>
        %shift_right_logical3A_1239 = arith.constant 6 : i32
        %shift_right_logical3A_1240 = vector.broadcast %shift_right_logical3A_1239 : i32 to vector<16xi32>
        %shift_right_logical3A_1241 = arith.shrui %xor3A_1210, %shift_right_logical3A_1240 : vector<16xi32>
        %or3A_1242 = arith.ori %shift_left3A_1238, %shift_right_logical3A_1241 : vector<16xi32>
        %xor3A_1243 = arith.xori %add3A_1211, %or3A_1221 : vector<16xi32>
        %xor3A_1244 = arith.xori %add3A_1212, %or3A_1228 : vector<16xi32>
        %xor3A_1245 = arith.xori %add3A_1213, %or3A_1235 : vector<16xi32>
        %xor3A_1246 = arith.xori %add3A_1214, %or3A_1242 : vector<16xi32>
        %add3A_1247 = arith.addi %add3A_1211, %xor3A_1243 : vector<16xi32>
        %add3A_1248 = arith.addi %add3A_1212, %xor3A_1244 : vector<16xi32>
        %add3A_1249 = arith.addi %add3A_1213, %xor3A_1245 : vector<16xi32>
        %add3A_1250 = arith.addi %add3A_1214, %xor3A_1246 : vector<16xi32>
        %shift_left3A_1251 = arith.constant 6 : i32
        %shift_left3A_1252 = vector.broadcast %shift_left3A_1251 : i32 to vector<16xi32>
        %shift_left3A_1253 = arith.shli %xor3A_1243, %shift_left3A_1252 : vector<16xi32>
        %shift_right_logical3A_1254 = arith.constant 26 : i32
        %shift_right_logical3A_1255 = vector.broadcast %shift_right_logical3A_1254 : i32 to vector<16xi32>
        %shift_right_logical3A_1256 = arith.shrui %xor3A_1243, %shift_right_logical3A_1255 : vector<16xi32>
        %or3A_1257 = arith.ori %shift_left3A_1253, %shift_right_logical3A_1256 : vector<16xi32>
        %shift_left3A_1258 = arith.constant 6 : i32
        %shift_left3A_1259 = vector.broadcast %shift_left3A_1258 : i32 to vector<16xi32>
        %shift_left3A_1260 = arith.shli %xor3A_1244, %shift_left3A_1259 : vector<16xi32>
        %shift_right_logical3A_1261 = arith.constant 26 : i32
        %shift_right_logical3A_1262 = vector.broadcast %shift_right_logical3A_1261 : i32 to vector<16xi32>
        %shift_right_logical3A_1263 = arith.shrui %xor3A_1244, %shift_right_logical3A_1262 : vector<16xi32>
        %or3A_1264 = arith.ori %shift_left3A_1260, %shift_right_logical3A_1263 : vector<16xi32>
        %shift_left3A_1265 = arith.constant 6 : i32
        %shift_left3A_1266 = vector.broadcast %shift_left3A_1265 : i32 to vector<16xi32>
        %shift_left3A_1267 = arith.shli %xor3A_1245, %shift_left3A_1266 : vector<16xi32>
        %shift_right_logical3A_1268 = arith.constant 26 : i32
        %shift_right_logical3A_1269 = vector.broadcast %shift_right_logical3A_1268 : i32 to vector<16xi32>
        %shift_right_logical3A_1270 = arith.shrui %xor3A_1245, %shift_right_logical3A_1269 : vector<16xi32>
        %or3A_1271 = arith.ori %shift_left3A_1267, %shift_right_logical3A_1270 : vector<16xi32>
        %shift_left3A_1272 = arith.constant 6 : i32
        %shift_left3A_1273 = vector.broadcast %shift_left3A_1272 : i32 to vector<16xi32>
        %shift_left3A_1274 = arith.shli %xor3A_1246, %shift_left3A_1273 : vector<16xi32>
        %shift_right_logical3A_1275 = arith.constant 26 : i32
        %shift_right_logical3A_1276 = vector.broadcast %shift_right_logical3A_1275 : i32 to vector<16xi32>
        %shift_right_logical3A_1277 = arith.shrui %xor3A_1246, %shift_right_logical3A_1276 : vector<16xi32>
        %or3A_1278 = arith.ori %shift_left3A_1274, %shift_right_logical3A_1277 : vector<16xi32>
        %xor3A_1279 = arith.xori %add3A_1247, %or3A_1257 : vector<16xi32>
        %xor3A_1280 = arith.xori %add3A_1248, %or3A_1264 : vector<16xi32>
        %xor3A_1281 = arith.xori %add3A_1249, %or3A_1271 : vector<16xi32>
        %xor3A_1282 = arith.xori %add3A_1250, %or3A_1278 : vector<16xi32>
        %add3A_1283 = arith.constant -841280227 : i32
        %add3A_1284 = vector.broadcast %add3A_1283 : i32 to vector<16xi32>
        %add3A_1285 = arith.addi %add3A_1247, %add3A_1284 : vector<16xi32>
        %add3A_1286 = arith.constant -841280227 : i32
        %add3A_1287 = vector.broadcast %add3A_1286 : i32 to vector<16xi32>
        %add3A_1288 = arith.addi %add3A_1248, %add3A_1287 : vector<16xi32>
        %add3A_1289 = arith.constant -841280227 : i32
        %add3A_1290 = vector.broadcast %add3A_1289 : i32 to vector<16xi32>
        %add3A_1291 = arith.addi %add3A_1249, %add3A_1290 : vector<16xi32>
        %add3A_1292 = arith.constant -841280227 : i32
        %add3A_1293 = vector.broadcast %add3A_1292 : i32 to vector<16xi32>
        %add3A_1294 = arith.addi %add3A_1250, %add3A_1293 : vector<16xi32>
        %add3A_1295 = arith.constant -514511544 : i32
        %add3A_1296 = vector.broadcast %add3A_1295 : i32 to vector<16xi32>
        %add3A_1297 = arith.addi %xor3A_1279, %add3A_1296 : vector<16xi32>
        %add3A_1298 = arith.constant 1 : i32
        %add3A_1299 = vector.broadcast %add3A_1298 : i32 to vector<16xi32>
        %add3A_1300 = arith.addi %add3A_1297, %add3A_1299 : vector<16xi32>
        %add3A_1301 = arith.constant -514511544 : i32
        %add3A_1302 = vector.broadcast %add3A_1301 : i32 to vector<16xi32>
        %add3A_1303 = arith.addi %xor3A_1280, %add3A_1302 : vector<16xi32>
        %add3A_1304 = arith.constant 1 : i32
        %add3A_1305 = vector.broadcast %add3A_1304 : i32 to vector<16xi32>
        %add3A_1306 = arith.addi %add3A_1303, %add3A_1305 : vector<16xi32>
        %add3A_1307 = arith.constant -514511544 : i32
        %add3A_1308 = vector.broadcast %add3A_1307 : i32 to vector<16xi32>
        %add3A_1309 = arith.addi %xor3A_1281, %add3A_1308 : vector<16xi32>
        %add3A_1310 = arith.constant 1 : i32
        %add3A_1311 = vector.broadcast %add3A_1310 : i32 to vector<16xi32>
        %add3A_1312 = arith.addi %add3A_1309, %add3A_1311 : vector<16xi32>
        %add3A_1313 = arith.constant -514511544 : i32
        %add3A_1314 = vector.broadcast %add3A_1313 : i32 to vector<16xi32>
        %add3A_1315 = arith.addi %xor3A_1282, %add3A_1314 : vector<16xi32>
        %add3A_1316 = arith.constant 1 : i32
        %add3A_1317 = vector.broadcast %add3A_1316 : i32 to vector<16xi32>
        %add3A_1318 = arith.addi %add3A_1315, %add3A_1317 : vector<16xi32>
        %add3A_1319 = arith.addi %add3A_1285, %add3A_1300 : vector<16xi32>
        %add3A_1320 = arith.addi %add3A_1288, %add3A_1306 : vector<16xi32>
        %add3A_1321 = arith.addi %add3A_1291, %add3A_1312 : vector<16xi32>
        %add3A_1322 = arith.addi %add3A_1294, %add3A_1318 : vector<16xi32>
        %shift_left3A_1323 = arith.constant 17 : i32
        %shift_left3A_1324 = vector.broadcast %shift_left3A_1323 : i32 to vector<16xi32>
        %shift_left3A_1325 = arith.shli %add3A_1300, %shift_left3A_1324 : vector<16xi32>
        %shift_right_logical3A_1326 = arith.constant 15 : i32
        %shift_right_logical3A_1327 = vector.broadcast %shift_right_logical3A_1326 : i32 to vector<16xi32>
        %shift_right_logical3A_1328 = arith.shrui %add3A_1300, %shift_right_logical3A_1327 : vector<16xi32>
        %or3A_1329 = arith.ori %shift_left3A_1325, %shift_right_logical3A_1328 : vector<16xi32>
        %shift_left3A_1330 = arith.constant 17 : i32
        %shift_left3A_1331 = vector.broadcast %shift_left3A_1330 : i32 to vector<16xi32>
        %shift_left3A_1332 = arith.shli %add3A_1306, %shift_left3A_1331 : vector<16xi32>
        %shift_right_logical3A_1333 = arith.constant 15 : i32
        %shift_right_logical3A_1334 = vector.broadcast %shift_right_logical3A_1333 : i32 to vector<16xi32>
        %shift_right_logical3A_1335 = arith.shrui %add3A_1306, %shift_right_logical3A_1334 : vector<16xi32>
        %or3A_1336 = arith.ori %shift_left3A_1332, %shift_right_logical3A_1335 : vector<16xi32>
        %shift_left3A_1337 = arith.constant 17 : i32
        %shift_left3A_1338 = vector.broadcast %shift_left3A_1337 : i32 to vector<16xi32>
        %shift_left3A_1339 = arith.shli %add3A_1312, %shift_left3A_1338 : vector<16xi32>
        %shift_right_logical3A_1340 = arith.constant 15 : i32
        %shift_right_logical3A_1341 = vector.broadcast %shift_right_logical3A_1340 : i32 to vector<16xi32>
        %shift_right_logical3A_1342 = arith.shrui %add3A_1312, %shift_right_logical3A_1341 : vector<16xi32>
        %or3A_1343 = arith.ori %shift_left3A_1339, %shift_right_logical3A_1342 : vector<16xi32>
        %shift_left3A_1344 = arith.constant 17 : i32
        %shift_left3A_1345 = vector.broadcast %shift_left3A_1344 : i32 to vector<16xi32>
        %shift_left3A_1346 = arith.shli %add3A_1318, %shift_left3A_1345 : vector<16xi32>
        %shift_right_logical3A_1347 = arith.constant 15 : i32
        %shift_right_logical3A_1348 = vector.broadcast %shift_right_logical3A_1347 : i32 to vector<16xi32>
        %shift_right_logical3A_1349 = arith.shrui %add3A_1318, %shift_right_logical3A_1348 : vector<16xi32>
        %or3A_1350 = arith.ori %shift_left3A_1346, %shift_right_logical3A_1349 : vector<16xi32>
        %xor3A_1351 = arith.xori %add3A_1319, %or3A_1329 : vector<16xi32>
        %xor3A_1352 = arith.xori %add3A_1320, %or3A_1336 : vector<16xi32>
        %xor3A_1353 = arith.xori %add3A_1321, %or3A_1343 : vector<16xi32>
        %xor3A_1354 = arith.xori %add3A_1322, %or3A_1350 : vector<16xi32>
        %add3A_1355 = arith.addi %add3A_1319, %xor3A_1351 : vector<16xi32>
        %add3A_1356 = arith.addi %add3A_1320, %xor3A_1352 : vector<16xi32>
        %add3A_1357 = arith.addi %add3A_1321, %xor3A_1353 : vector<16xi32>
        %add3A_1358 = arith.addi %add3A_1322, %xor3A_1354 : vector<16xi32>
        %shift_left3A_1359 = arith.constant 29 : i32
        %shift_left3A_1360 = vector.broadcast %shift_left3A_1359 : i32 to vector<16xi32>
        %shift_left3A_1361 = arith.shli %xor3A_1351, %shift_left3A_1360 : vector<16xi32>
        %shift_right_logical3A_1362 = arith.constant 3 : i32
        %shift_right_logical3A_1363 = vector.broadcast %shift_right_logical3A_1362 : i32 to vector<16xi32>
        %shift_right_logical3A_1364 = arith.shrui %xor3A_1351, %shift_right_logical3A_1363 : vector<16xi32>
        %or3A_1365 = arith.ori %shift_left3A_1361, %shift_right_logical3A_1364 : vector<16xi32>
        %shift_left3A_1366 = arith.constant 29 : i32
        %shift_left3A_1367 = vector.broadcast %shift_left3A_1366 : i32 to vector<16xi32>
        %shift_left3A_1368 = arith.shli %xor3A_1352, %shift_left3A_1367 : vector<16xi32>
        %shift_right_logical3A_1369 = arith.constant 3 : i32
        %shift_right_logical3A_1370 = vector.broadcast %shift_right_logical3A_1369 : i32 to vector<16xi32>
        %shift_right_logical3A_1371 = arith.shrui %xor3A_1352, %shift_right_logical3A_1370 : vector<16xi32>
        %or3A_1372 = arith.ori %shift_left3A_1368, %shift_right_logical3A_1371 : vector<16xi32>
        %shift_left3A_1373 = arith.constant 29 : i32
        %shift_left3A_1374 = vector.broadcast %shift_left3A_1373 : i32 to vector<16xi32>
        %shift_left3A_1375 = arith.shli %xor3A_1353, %shift_left3A_1374 : vector<16xi32>
        %shift_right_logical3A_1376 = arith.constant 3 : i32
        %shift_right_logical3A_1377 = vector.broadcast %shift_right_logical3A_1376 : i32 to vector<16xi32>
        %shift_right_logical3A_1378 = arith.shrui %xor3A_1353, %shift_right_logical3A_1377 : vector<16xi32>
        %or3A_1379 = arith.ori %shift_left3A_1375, %shift_right_logical3A_1378 : vector<16xi32>
        %shift_left3A_1380 = arith.constant 29 : i32
        %shift_left3A_1381 = vector.broadcast %shift_left3A_1380 : i32 to vector<16xi32>
        %shift_left3A_1382 = arith.shli %xor3A_1354, %shift_left3A_1381 : vector<16xi32>
        %shift_right_logical3A_1383 = arith.constant 3 : i32
        %shift_right_logical3A_1384 = vector.broadcast %shift_right_logical3A_1383 : i32 to vector<16xi32>
        %shift_right_logical3A_1385 = arith.shrui %xor3A_1354, %shift_right_logical3A_1384 : vector<16xi32>
        %or3A_1386 = arith.ori %shift_left3A_1382, %shift_right_logical3A_1385 : vector<16xi32>
        %xor3A_1387 = arith.xori %add3A_1355, %or3A_1365 : vector<16xi32>
        %xor3A_1388 = arith.xori %add3A_1356, %or3A_1372 : vector<16xi32>
        %xor3A_1389 = arith.xori %add3A_1357, %or3A_1379 : vector<16xi32>
        %xor3A_1390 = arith.xori %add3A_1358, %or3A_1386 : vector<16xi32>
        %add3A_1391 = arith.addi %add3A_1355, %xor3A_1387 : vector<16xi32>
        %add3A_1392 = arith.addi %add3A_1356, %xor3A_1388 : vector<16xi32>
        %add3A_1393 = arith.addi %add3A_1357, %xor3A_1389 : vector<16xi32>
        %add3A_1394 = arith.addi %add3A_1358, %xor3A_1390 : vector<16xi32>
        %shift_left3A_1395 = arith.constant 16 : i32
        %shift_left3A_1396 = vector.broadcast %shift_left3A_1395 : i32 to vector<16xi32>
        %shift_left3A_1397 = arith.shli %xor3A_1387, %shift_left3A_1396 : vector<16xi32>
        %shift_right_logical3A_1398 = arith.constant 16 : i32
        %shift_right_logical3A_1399 = vector.broadcast %shift_right_logical3A_1398 : i32 to vector<16xi32>
        %shift_right_logical3A_1400 = arith.shrui %xor3A_1387, %shift_right_logical3A_1399 : vector<16xi32>
        %or3A_1401 = arith.ori %shift_left3A_1397, %shift_right_logical3A_1400 : vector<16xi32>
        %shift_left3A_1402 = arith.constant 16 : i32
        %shift_left3A_1403 = vector.broadcast %shift_left3A_1402 : i32 to vector<16xi32>
        %shift_left3A_1404 = arith.shli %xor3A_1388, %shift_left3A_1403 : vector<16xi32>
        %shift_right_logical3A_1405 = arith.constant 16 : i32
        %shift_right_logical3A_1406 = vector.broadcast %shift_right_logical3A_1405 : i32 to vector<16xi32>
        %shift_right_logical3A_1407 = arith.shrui %xor3A_1388, %shift_right_logical3A_1406 : vector<16xi32>
        %or3A_1408 = arith.ori %shift_left3A_1404, %shift_right_logical3A_1407 : vector<16xi32>
        %shift_left3A_1409 = arith.constant 16 : i32
        %shift_left3A_1410 = vector.broadcast %shift_left3A_1409 : i32 to vector<16xi32>
        %shift_left3A_1411 = arith.shli %xor3A_1389, %shift_left3A_1410 : vector<16xi32>
        %shift_right_logical3A_1412 = arith.constant 16 : i32
        %shift_right_logical3A_1413 = vector.broadcast %shift_right_logical3A_1412 : i32 to vector<16xi32>
        %shift_right_logical3A_1414 = arith.shrui %xor3A_1389, %shift_right_logical3A_1413 : vector<16xi32>
        %or3A_1415 = arith.ori %shift_left3A_1411, %shift_right_logical3A_1414 : vector<16xi32>
        %shift_left3A_1416 = arith.constant 16 : i32
        %shift_left3A_1417 = vector.broadcast %shift_left3A_1416 : i32 to vector<16xi32>
        %shift_left3A_1418 = arith.shli %xor3A_1390, %shift_left3A_1417 : vector<16xi32>
        %shift_right_logical3A_1419 = arith.constant 16 : i32
        %shift_right_logical3A_1420 = vector.broadcast %shift_right_logical3A_1419 : i32 to vector<16xi32>
        %shift_right_logical3A_1421 = arith.shrui %xor3A_1390, %shift_right_logical3A_1420 : vector<16xi32>
        %or3A_1422 = arith.ori %shift_left3A_1418, %shift_right_logical3A_1421 : vector<16xi32>
        %xor3A_1423 = arith.xori %add3A_1391, %or3A_1401 : vector<16xi32>
        %xor3A_1424 = arith.xori %add3A_1392, %or3A_1408 : vector<16xi32>
        %xor3A_1425 = arith.xori %add3A_1393, %or3A_1415 : vector<16xi32>
        %xor3A_1426 = arith.xori %add3A_1394, %or3A_1422 : vector<16xi32>
        %add3A_1427 = arith.addi %add3A_1391, %xor3A_1423 : vector<16xi32>
        %add3A_1428 = arith.addi %add3A_1392, %xor3A_1424 : vector<16xi32>
        %add3A_1429 = arith.addi %add3A_1393, %xor3A_1425 : vector<16xi32>
        %add3A_1430 = arith.addi %add3A_1394, %xor3A_1426 : vector<16xi32>
        %shift_left3A_1431 = arith.constant 24 : i32
        %shift_left3A_1432 = vector.broadcast %shift_left3A_1431 : i32 to vector<16xi32>
        %shift_left3A_1433 = arith.shli %xor3A_1423, %shift_left3A_1432 : vector<16xi32>
        %shift_right_logical3A_1434 = arith.constant 8 : i32
        %shift_right_logical3A_1435 = vector.broadcast %shift_right_logical3A_1434 : i32 to vector<16xi32>
        %shift_right_logical3A_1436 = arith.shrui %xor3A_1423, %shift_right_logical3A_1435 : vector<16xi32>
        %or3A_1437 = arith.ori %shift_left3A_1433, %shift_right_logical3A_1436 : vector<16xi32>
        %shift_left3A_1438 = arith.constant 24 : i32
        %shift_left3A_1439 = vector.broadcast %shift_left3A_1438 : i32 to vector<16xi32>
        %shift_left3A_1440 = arith.shli %xor3A_1424, %shift_left3A_1439 : vector<16xi32>
        %shift_right_logical3A_1441 = arith.constant 8 : i32
        %shift_right_logical3A_1442 = vector.broadcast %shift_right_logical3A_1441 : i32 to vector<16xi32>
        %shift_right_logical3A_1443 = arith.shrui %xor3A_1424, %shift_right_logical3A_1442 : vector<16xi32>
        %or3A_1444 = arith.ori %shift_left3A_1440, %shift_right_logical3A_1443 : vector<16xi32>
        %shift_left3A_1445 = arith.constant 24 : i32
        %shift_left3A_1446 = vector.broadcast %shift_left3A_1445 : i32 to vector<16xi32>
        %shift_left3A_1447 = arith.shli %xor3A_1425, %shift_left3A_1446 : vector<16xi32>
        %shift_right_logical3A_1448 = arith.constant 8 : i32
        %shift_right_logical3A_1449 = vector.broadcast %shift_right_logical3A_1448 : i32 to vector<16xi32>
        %shift_right_logical3A_1450 = arith.shrui %xor3A_1425, %shift_right_logical3A_1449 : vector<16xi32>
        %or3A_1451 = arith.ori %shift_left3A_1447, %shift_right_logical3A_1450 : vector<16xi32>
        %shift_left3A_1452 = arith.constant 24 : i32
        %shift_left3A_1453 = vector.broadcast %shift_left3A_1452 : i32 to vector<16xi32>
        %shift_left3A_1454 = arith.shli %xor3A_1426, %shift_left3A_1453 : vector<16xi32>
        %shift_right_logical3A_1455 = arith.constant 8 : i32
        %shift_right_logical3A_1456 = vector.broadcast %shift_right_logical3A_1455 : i32 to vector<16xi32>
        %shift_right_logical3A_1457 = arith.shrui %xor3A_1426, %shift_right_logical3A_1456 : vector<16xi32>
        %or3A_1458 = arith.ori %shift_left3A_1454, %shift_right_logical3A_1457 : vector<16xi32>
        %xor3A_1459 = arith.xori %add3A_1427, %or3A_1437 : vector<16xi32>
        %xor3A_1460 = arith.xori %add3A_1428, %or3A_1444 : vector<16xi32>
        %xor3A_1461 = arith.xori %add3A_1429, %or3A_1451 : vector<16xi32>
        %xor3A_1462 = arith.xori %add3A_1430, %or3A_1458 : vector<16xi32>
        %add3A_1463 = arith.constant -514511544 : i32
        %add3A_1464 = vector.broadcast %add3A_1463 : i32 to vector<16xi32>
        %add3A_1465 = arith.addi %add3A_1427, %add3A_1464 : vector<16xi32>
        %add3A_1466 = arith.constant -514511544 : i32
        %add3A_1467 = vector.broadcast %add3A_1466 : i32 to vector<16xi32>
        %add3A_1468 = arith.addi %add3A_1428, %add3A_1467 : vector<16xi32>
        %add3A_1469 = arith.constant -514511544 : i32
        %add3A_1470 = vector.broadcast %add3A_1469 : i32 to vector<16xi32>
        %add3A_1471 = arith.addi %add3A_1429, %add3A_1470 : vector<16xi32>
        %add3A_1472 = arith.constant -514511544 : i32
        %add3A_1473 = vector.broadcast %add3A_1472 : i32 to vector<16xi32>
        %add3A_1474 = arith.addi %add3A_1430, %add3A_1473 : vector<16xi32>
        %add3A_1475 = arith.constant 928981903 : i32
        %add3A_1476 = vector.broadcast %add3A_1475 : i32 to vector<16xi32>
        %add3A_1477 = arith.addi %xor3A_1459, %add3A_1476 : vector<16xi32>
        %add3A_1478 = arith.constant 2 : i32
        %add3A_1479 = vector.broadcast %add3A_1478 : i32 to vector<16xi32>
        %add3A_1480 = arith.addi %add3A_1477, %add3A_1479 : vector<16xi32>
        %add3A_1481 = arith.constant 928981903 : i32
        %add3A_1482 = vector.broadcast %add3A_1481 : i32 to vector<16xi32>
        %add3A_1483 = arith.addi %xor3A_1460, %add3A_1482 : vector<16xi32>
        %add3A_1484 = arith.constant 2 : i32
        %add3A_1485 = vector.broadcast %add3A_1484 : i32 to vector<16xi32>
        %add3A_1486 = arith.addi %add3A_1483, %add3A_1485 : vector<16xi32>
        %add3A_1487 = arith.constant 928981903 : i32
        %add3A_1488 = vector.broadcast %add3A_1487 : i32 to vector<16xi32>
        %add3A_1489 = arith.addi %xor3A_1461, %add3A_1488 : vector<16xi32>
        %add3A_1490 = arith.constant 2 : i32
        %add3A_1491 = vector.broadcast %add3A_1490 : i32 to vector<16xi32>
        %add3A_1492 = arith.addi %add3A_1489, %add3A_1491 : vector<16xi32>
        %add3A_1493 = arith.constant 928981903 : i32
        %add3A_1494 = vector.broadcast %add3A_1493 : i32 to vector<16xi32>
        %add3A_1495 = arith.addi %xor3A_1462, %add3A_1494 : vector<16xi32>
        %add3A_1496 = arith.constant 2 : i32
        %add3A_1497 = vector.broadcast %add3A_1496 : i32 to vector<16xi32>
        %add3A_1498 = arith.addi %add3A_1495, %add3A_1497 : vector<16xi32>
        %add3A_1499 = arith.addi %add3A_1465, %add3A_1480 : vector<16xi32>
        %add3A_1500 = arith.addi %add3A_1468, %add3A_1486 : vector<16xi32>
        %add3A_1501 = arith.addi %add3A_1471, %add3A_1492 : vector<16xi32>
        %add3A_1502 = arith.addi %add3A_1474, %add3A_1498 : vector<16xi32>
        %shift_left3A_1503 = arith.constant 13 : i32
        %shift_left3A_1504 = vector.broadcast %shift_left3A_1503 : i32 to vector<16xi32>
        %shift_left3A_1505 = arith.shli %add3A_1480, %shift_left3A_1504 : vector<16xi32>
        %shift_right_logical3A_1506 = arith.constant 19 : i32
        %shift_right_logical3A_1507 = vector.broadcast %shift_right_logical3A_1506 : i32 to vector<16xi32>
        %shift_right_logical3A_1508 = arith.shrui %add3A_1480, %shift_right_logical3A_1507 : vector<16xi32>
        %or3A_1509 = arith.ori %shift_left3A_1505, %shift_right_logical3A_1508 : vector<16xi32>
        %shift_left3A_1510 = arith.constant 13 : i32
        %shift_left3A_1511 = vector.broadcast %shift_left3A_1510 : i32 to vector<16xi32>
        %shift_left3A_1512 = arith.shli %add3A_1486, %shift_left3A_1511 : vector<16xi32>
        %shift_right_logical3A_1513 = arith.constant 19 : i32
        %shift_right_logical3A_1514 = vector.broadcast %shift_right_logical3A_1513 : i32 to vector<16xi32>
        %shift_right_logical3A_1515 = arith.shrui %add3A_1486, %shift_right_logical3A_1514 : vector<16xi32>
        %or3A_1516 = arith.ori %shift_left3A_1512, %shift_right_logical3A_1515 : vector<16xi32>
        %shift_left3A_1517 = arith.constant 13 : i32
        %shift_left3A_1518 = vector.broadcast %shift_left3A_1517 : i32 to vector<16xi32>
        %shift_left3A_1519 = arith.shli %add3A_1492, %shift_left3A_1518 : vector<16xi32>
        %shift_right_logical3A_1520 = arith.constant 19 : i32
        %shift_right_logical3A_1521 = vector.broadcast %shift_right_logical3A_1520 : i32 to vector<16xi32>
        %shift_right_logical3A_1522 = arith.shrui %add3A_1492, %shift_right_logical3A_1521 : vector<16xi32>
        %or3A_1523 = arith.ori %shift_left3A_1519, %shift_right_logical3A_1522 : vector<16xi32>
        %shift_left3A_1524 = arith.constant 13 : i32
        %shift_left3A_1525 = vector.broadcast %shift_left3A_1524 : i32 to vector<16xi32>
        %shift_left3A_1526 = arith.shli %add3A_1498, %shift_left3A_1525 : vector<16xi32>
        %shift_right_logical3A_1527 = arith.constant 19 : i32
        %shift_right_logical3A_1528 = vector.broadcast %shift_right_logical3A_1527 : i32 to vector<16xi32>
        %shift_right_logical3A_1529 = arith.shrui %add3A_1498, %shift_right_logical3A_1528 : vector<16xi32>
        %or3A_1530 = arith.ori %shift_left3A_1526, %shift_right_logical3A_1529 : vector<16xi32>
        %xor3A_1531 = arith.xori %add3A_1499, %or3A_1509 : vector<16xi32>
        %xor3A_1532 = arith.xori %add3A_1500, %or3A_1516 : vector<16xi32>
        %xor3A_1533 = arith.xori %add3A_1501, %or3A_1523 : vector<16xi32>
        %xor3A_1534 = arith.xori %add3A_1502, %or3A_1530 : vector<16xi32>
        %add3A_1535 = arith.addi %add3A_1499, %xor3A_1531 : vector<16xi32>
        %add3A_1536 = arith.addi %add3A_1500, %xor3A_1532 : vector<16xi32>
        %add3A_1537 = arith.addi %add3A_1501, %xor3A_1533 : vector<16xi32>
        %add3A_1538 = arith.addi %add3A_1502, %xor3A_1534 : vector<16xi32>
        %shift_left3A_1539 = arith.constant 15 : i32
        %shift_left3A_1540 = vector.broadcast %shift_left3A_1539 : i32 to vector<16xi32>
        %shift_left3A_1541 = arith.shli %xor3A_1531, %shift_left3A_1540 : vector<16xi32>
        %shift_right_logical3A_1542 = arith.constant 17 : i32
        %shift_right_logical3A_1543 = vector.broadcast %shift_right_logical3A_1542 : i32 to vector<16xi32>
        %shift_right_logical3A_1544 = arith.shrui %xor3A_1531, %shift_right_logical3A_1543 : vector<16xi32>
        %or3A_1545 = arith.ori %shift_left3A_1541, %shift_right_logical3A_1544 : vector<16xi32>
        %shift_left3A_1546 = arith.constant 15 : i32
        %shift_left3A_1547 = vector.broadcast %shift_left3A_1546 : i32 to vector<16xi32>
        %shift_left3A_1548 = arith.shli %xor3A_1532, %shift_left3A_1547 : vector<16xi32>
        %shift_right_logical3A_1549 = arith.constant 17 : i32
        %shift_right_logical3A_1550 = vector.broadcast %shift_right_logical3A_1549 : i32 to vector<16xi32>
        %shift_right_logical3A_1551 = arith.shrui %xor3A_1532, %shift_right_logical3A_1550 : vector<16xi32>
        %or3A_1552 = arith.ori %shift_left3A_1548, %shift_right_logical3A_1551 : vector<16xi32>
        %shift_left3A_1553 = arith.constant 15 : i32
        %shift_left3A_1554 = vector.broadcast %shift_left3A_1553 : i32 to vector<16xi32>
        %shift_left3A_1555 = arith.shli %xor3A_1533, %shift_left3A_1554 : vector<16xi32>
        %shift_right_logical3A_1556 = arith.constant 17 : i32
        %shift_right_logical3A_1557 = vector.broadcast %shift_right_logical3A_1556 : i32 to vector<16xi32>
        %shift_right_logical3A_1558 = arith.shrui %xor3A_1533, %shift_right_logical3A_1557 : vector<16xi32>
        %or3A_1559 = arith.ori %shift_left3A_1555, %shift_right_logical3A_1558 : vector<16xi32>
        %shift_left3A_1560 = arith.constant 15 : i32
        %shift_left3A_1561 = vector.broadcast %shift_left3A_1560 : i32 to vector<16xi32>
        %shift_left3A_1562 = arith.shli %xor3A_1534, %shift_left3A_1561 : vector<16xi32>
        %shift_right_logical3A_1563 = arith.constant 17 : i32
        %shift_right_logical3A_1564 = vector.broadcast %shift_right_logical3A_1563 : i32 to vector<16xi32>
        %shift_right_logical3A_1565 = arith.shrui %xor3A_1534, %shift_right_logical3A_1564 : vector<16xi32>
        %or3A_1566 = arith.ori %shift_left3A_1562, %shift_right_logical3A_1565 : vector<16xi32>
        %xor3A_1567 = arith.xori %add3A_1535, %or3A_1545 : vector<16xi32>
        %xor3A_1568 = arith.xori %add3A_1536, %or3A_1552 : vector<16xi32>
        %xor3A_1569 = arith.xori %add3A_1537, %or3A_1559 : vector<16xi32>
        %xor3A_1570 = arith.xori %add3A_1538, %or3A_1566 : vector<16xi32>
        %add3A_1571 = arith.addi %add3A_1535, %xor3A_1567 : vector<16xi32>
        %add3A_1572 = arith.addi %add3A_1536, %xor3A_1568 : vector<16xi32>
        %add3A_1573 = arith.addi %add3A_1537, %xor3A_1569 : vector<16xi32>
        %add3A_1574 = arith.addi %add3A_1538, %xor3A_1570 : vector<16xi32>
        %shift_left3A_1575 = arith.constant 26 : i32
        %shift_left3A_1576 = vector.broadcast %shift_left3A_1575 : i32 to vector<16xi32>
        %shift_left3A_1577 = arith.shli %xor3A_1567, %shift_left3A_1576 : vector<16xi32>
        %shift_right_logical3A_1578 = arith.constant 6 : i32
        %shift_right_logical3A_1579 = vector.broadcast %shift_right_logical3A_1578 : i32 to vector<16xi32>
        %shift_right_logical3A_1580 = arith.shrui %xor3A_1567, %shift_right_logical3A_1579 : vector<16xi32>
        %or3A_1581 = arith.ori %shift_left3A_1577, %shift_right_logical3A_1580 : vector<16xi32>
        %shift_left3A_1582 = arith.constant 26 : i32
        %shift_left3A_1583 = vector.broadcast %shift_left3A_1582 : i32 to vector<16xi32>
        %shift_left3A_1584 = arith.shli %xor3A_1568, %shift_left3A_1583 : vector<16xi32>
        %shift_right_logical3A_1585 = arith.constant 6 : i32
        %shift_right_logical3A_1586 = vector.broadcast %shift_right_logical3A_1585 : i32 to vector<16xi32>
        %shift_right_logical3A_1587 = arith.shrui %xor3A_1568, %shift_right_logical3A_1586 : vector<16xi32>
        %or3A_1588 = arith.ori %shift_left3A_1584, %shift_right_logical3A_1587 : vector<16xi32>
        %shift_left3A_1589 = arith.constant 26 : i32
        %shift_left3A_1590 = vector.broadcast %shift_left3A_1589 : i32 to vector<16xi32>
        %shift_left3A_1591 = arith.shli %xor3A_1569, %shift_left3A_1590 : vector<16xi32>
        %shift_right_logical3A_1592 = arith.constant 6 : i32
        %shift_right_logical3A_1593 = vector.broadcast %shift_right_logical3A_1592 : i32 to vector<16xi32>
        %shift_right_logical3A_1594 = arith.shrui %xor3A_1569, %shift_right_logical3A_1593 : vector<16xi32>
        %or3A_1595 = arith.ori %shift_left3A_1591, %shift_right_logical3A_1594 : vector<16xi32>
        %shift_left3A_1596 = arith.constant 26 : i32
        %shift_left3A_1597 = vector.broadcast %shift_left3A_1596 : i32 to vector<16xi32>
        %shift_left3A_1598 = arith.shli %xor3A_1570, %shift_left3A_1597 : vector<16xi32>
        %shift_right_logical3A_1599 = arith.constant 6 : i32
        %shift_right_logical3A_1600 = vector.broadcast %shift_right_logical3A_1599 : i32 to vector<16xi32>
        %shift_right_logical3A_1601 = arith.shrui %xor3A_1570, %shift_right_logical3A_1600 : vector<16xi32>
        %or3A_1602 = arith.ori %shift_left3A_1598, %shift_right_logical3A_1601 : vector<16xi32>
        %xor3A_1603 = arith.xori %add3A_1571, %or3A_1581 : vector<16xi32>
        %xor3A_1604 = arith.xori %add3A_1572, %or3A_1588 : vector<16xi32>
        %xor3A_1605 = arith.xori %add3A_1573, %or3A_1595 : vector<16xi32>
        %xor3A_1606 = arith.xori %add3A_1574, %or3A_1602 : vector<16xi32>
        %add3A_1607 = arith.addi %add3A_1571, %xor3A_1603 : vector<16xi32>
        %add3A_1608 = arith.addi %add3A_1572, %xor3A_1604 : vector<16xi32>
        %add3A_1609 = arith.addi %add3A_1573, %xor3A_1605 : vector<16xi32>
        %add3A_1610 = arith.addi %add3A_1574, %xor3A_1606 : vector<16xi32>
        %shift_left3A_1611 = arith.constant 6 : i32
        %shift_left3A_1612 = vector.broadcast %shift_left3A_1611 : i32 to vector<16xi32>
        %shift_left3A_1613 = arith.shli %xor3A_1603, %shift_left3A_1612 : vector<16xi32>
        %shift_right_logical3A_1614 = arith.constant 26 : i32
        %shift_right_logical3A_1615 = vector.broadcast %shift_right_logical3A_1614 : i32 to vector<16xi32>
        %shift_right_logical3A_1616 = arith.shrui %xor3A_1603, %shift_right_logical3A_1615 : vector<16xi32>
        %or3A_1617 = arith.ori %shift_left3A_1613, %shift_right_logical3A_1616 : vector<16xi32>
        %shift_left3A_1618 = arith.constant 6 : i32
        %shift_left3A_1619 = vector.broadcast %shift_left3A_1618 : i32 to vector<16xi32>
        %shift_left3A_1620 = arith.shli %xor3A_1604, %shift_left3A_1619 : vector<16xi32>
        %shift_right_logical3A_1621 = arith.constant 26 : i32
        %shift_right_logical3A_1622 = vector.broadcast %shift_right_logical3A_1621 : i32 to vector<16xi32>
        %shift_right_logical3A_1623 = arith.shrui %xor3A_1604, %shift_right_logical3A_1622 : vector<16xi32>
        %or3A_1624 = arith.ori %shift_left3A_1620, %shift_right_logical3A_1623 : vector<16xi32>
        %shift_left3A_1625 = arith.constant 6 : i32
        %shift_left3A_1626 = vector.broadcast %shift_left3A_1625 : i32 to vector<16xi32>
        %shift_left3A_1627 = arith.shli %xor3A_1605, %shift_left3A_1626 : vector<16xi32>
        %shift_right_logical3A_1628 = arith.constant 26 : i32
        %shift_right_logical3A_1629 = vector.broadcast %shift_right_logical3A_1628 : i32 to vector<16xi32>
        %shift_right_logical3A_1630 = arith.shrui %xor3A_1605, %shift_right_logical3A_1629 : vector<16xi32>
        %or3A_1631 = arith.ori %shift_left3A_1627, %shift_right_logical3A_1630 : vector<16xi32>
        %shift_left3A_1632 = arith.constant 6 : i32
        %shift_left3A_1633 = vector.broadcast %shift_left3A_1632 : i32 to vector<16xi32>
        %shift_left3A_1634 = arith.shli %xor3A_1606, %shift_left3A_1633 : vector<16xi32>
        %shift_right_logical3A_1635 = arith.constant 26 : i32
        %shift_right_logical3A_1636 = vector.broadcast %shift_right_logical3A_1635 : i32 to vector<16xi32>
        %shift_right_logical3A_1637 = arith.shrui %xor3A_1606, %shift_right_logical3A_1636 : vector<16xi32>
        %or3A_1638 = arith.ori %shift_left3A_1634, %shift_right_logical3A_1637 : vector<16xi32>
        %xor3A_1639 = arith.xori %add3A_1607, %or3A_1617 : vector<16xi32>
        %xor3A_1640 = arith.xori %add3A_1608, %or3A_1624 : vector<16xi32>
        %xor3A_1641 = arith.xori %add3A_1609, %or3A_1631 : vector<16xi32>
        %xor3A_1642 = arith.xori %add3A_1610, %or3A_1638 : vector<16xi32>
        %add3A_1643 = arith.constant 928981903 : i32
        %add3A_1644 = vector.broadcast %add3A_1643 : i32 to vector<16xi32>
        %add3A_1645 = arith.addi %add3A_1607, %add3A_1644 : vector<16xi32>
        %add3A_1646 = arith.constant 928981903 : i32
        %add3A_1647 = vector.broadcast %add3A_1646 : i32 to vector<16xi32>
        %add3A_1648 = arith.addi %add3A_1608, %add3A_1647 : vector<16xi32>
        %add3A_1649 = arith.constant 928981903 : i32
        %add3A_1650 = vector.broadcast %add3A_1649 : i32 to vector<16xi32>
        %add3A_1651 = arith.addi %add3A_1609, %add3A_1650 : vector<16xi32>
        %add3A_1652 = arith.constant 928981903 : i32
        %add3A_1653 = vector.broadcast %add3A_1652 : i32 to vector<16xi32>
        %add3A_1654 = arith.addi %add3A_1610, %add3A_1653 : vector<16xi32>
        %add3A_1655 = arith.constant -841280227 : i32
        %add3A_1656 = vector.broadcast %add3A_1655 : i32 to vector<16xi32>
        %add3A_1657 = arith.addi %xor3A_1639, %add3A_1656 : vector<16xi32>
        %add3A_1658 = arith.constant 3 : i32
        %add3A_1659 = vector.broadcast %add3A_1658 : i32 to vector<16xi32>
        %add3A_1660 = arith.addi %add3A_1657, %add3A_1659 : vector<16xi32>
        %add3A_1661 = arith.constant -841280227 : i32
        %add3A_1662 = vector.broadcast %add3A_1661 : i32 to vector<16xi32>
        %add3A_1663 = arith.addi %xor3A_1640, %add3A_1662 : vector<16xi32>
        %add3A_1664 = arith.constant 3 : i32
        %add3A_1665 = vector.broadcast %add3A_1664 : i32 to vector<16xi32>
        %add3A_1666 = arith.addi %add3A_1663, %add3A_1665 : vector<16xi32>
        %add3A_1667 = arith.constant -841280227 : i32
        %add3A_1668 = vector.broadcast %add3A_1667 : i32 to vector<16xi32>
        %add3A_1669 = arith.addi %xor3A_1641, %add3A_1668 : vector<16xi32>
        %add3A_1670 = arith.constant 3 : i32
        %add3A_1671 = vector.broadcast %add3A_1670 : i32 to vector<16xi32>
        %add3A_1672 = arith.addi %add3A_1669, %add3A_1671 : vector<16xi32>
        %add3A_1673 = arith.constant -841280227 : i32
        %add3A_1674 = vector.broadcast %add3A_1673 : i32 to vector<16xi32>
        %add3A_1675 = arith.addi %xor3A_1642, %add3A_1674 : vector<16xi32>
        %add3A_1676 = arith.constant 3 : i32
        %add3A_1677 = vector.broadcast %add3A_1676 : i32 to vector<16xi32>
        %add3A_1678 = arith.addi %add3A_1675, %add3A_1677 : vector<16xi32>
        %add3A_1679 = arith.addi %add3A_1645, %add3A_1660 : vector<16xi32>
        %add3A_1680 = arith.addi %add3A_1648, %add3A_1666 : vector<16xi32>
        %add3A_1681 = arith.addi %add3A_1651, %add3A_1672 : vector<16xi32>
        %add3A_1682 = arith.addi %add3A_1654, %add3A_1678 : vector<16xi32>
        %shift_left3A_1683 = arith.constant 17 : i32
        %shift_left3A_1684 = vector.broadcast %shift_left3A_1683 : i32 to vector<16xi32>
        %shift_left3A_1685 = arith.shli %add3A_1660, %shift_left3A_1684 : vector<16xi32>
        %shift_right_logical3A_1686 = arith.constant 15 : i32
        %shift_right_logical3A_1687 = vector.broadcast %shift_right_logical3A_1686 : i32 to vector<16xi32>
        %shift_right_logical3A_1688 = arith.shrui %add3A_1660, %shift_right_logical3A_1687 : vector<16xi32>
        %or3A_1689 = arith.ori %shift_left3A_1685, %shift_right_logical3A_1688 : vector<16xi32>
        %shift_left3A_1690 = arith.constant 17 : i32
        %shift_left3A_1691 = vector.broadcast %shift_left3A_1690 : i32 to vector<16xi32>
        %shift_left3A_1692 = arith.shli %add3A_1666, %shift_left3A_1691 : vector<16xi32>
        %shift_right_logical3A_1693 = arith.constant 15 : i32
        %shift_right_logical3A_1694 = vector.broadcast %shift_right_logical3A_1693 : i32 to vector<16xi32>
        %shift_right_logical3A_1695 = arith.shrui %add3A_1666, %shift_right_logical3A_1694 : vector<16xi32>
        %or3A_1696 = arith.ori %shift_left3A_1692, %shift_right_logical3A_1695 : vector<16xi32>
        %shift_left3A_1697 = arith.constant 17 : i32
        %shift_left3A_1698 = vector.broadcast %shift_left3A_1697 : i32 to vector<16xi32>
        %shift_left3A_1699 = arith.shli %add3A_1672, %shift_left3A_1698 : vector<16xi32>
        %shift_right_logical3A_1700 = arith.constant 15 : i32
        %shift_right_logical3A_1701 = vector.broadcast %shift_right_logical3A_1700 : i32 to vector<16xi32>
        %shift_right_logical3A_1702 = arith.shrui %add3A_1672, %shift_right_logical3A_1701 : vector<16xi32>
        %or3A_1703 = arith.ori %shift_left3A_1699, %shift_right_logical3A_1702 : vector<16xi32>
        %shift_left3A_1704 = arith.constant 17 : i32
        %shift_left3A_1705 = vector.broadcast %shift_left3A_1704 : i32 to vector<16xi32>
        %shift_left3A_1706 = arith.shli %add3A_1678, %shift_left3A_1705 : vector<16xi32>
        %shift_right_logical3A_1707 = arith.constant 15 : i32
        %shift_right_logical3A_1708 = vector.broadcast %shift_right_logical3A_1707 : i32 to vector<16xi32>
        %shift_right_logical3A_1709 = arith.shrui %add3A_1678, %shift_right_logical3A_1708 : vector<16xi32>
        %or3A_1710 = arith.ori %shift_left3A_1706, %shift_right_logical3A_1709 : vector<16xi32>
        %xor3A_1711 = arith.xori %add3A_1679, %or3A_1689 : vector<16xi32>
        %xor3A_1712 = arith.xori %add3A_1680, %or3A_1696 : vector<16xi32>
        %xor3A_1713 = arith.xori %add3A_1681, %or3A_1703 : vector<16xi32>
        %xor3A_1714 = arith.xori %add3A_1682, %or3A_1710 : vector<16xi32>
        %add3A_1715 = arith.addi %add3A_1679, %xor3A_1711 : vector<16xi32>
        %add3A_1716 = arith.addi %add3A_1680, %xor3A_1712 : vector<16xi32>
        %add3A_1717 = arith.addi %add3A_1681, %xor3A_1713 : vector<16xi32>
        %add3A_1718 = arith.addi %add3A_1682, %xor3A_1714 : vector<16xi32>
        %shift_left3A_1719 = arith.constant 29 : i32
        %shift_left3A_1720 = vector.broadcast %shift_left3A_1719 : i32 to vector<16xi32>
        %shift_left3A_1721 = arith.shli %xor3A_1711, %shift_left3A_1720 : vector<16xi32>
        %shift_right_logical3A_1722 = arith.constant 3 : i32
        %shift_right_logical3A_1723 = vector.broadcast %shift_right_logical3A_1722 : i32 to vector<16xi32>
        %shift_right_logical3A_1724 = arith.shrui %xor3A_1711, %shift_right_logical3A_1723 : vector<16xi32>
        %or3A_1725 = arith.ori %shift_left3A_1721, %shift_right_logical3A_1724 : vector<16xi32>
        %shift_left3A_1726 = arith.constant 29 : i32
        %shift_left3A_1727 = vector.broadcast %shift_left3A_1726 : i32 to vector<16xi32>
        %shift_left3A_1728 = arith.shli %xor3A_1712, %shift_left3A_1727 : vector<16xi32>
        %shift_right_logical3A_1729 = arith.constant 3 : i32
        %shift_right_logical3A_1730 = vector.broadcast %shift_right_logical3A_1729 : i32 to vector<16xi32>
        %shift_right_logical3A_1731 = arith.shrui %xor3A_1712, %shift_right_logical3A_1730 : vector<16xi32>
        %or3A_1732 = arith.ori %shift_left3A_1728, %shift_right_logical3A_1731 : vector<16xi32>
        %shift_left3A_1733 = arith.constant 29 : i32
        %shift_left3A_1734 = vector.broadcast %shift_left3A_1733 : i32 to vector<16xi32>
        %shift_left3A_1735 = arith.shli %xor3A_1713, %shift_left3A_1734 : vector<16xi32>
        %shift_right_logical3A_1736 = arith.constant 3 : i32
        %shift_right_logical3A_1737 = vector.broadcast %shift_right_logical3A_1736 : i32 to vector<16xi32>
        %shift_right_logical3A_1738 = arith.shrui %xor3A_1713, %shift_right_logical3A_1737 : vector<16xi32>
        %or3A_1739 = arith.ori %shift_left3A_1735, %shift_right_logical3A_1738 : vector<16xi32>
        %shift_left3A_1740 = arith.constant 29 : i32
        %shift_left3A_1741 = vector.broadcast %shift_left3A_1740 : i32 to vector<16xi32>
        %shift_left3A_1742 = arith.shli %xor3A_1714, %shift_left3A_1741 : vector<16xi32>
        %shift_right_logical3A_1743 = arith.constant 3 : i32
        %shift_right_logical3A_1744 = vector.broadcast %shift_right_logical3A_1743 : i32 to vector<16xi32>
        %shift_right_logical3A_1745 = arith.shrui %xor3A_1714, %shift_right_logical3A_1744 : vector<16xi32>
        %or3A_1746 = arith.ori %shift_left3A_1742, %shift_right_logical3A_1745 : vector<16xi32>
        %xor3A_1747 = arith.xori %add3A_1715, %or3A_1725 : vector<16xi32>
        %xor3A_1748 = arith.xori %add3A_1716, %or3A_1732 : vector<16xi32>
        %xor3A_1749 = arith.xori %add3A_1717, %or3A_1739 : vector<16xi32>
        %xor3A_1750 = arith.xori %add3A_1718, %or3A_1746 : vector<16xi32>
        %add3A_1751 = arith.addi %add3A_1715, %xor3A_1747 : vector<16xi32>
        %add3A_1752 = arith.addi %add3A_1716, %xor3A_1748 : vector<16xi32>
        %add3A_1753 = arith.addi %add3A_1717, %xor3A_1749 : vector<16xi32>
        %add3A_1754 = arith.addi %add3A_1718, %xor3A_1750 : vector<16xi32>
        %shift_left3A_1755 = arith.constant 16 : i32
        %shift_left3A_1756 = vector.broadcast %shift_left3A_1755 : i32 to vector<16xi32>
        %shift_left3A_1757 = arith.shli %xor3A_1747, %shift_left3A_1756 : vector<16xi32>
        %shift_right_logical3A_1758 = arith.constant 16 : i32
        %shift_right_logical3A_1759 = vector.broadcast %shift_right_logical3A_1758 : i32 to vector<16xi32>
        %shift_right_logical3A_1760 = arith.shrui %xor3A_1747, %shift_right_logical3A_1759 : vector<16xi32>
        %or3A_1761 = arith.ori %shift_left3A_1757, %shift_right_logical3A_1760 : vector<16xi32>
        %shift_left3A_1762 = arith.constant 16 : i32
        %shift_left3A_1763 = vector.broadcast %shift_left3A_1762 : i32 to vector<16xi32>
        %shift_left3A_1764 = arith.shli %xor3A_1748, %shift_left3A_1763 : vector<16xi32>
        %shift_right_logical3A_1765 = arith.constant 16 : i32
        %shift_right_logical3A_1766 = vector.broadcast %shift_right_logical3A_1765 : i32 to vector<16xi32>
        %shift_right_logical3A_1767 = arith.shrui %xor3A_1748, %shift_right_logical3A_1766 : vector<16xi32>
        %or3A_1768 = arith.ori %shift_left3A_1764, %shift_right_logical3A_1767 : vector<16xi32>
        %shift_left3A_1769 = arith.constant 16 : i32
        %shift_left3A_1770 = vector.broadcast %shift_left3A_1769 : i32 to vector<16xi32>
        %shift_left3A_1771 = arith.shli %xor3A_1749, %shift_left3A_1770 : vector<16xi32>
        %shift_right_logical3A_1772 = arith.constant 16 : i32
        %shift_right_logical3A_1773 = vector.broadcast %shift_right_logical3A_1772 : i32 to vector<16xi32>
        %shift_right_logical3A_1774 = arith.shrui %xor3A_1749, %shift_right_logical3A_1773 : vector<16xi32>
        %or3A_1775 = arith.ori %shift_left3A_1771, %shift_right_logical3A_1774 : vector<16xi32>
        %shift_left3A_1776 = arith.constant 16 : i32
        %shift_left3A_1777 = vector.broadcast %shift_left3A_1776 : i32 to vector<16xi32>
        %shift_left3A_1778 = arith.shli %xor3A_1750, %shift_left3A_1777 : vector<16xi32>
        %shift_right_logical3A_1779 = arith.constant 16 : i32
        %shift_right_logical3A_1780 = vector.broadcast %shift_right_logical3A_1779 : i32 to vector<16xi32>
        %shift_right_logical3A_1781 = arith.shrui %xor3A_1750, %shift_right_logical3A_1780 : vector<16xi32>
        %or3A_1782 = arith.ori %shift_left3A_1778, %shift_right_logical3A_1781 : vector<16xi32>
        %xor3A_1783 = arith.xori %add3A_1751, %or3A_1761 : vector<16xi32>
        %xor3A_1784 = arith.xori %add3A_1752, %or3A_1768 : vector<16xi32>
        %xor3A_1785 = arith.xori %add3A_1753, %or3A_1775 : vector<16xi32>
        %xor3A_1786 = arith.xori %add3A_1754, %or3A_1782 : vector<16xi32>
        %add3A_1787 = arith.addi %add3A_1751, %xor3A_1783 : vector<16xi32>
        %add3A_1788 = arith.addi %add3A_1752, %xor3A_1784 : vector<16xi32>
        %add3A_1789 = arith.addi %add3A_1753, %xor3A_1785 : vector<16xi32>
        %add3A_1790 = arith.addi %add3A_1754, %xor3A_1786 : vector<16xi32>
        %shift_left3A_1791 = arith.constant 24 : i32
        %shift_left3A_1792 = vector.broadcast %shift_left3A_1791 : i32 to vector<16xi32>
        %shift_left3A_1793 = arith.shli %xor3A_1783, %shift_left3A_1792 : vector<16xi32>
        %shift_right_logical3A_1794 = arith.constant 8 : i32
        %shift_right_logical3A_1795 = vector.broadcast %shift_right_logical3A_1794 : i32 to vector<16xi32>
        %shift_right_logical3A_1796 = arith.shrui %xor3A_1783, %shift_right_logical3A_1795 : vector<16xi32>
        %or3A_1797 = arith.ori %shift_left3A_1793, %shift_right_logical3A_1796 : vector<16xi32>
        %shift_left3A_1798 = arith.constant 24 : i32
        %shift_left3A_1799 = vector.broadcast %shift_left3A_1798 : i32 to vector<16xi32>
        %shift_left3A_1800 = arith.shli %xor3A_1784, %shift_left3A_1799 : vector<16xi32>
        %shift_right_logical3A_1801 = arith.constant 8 : i32
        %shift_right_logical3A_1802 = vector.broadcast %shift_right_logical3A_1801 : i32 to vector<16xi32>
        %shift_right_logical3A_1803 = arith.shrui %xor3A_1784, %shift_right_logical3A_1802 : vector<16xi32>
        %or3A_1804 = arith.ori %shift_left3A_1800, %shift_right_logical3A_1803 : vector<16xi32>
        %shift_left3A_1805 = arith.constant 24 : i32
        %shift_left3A_1806 = vector.broadcast %shift_left3A_1805 : i32 to vector<16xi32>
        %shift_left3A_1807 = arith.shli %xor3A_1785, %shift_left3A_1806 : vector<16xi32>
        %shift_right_logical3A_1808 = arith.constant 8 : i32
        %shift_right_logical3A_1809 = vector.broadcast %shift_right_logical3A_1808 : i32 to vector<16xi32>
        %shift_right_logical3A_1810 = arith.shrui %xor3A_1785, %shift_right_logical3A_1809 : vector<16xi32>
        %or3A_1811 = arith.ori %shift_left3A_1807, %shift_right_logical3A_1810 : vector<16xi32>
        %shift_left3A_1812 = arith.constant 24 : i32
        %shift_left3A_1813 = vector.broadcast %shift_left3A_1812 : i32 to vector<16xi32>
        %shift_left3A_1814 = arith.shli %xor3A_1786, %shift_left3A_1813 : vector<16xi32>
        %shift_right_logical3A_1815 = arith.constant 8 : i32
        %shift_right_logical3A_1816 = vector.broadcast %shift_right_logical3A_1815 : i32 to vector<16xi32>
        %shift_right_logical3A_1817 = arith.shrui %xor3A_1786, %shift_right_logical3A_1816 : vector<16xi32>
        %or3A_1818 = arith.ori %shift_left3A_1814, %shift_right_logical3A_1817 : vector<16xi32>
        %xor3A_1819 = arith.xori %add3A_1787, %or3A_1797 : vector<16xi32>
        %xor3A_1820 = arith.xori %add3A_1788, %or3A_1804 : vector<16xi32>
        %xor3A_1821 = arith.xori %add3A_1789, %or3A_1811 : vector<16xi32>
        %xor3A_1822 = arith.xori %add3A_1790, %or3A_1818 : vector<16xi32>
        %add3A_1823 = arith.constant -841280227 : i32
        %add3A_1824 = vector.broadcast %add3A_1823 : i32 to vector<16xi32>
        %add3A_1825 = arith.addi %add3A_1787, %add3A_1824 : vector<16xi32>
        %add3A_1826 = arith.constant -841280227 : i32
        %add3A_1827 = vector.broadcast %add3A_1826 : i32 to vector<16xi32>
        %add3A_1828 = arith.addi %add3A_1788, %add3A_1827 : vector<16xi32>
        %add3A_1829 = arith.constant -841280227 : i32
        %add3A_1830 = vector.broadcast %add3A_1829 : i32 to vector<16xi32>
        %add3A_1831 = arith.addi %add3A_1789, %add3A_1830 : vector<16xi32>
        %add3A_1832 = arith.constant -841280227 : i32
        %add3A_1833 = vector.broadcast %add3A_1832 : i32 to vector<16xi32>
        %add3A_1834 = arith.addi %add3A_1790, %add3A_1833 : vector<16xi32>
        %add3A_1835 = arith.constant -514511544 : i32
        %add3A_1836 = vector.broadcast %add3A_1835 : i32 to vector<16xi32>
        %add3A_1837 = arith.addi %xor3A_1819, %add3A_1836 : vector<16xi32>
        %add3A_1838 = arith.constant 4 : i32
        %add3A_1839 = vector.broadcast %add3A_1838 : i32 to vector<16xi32>
        %add3A_1840 = arith.addi %add3A_1837, %add3A_1839 : vector<16xi32>
        %add3A_1841 = arith.constant -514511544 : i32
        %add3A_1842 = vector.broadcast %add3A_1841 : i32 to vector<16xi32>
        %add3A_1843 = arith.addi %xor3A_1820, %add3A_1842 : vector<16xi32>
        %add3A_1844 = arith.constant 4 : i32
        %add3A_1845 = vector.broadcast %add3A_1844 : i32 to vector<16xi32>
        %add3A_1846 = arith.addi %add3A_1843, %add3A_1845 : vector<16xi32>
        %add3A_1847 = arith.constant -514511544 : i32
        %add3A_1848 = vector.broadcast %add3A_1847 : i32 to vector<16xi32>
        %add3A_1849 = arith.addi %xor3A_1821, %add3A_1848 : vector<16xi32>
        %add3A_1850 = arith.constant 4 : i32
        %add3A_1851 = vector.broadcast %add3A_1850 : i32 to vector<16xi32>
        %add3A_1852 = arith.addi %add3A_1849, %add3A_1851 : vector<16xi32>
        %add3A_1853 = arith.constant -514511544 : i32
        %add3A_1854 = vector.broadcast %add3A_1853 : i32 to vector<16xi32>
        %add3A_1855 = arith.addi %xor3A_1822, %add3A_1854 : vector<16xi32>
        %add3A_1856 = arith.constant 4 : i32
        %add3A_1857 = vector.broadcast %add3A_1856 : i32 to vector<16xi32>
        %add3A_1858 = arith.addi %add3A_1855, %add3A_1857 : vector<16xi32>
        %add3A_1859 = arith.addi %add3A_1825, %add3A_1840 : vector<16xi32>
        %add3A_1860 = arith.addi %add3A_1828, %add3A_1846 : vector<16xi32>
        %add3A_1861 = arith.addi %add3A_1831, %add3A_1852 : vector<16xi32>
        %add3A_1862 = arith.addi %add3A_1834, %add3A_1858 : vector<16xi32>
        %shift_left3A_1863 = arith.constant 13 : i32
        %shift_left3A_1864 = vector.broadcast %shift_left3A_1863 : i32 to vector<16xi32>
        %shift_left3A_1865 = arith.shli %add3A_1840, %shift_left3A_1864 : vector<16xi32>
        %shift_right_logical3A_1866 = arith.constant 19 : i32
        %shift_right_logical3A_1867 = vector.broadcast %shift_right_logical3A_1866 : i32 to vector<16xi32>
        %shift_right_logical3A_1868 = arith.shrui %add3A_1840, %shift_right_logical3A_1867 : vector<16xi32>
        %or3A_1869 = arith.ori %shift_left3A_1865, %shift_right_logical3A_1868 : vector<16xi32>
        %shift_left3A_1870 = arith.constant 13 : i32
        %shift_left3A_1871 = vector.broadcast %shift_left3A_1870 : i32 to vector<16xi32>
        %shift_left3A_1872 = arith.shli %add3A_1846, %shift_left3A_1871 : vector<16xi32>
        %shift_right_logical3A_1873 = arith.constant 19 : i32
        %shift_right_logical3A_1874 = vector.broadcast %shift_right_logical3A_1873 : i32 to vector<16xi32>
        %shift_right_logical3A_1875 = arith.shrui %add3A_1846, %shift_right_logical3A_1874 : vector<16xi32>
        %or3A_1876 = arith.ori %shift_left3A_1872, %shift_right_logical3A_1875 : vector<16xi32>
        %shift_left3A_1877 = arith.constant 13 : i32
        %shift_left3A_1878 = vector.broadcast %shift_left3A_1877 : i32 to vector<16xi32>
        %shift_left3A_1879 = arith.shli %add3A_1852, %shift_left3A_1878 : vector<16xi32>
        %shift_right_logical3A_1880 = arith.constant 19 : i32
        %shift_right_logical3A_1881 = vector.broadcast %shift_right_logical3A_1880 : i32 to vector<16xi32>
        %shift_right_logical3A_1882 = arith.shrui %add3A_1852, %shift_right_logical3A_1881 : vector<16xi32>
        %or3A_1883 = arith.ori %shift_left3A_1879, %shift_right_logical3A_1882 : vector<16xi32>
        %shift_left3A_1884 = arith.constant 13 : i32
        %shift_left3A_1885 = vector.broadcast %shift_left3A_1884 : i32 to vector<16xi32>
        %shift_left3A_1886 = arith.shli %add3A_1858, %shift_left3A_1885 : vector<16xi32>
        %shift_right_logical3A_1887 = arith.constant 19 : i32
        %shift_right_logical3A_1888 = vector.broadcast %shift_right_logical3A_1887 : i32 to vector<16xi32>
        %shift_right_logical3A_1889 = arith.shrui %add3A_1858, %shift_right_logical3A_1888 : vector<16xi32>
        %or3A_1890 = arith.ori %shift_left3A_1886, %shift_right_logical3A_1889 : vector<16xi32>
        %xor3A_1891 = arith.xori %add3A_1859, %or3A_1869 : vector<16xi32>
        %xor3A_1892 = arith.xori %add3A_1860, %or3A_1876 : vector<16xi32>
        %xor3A_1893 = arith.xori %add3A_1861, %or3A_1883 : vector<16xi32>
        %xor3A_1894 = arith.xori %add3A_1862, %or3A_1890 : vector<16xi32>
        %add3A_1895 = arith.addi %add3A_1859, %xor3A_1891 : vector<16xi32>
        %add3A_1896 = arith.addi %add3A_1860, %xor3A_1892 : vector<16xi32>
        %add3A_1897 = arith.addi %add3A_1861, %xor3A_1893 : vector<16xi32>
        %add3A_1898 = arith.addi %add3A_1862, %xor3A_1894 : vector<16xi32>
        %shift_left3A_1899 = arith.constant 15 : i32
        %shift_left3A_1900 = vector.broadcast %shift_left3A_1899 : i32 to vector<16xi32>
        %shift_left3A_1901 = arith.shli %xor3A_1891, %shift_left3A_1900 : vector<16xi32>
        %shift_right_logical3A_1902 = arith.constant 17 : i32
        %shift_right_logical3A_1903 = vector.broadcast %shift_right_logical3A_1902 : i32 to vector<16xi32>
        %shift_right_logical3A_1904 = arith.shrui %xor3A_1891, %shift_right_logical3A_1903 : vector<16xi32>
        %or3A_1905 = arith.ori %shift_left3A_1901, %shift_right_logical3A_1904 : vector<16xi32>
        %shift_left3A_1906 = arith.constant 15 : i32
        %shift_left3A_1907 = vector.broadcast %shift_left3A_1906 : i32 to vector<16xi32>
        %shift_left3A_1908 = arith.shli %xor3A_1892, %shift_left3A_1907 : vector<16xi32>
        %shift_right_logical3A_1909 = arith.constant 17 : i32
        %shift_right_logical3A_1910 = vector.broadcast %shift_right_logical3A_1909 : i32 to vector<16xi32>
        %shift_right_logical3A_1911 = arith.shrui %xor3A_1892, %shift_right_logical3A_1910 : vector<16xi32>
        %or3A_1912 = arith.ori %shift_left3A_1908, %shift_right_logical3A_1911 : vector<16xi32>
        %shift_left3A_1913 = arith.constant 15 : i32
        %shift_left3A_1914 = vector.broadcast %shift_left3A_1913 : i32 to vector<16xi32>
        %shift_left3A_1915 = arith.shli %xor3A_1893, %shift_left3A_1914 : vector<16xi32>
        %shift_right_logical3A_1916 = arith.constant 17 : i32
        %shift_right_logical3A_1917 = vector.broadcast %shift_right_logical3A_1916 : i32 to vector<16xi32>
        %shift_right_logical3A_1918 = arith.shrui %xor3A_1893, %shift_right_logical3A_1917 : vector<16xi32>
        %or3A_1919 = arith.ori %shift_left3A_1915, %shift_right_logical3A_1918 : vector<16xi32>
        %shift_left3A_1920 = arith.constant 15 : i32
        %shift_left3A_1921 = vector.broadcast %shift_left3A_1920 : i32 to vector<16xi32>
        %shift_left3A_1922 = arith.shli %xor3A_1894, %shift_left3A_1921 : vector<16xi32>
        %shift_right_logical3A_1923 = arith.constant 17 : i32
        %shift_right_logical3A_1924 = vector.broadcast %shift_right_logical3A_1923 : i32 to vector<16xi32>
        %shift_right_logical3A_1925 = arith.shrui %xor3A_1894, %shift_right_logical3A_1924 : vector<16xi32>
        %or3A_1926 = arith.ori %shift_left3A_1922, %shift_right_logical3A_1925 : vector<16xi32>
        %xor3A_1927 = arith.xori %add3A_1895, %or3A_1905 : vector<16xi32>
        %xor3A_1928 = arith.xori %add3A_1896, %or3A_1912 : vector<16xi32>
        %xor3A_1929 = arith.xori %add3A_1897, %or3A_1919 : vector<16xi32>
        %xor3A_1930 = arith.xori %add3A_1898, %or3A_1926 : vector<16xi32>
        %add3A_1931 = arith.addi %add3A_1895, %xor3A_1927 : vector<16xi32>
        %add3A_1932 = arith.addi %add3A_1896, %xor3A_1928 : vector<16xi32>
        %add3A_1933 = arith.addi %add3A_1897, %xor3A_1929 : vector<16xi32>
        %add3A_1934 = arith.addi %add3A_1898, %xor3A_1930 : vector<16xi32>
        %shift_left3A_1935 = arith.constant 26 : i32
        %shift_left3A_1936 = vector.broadcast %shift_left3A_1935 : i32 to vector<16xi32>
        %shift_left3A_1937 = arith.shli %xor3A_1927, %shift_left3A_1936 : vector<16xi32>
        %shift_right_logical3A_1938 = arith.constant 6 : i32
        %shift_right_logical3A_1939 = vector.broadcast %shift_right_logical3A_1938 : i32 to vector<16xi32>
        %shift_right_logical3A_1940 = arith.shrui %xor3A_1927, %shift_right_logical3A_1939 : vector<16xi32>
        %or3A_1941 = arith.ori %shift_left3A_1937, %shift_right_logical3A_1940 : vector<16xi32>
        %shift_left3A_1942 = arith.constant 26 : i32
        %shift_left3A_1943 = vector.broadcast %shift_left3A_1942 : i32 to vector<16xi32>
        %shift_left3A_1944 = arith.shli %xor3A_1928, %shift_left3A_1943 : vector<16xi32>
        %shift_right_logical3A_1945 = arith.constant 6 : i32
        %shift_right_logical3A_1946 = vector.broadcast %shift_right_logical3A_1945 : i32 to vector<16xi32>
        %shift_right_logical3A_1947 = arith.shrui %xor3A_1928, %shift_right_logical3A_1946 : vector<16xi32>
        %or3A_1948 = arith.ori %shift_left3A_1944, %shift_right_logical3A_1947 : vector<16xi32>
        %shift_left3A_1949 = arith.constant 26 : i32
        %shift_left3A_1950 = vector.broadcast %shift_left3A_1949 : i32 to vector<16xi32>
        %shift_left3A_1951 = arith.shli %xor3A_1929, %shift_left3A_1950 : vector<16xi32>
        %shift_right_logical3A_1952 = arith.constant 6 : i32
        %shift_right_logical3A_1953 = vector.broadcast %shift_right_logical3A_1952 : i32 to vector<16xi32>
        %shift_right_logical3A_1954 = arith.shrui %xor3A_1929, %shift_right_logical3A_1953 : vector<16xi32>
        %or3A_1955 = arith.ori %shift_left3A_1951, %shift_right_logical3A_1954 : vector<16xi32>
        %shift_left3A_1956 = arith.constant 26 : i32
        %shift_left3A_1957 = vector.broadcast %shift_left3A_1956 : i32 to vector<16xi32>
        %shift_left3A_1958 = arith.shli %xor3A_1930, %shift_left3A_1957 : vector<16xi32>
        %shift_right_logical3A_1959 = arith.constant 6 : i32
        %shift_right_logical3A_1960 = vector.broadcast %shift_right_logical3A_1959 : i32 to vector<16xi32>
        %shift_right_logical3A_1961 = arith.shrui %xor3A_1930, %shift_right_logical3A_1960 : vector<16xi32>
        %or3A_1962 = arith.ori %shift_left3A_1958, %shift_right_logical3A_1961 : vector<16xi32>
        %xor3A_1963 = arith.xori %add3A_1931, %or3A_1941 : vector<16xi32>
        %xor3A_1964 = arith.xori %add3A_1932, %or3A_1948 : vector<16xi32>
        %xor3A_1965 = arith.xori %add3A_1933, %or3A_1955 : vector<16xi32>
        %xor3A_1966 = arith.xori %add3A_1934, %or3A_1962 : vector<16xi32>
        %add3A_1967 = arith.addi %add3A_1931, %xor3A_1963 : vector<16xi32>
        %add3A_1968 = arith.addi %add3A_1932, %xor3A_1964 : vector<16xi32>
        %add3A_1969 = arith.addi %add3A_1933, %xor3A_1965 : vector<16xi32>
        %add3A_1970 = arith.addi %add3A_1934, %xor3A_1966 : vector<16xi32>
        %shift_left3A_1971 = arith.constant 6 : i32
        %shift_left3A_1972 = vector.broadcast %shift_left3A_1971 : i32 to vector<16xi32>
        %shift_left3A_1973 = arith.shli %xor3A_1963, %shift_left3A_1972 : vector<16xi32>
        %shift_right_logical3A_1974 = arith.constant 26 : i32
        %shift_right_logical3A_1975 = vector.broadcast %shift_right_logical3A_1974 : i32 to vector<16xi32>
        %shift_right_logical3A_1976 = arith.shrui %xor3A_1963, %shift_right_logical3A_1975 : vector<16xi32>
        %or3A_1977 = arith.ori %shift_left3A_1973, %shift_right_logical3A_1976 : vector<16xi32>
        %shift_left3A_1978 = arith.constant 6 : i32
        %shift_left3A_1979 = vector.broadcast %shift_left3A_1978 : i32 to vector<16xi32>
        %shift_left3A_1980 = arith.shli %xor3A_1964, %shift_left3A_1979 : vector<16xi32>
        %shift_right_logical3A_1981 = arith.constant 26 : i32
        %shift_right_logical3A_1982 = vector.broadcast %shift_right_logical3A_1981 : i32 to vector<16xi32>
        %shift_right_logical3A_1983 = arith.shrui %xor3A_1964, %shift_right_logical3A_1982 : vector<16xi32>
        %or3A_1984 = arith.ori %shift_left3A_1980, %shift_right_logical3A_1983 : vector<16xi32>
        %shift_left3A_1985 = arith.constant 6 : i32
        %shift_left3A_1986 = vector.broadcast %shift_left3A_1985 : i32 to vector<16xi32>
        %shift_left3A_1987 = arith.shli %xor3A_1965, %shift_left3A_1986 : vector<16xi32>
        %shift_right_logical3A_1988 = arith.constant 26 : i32
        %shift_right_logical3A_1989 = vector.broadcast %shift_right_logical3A_1988 : i32 to vector<16xi32>
        %shift_right_logical3A_1990 = arith.shrui %xor3A_1965, %shift_right_logical3A_1989 : vector<16xi32>
        %or3A_1991 = arith.ori %shift_left3A_1987, %shift_right_logical3A_1990 : vector<16xi32>
        %shift_left3A_1992 = arith.constant 6 : i32
        %shift_left3A_1993 = vector.broadcast %shift_left3A_1992 : i32 to vector<16xi32>
        %shift_left3A_1994 = arith.shli %xor3A_1966, %shift_left3A_1993 : vector<16xi32>
        %shift_right_logical3A_1995 = arith.constant 26 : i32
        %shift_right_logical3A_1996 = vector.broadcast %shift_right_logical3A_1995 : i32 to vector<16xi32>
        %shift_right_logical3A_1997 = arith.shrui %xor3A_1966, %shift_right_logical3A_1996 : vector<16xi32>
        %or3A_1998 = arith.ori %shift_left3A_1994, %shift_right_logical3A_1997 : vector<16xi32>
        %xor3A_1999 = arith.xori %add3A_1967, %or3A_1977 : vector<16xi32>
        %xor3A_2000 = arith.xori %add3A_1968, %or3A_1984 : vector<16xi32>
        %xor3A_2001 = arith.xori %add3A_1969, %or3A_1991 : vector<16xi32>
        %xor3A_2002 = arith.xori %add3A_1970, %or3A_1998 : vector<16xi32>
        %add3A_2003 = arith.constant -514511544 : i32
        %add3A_2004 = vector.broadcast %add3A_2003 : i32 to vector<16xi32>
        %add3A_2005 = arith.addi %add3A_1967, %add3A_2004 : vector<16xi32>
        %add3A_2006 = arith.constant -514511544 : i32
        %add3A_2007 = vector.broadcast %add3A_2006 : i32 to vector<16xi32>
        %add3A_2008 = arith.addi %add3A_1968, %add3A_2007 : vector<16xi32>
        %add3A_2009 = arith.constant -514511544 : i32
        %add3A_2010 = vector.broadcast %add3A_2009 : i32 to vector<16xi32>
        %add3A_2011 = arith.addi %add3A_1969, %add3A_2010 : vector<16xi32>
        %add3A_2012 = arith.constant -514511544 : i32
        %add3A_2013 = vector.broadcast %add3A_2012 : i32 to vector<16xi32>
        %add3A_2014 = arith.addi %add3A_1970, %add3A_2013 : vector<16xi32>
        %add3A_2015 = arith.constant 928981903 : i32
        %add3A_2016 = vector.broadcast %add3A_2015 : i32 to vector<16xi32>
        %add3A_2017 = arith.addi %xor3A_1999, %add3A_2016 : vector<16xi32>
        %add3A_2018 = arith.constant 5 : i32
        %add3A_2019 = vector.broadcast %add3A_2018 : i32 to vector<16xi32>
        %add3A_2020 = arith.addi %add3A_2017, %add3A_2019 : vector<16xi32>
        %add3A_2021 = arith.constant 928981903 : i32
        %add3A_2022 = vector.broadcast %add3A_2021 : i32 to vector<16xi32>
        %add3A_2023 = arith.addi %xor3A_2000, %add3A_2022 : vector<16xi32>
        %add3A_2024 = arith.constant 5 : i32
        %add3A_2025 = vector.broadcast %add3A_2024 : i32 to vector<16xi32>
        %add3A_2026 = arith.addi %add3A_2023, %add3A_2025 : vector<16xi32>
        %add3A_2027 = arith.constant 928981903 : i32
        %add3A_2028 = vector.broadcast %add3A_2027 : i32 to vector<16xi32>
        %add3A_2029 = arith.addi %xor3A_2001, %add3A_2028 : vector<16xi32>
        %add3A_2030 = arith.constant 5 : i32
        %add3A_2031 = vector.broadcast %add3A_2030 : i32 to vector<16xi32>
        %add3A_2032 = arith.addi %add3A_2029, %add3A_2031 : vector<16xi32>
        %add3A_2033 = arith.constant 928981903 : i32
        %add3A_2034 = vector.broadcast %add3A_2033 : i32 to vector<16xi32>
        %add3A_2035 = arith.addi %xor3A_2002, %add3A_2034 : vector<16xi32>
        %add3A_2036 = arith.constant 5 : i32
        %add3A_2037 = vector.broadcast %add3A_2036 : i32 to vector<16xi32>
        %add3A_2038 = arith.addi %add3A_2035, %add3A_2037 : vector<16xi32>
        %xor3A_2039 = arith.xori %add3A_2005, %add3A_2020 : vector<16xi32>
        %shift_right_logical3A_2040 = arith.constant 9 : i32
        %shift_right_logical3A_2041 = vector.broadcast %shift_right_logical3A_2040 : i32 to vector<16xi32>
        %shift_right_logical3A_2042 = arith.shrui %xor3A_2039, %shift_right_logical3A_2041 : vector<16xi32>
        %or3A_2043 = arith.constant 1065353216 : i32
        %or3A_2044 = vector.broadcast %or3A_2043 : i32 to vector<16xi32>
        %or3A_2045 = arith.ori %shift_right_logical3A_2042, %or3A_2044 : vector<16xi32>
        %bitcast_convert_type3A_2046 = tpu.bitcast %or3A_2045 : vector<16xi32> -> vector<16xf32>
        %sub3A_2047 = arith.constant 1.000000e+00 : f32
        %sub3A_2048 = vector.broadcast %sub3A_2047 : f32 to vector<16xf32>
        %sub3A_2049 = arith.subf %bitcast_convert_type3A_2046, %sub3A_2048 : vector<16xf32>
        %mul3A_2050 = arith.constant 2.000000e+00 : f32
        %mul3A_2051 = vector.broadcast %mul3A_2050 : f32 to vector<16xf32>
        %mul3A_2052 = arith.mulf %sub3A_2049, %mul3A_2051 : vector<16xf32>
        %add3A_2053 = arith.constant -0.99999994 : f32
        %add3A_2054 = vector.broadcast %add3A_2053 : f32 to vector<16xf32>
        %add3A_2055 = arith.addf %mul3A_2052, %add3A_2054 : vector<16xf32>
        %max3A_2056 = arith.constant -0.99999994 : f32
        %max3A_2057 = vector.broadcast %max3A_2056 : f32 to vector<16xf32>
        %max3A_2058 = arith.maximumf %max3A_2057, %add3A_2055 : vector<16xf32>
        %xor3A_2059 = arith.xori %add3A_2008, %add3A_2026 : vector<16xi32>
        %shift_right_logical3A_2060 = arith.constant 9 : i32
        %shift_right_logical3A_2061 = vector.broadcast %shift_right_logical3A_2060 : i32 to vector<16xi32>
        %shift_right_logical3A_2062 = arith.shrui %xor3A_2059, %shift_right_logical3A_2061 : vector<16xi32>
        %or3A_2063 = arith.constant 1065353216 : i32
        %or3A_2064 = vector.broadcast %or3A_2063 : i32 to vector<16xi32>
        %or3A_2065 = arith.ori %shift_right_logical3A_2062, %or3A_2064 : vector<16xi32>
        %bitcast_convert_type3A_2066 = tpu.bitcast %or3A_2065 : vector<16xi32> -> vector<16xf32>
        %sub3A_2067 = arith.constant 1.000000e+00 : f32
        %sub3A_2068 = vector.broadcast %sub3A_2067 : f32 to vector<16xf32>
        %sub3A_2069 = arith.subf %bitcast_convert_type3A_2066, %sub3A_2068 : vector<16xf32>
        %mul3A_2070 = arith.constant 2.000000e+00 : f32
        %mul3A_2071 = vector.broadcast %mul3A_2070 : f32 to vector<16xf32>
        %mul3A_2072 = arith.mulf %sub3A_2069, %mul3A_2071 : vector<16xf32>
        %add3A_2073 = arith.constant -0.99999994 : f32
        %add3A_2074 = vector.broadcast %add3A_2073 : f32 to vector<16xf32>
        %add3A_2075 = arith.addf %mul3A_2072, %add3A_2074 : vector<16xf32>
        %max3A_2076 = arith.constant -0.99999994 : f32
        %max3A_2077 = vector.broadcast %max3A_2076 : f32 to vector<16xf32>
        %max3A_2078 = arith.maximumf %max3A_2077, %add3A_2075 : vector<16xf32>
        %xor3A_2079 = arith.xori %add3A_2011, %add3A_2032 : vector<16xi32>
        %shift_right_logical3A_2080 = arith.constant 9 : i32
        %shift_right_logical3A_2081 = vector.broadcast %shift_right_logical3A_2080 : i32 to vector<16xi32>
        %shift_right_logical3A_2082 = arith.shrui %xor3A_2079, %shift_right_logical3A_2081 : vector<16xi32>
        %or3A_2083 = arith.constant 1065353216 : i32
        %or3A_2084 = vector.broadcast %or3A_2083 : i32 to vector<16xi32>
        %or3A_2085 = arith.ori %shift_right_logical3A_2082, %or3A_2084 : vector<16xi32>
        %bitcast_convert_type3A_2086 = tpu.bitcast %or3A_2085 : vector<16xi32> -> vector<16xf32>
        %sub3A_2087 = arith.constant 1.000000e+00 : f32
        %sub3A_2088 = vector.broadcast %sub3A_2087 : f32 to vector<16xf32>
        %sub3A_2089 = arith.subf %bitcast_convert_type3A_2086, %sub3A_2088 : vector<16xf32>
        %mul3A_2090 = arith.constant 2.000000e+00 : f32
        %mul3A_2091 = vector.broadcast %mul3A_2090 : f32 to vector<16xf32>
        %mul3A_2092 = arith.mulf %sub3A_2089, %mul3A_2091 : vector<16xf32>
        %add3A_2093 = arith.constant -0.99999994 : f32
        %add3A_2094 = vector.broadcast %add3A_2093 : f32 to vector<16xf32>
        %add3A_2095 = arith.addf %mul3A_2092, %add3A_2094 : vector<16xf32>
        %max3A_2096 = arith.constant -0.99999994 : f32
        %max3A_2097 = vector.broadcast %max3A_2096 : f32 to vector<16xf32>
        %max3A_2098 = arith.maximumf %max3A_2097, %add3A_2095 : vector<16xf32>
        %xor3A_2099 = arith.xori %add3A_2014, %add3A_2038 : vector<16xi32>
        %shift_right_logical3A_2100 = arith.constant 9 : i32
        %shift_right_logical3A_2101 = vector.broadcast %shift_right_logical3A_2100 : i32 to vector<16xi32>
        %shift_right_logical3A_2102 = arith.shrui %xor3A_2099, %shift_right_logical3A_2101 : vector<16xi32>
        %or3A_2103 = arith.constant 1065353216 : i32
        %or3A_2104 = vector.broadcast %or3A_2103 : i32 to vector<16xi32>
        %or3A_2105 = arith.ori %shift_right_logical3A_2102, %or3A_2104 : vector<16xi32>
        %bitcast_convert_type3A_2106 = tpu.bitcast %or3A_2105 : vector<16xi32> -> vector<16xf32>
        %sub3A_2107 = arith.constant 1.000000e+00 : f32
        %sub3A_2108 = vector.broadcast %sub3A_2107 : f32 to vector<16xf32>
        %sub3A_2109 = arith.subf %bitcast_convert_type3A_2106, %sub3A_2108 : vector<16xf32>
        %mul3A_2110 = arith.constant 2.000000e+00 : f32
        %mul3A_2111 = vector.broadcast %mul3A_2110 : f32 to vector<16xf32>
        %mul3A_2112 = arith.mulf %sub3A_2109, %mul3A_2111 : vector<16xf32>
        %add3A_2113 = arith.constant -0.99999994 : f32
        %add3A_2114 = vector.broadcast %add3A_2113 : f32 to vector<16xf32>
        %add3A_2115 = arith.addf %mul3A_2112, %add3A_2114 : vector<16xf32>
        %max3A_2116 = arith.constant -0.99999994 : f32
        %max3A_2117 = vector.broadcast %max3A_2116 : f32 to vector<16xf32>
        %max3A_2118 = arith.maximumf %max3A_2117, %add3A_2115 : vector<16xf32>
        %jit3A_2119 = arith.constant 32 : i32
        %div3A_2120 = arith.divsi %scan3A_1098, %jit3A_2119 : i32
        %sign3A_2121 = arith.constant 0 : i32
        %sign3A_2122 = arith.cmpi sgt, %scan3A_1098, %sign3A_2121 : i32
        %sign3A_2123 = arith.extui %sign3A_2122 : i1 to i32
        %sign3A_2124 = arith.constant 0 : i32
        %sign3A_2125 = arith.cmpi slt, %scan3A_1098, %sign3A_2124 : i32
        %sign3A_2126 = arith.extui %sign3A_2125 : i1 to i32
        %sign3A_2127 = arith.subi %sign3A_2123, %sign3A_2126 : i32
        %sign3A_2128 = arith.constant 0 : i32
        %sign3A_2129 = arith.cmpi sgt, %jit3A_2119, %sign3A_2128 : i32
        %sign3A_2130 = arith.extui %sign3A_2129 : i1 to i32
        %sign3A_2131 = arith.constant 0 : i32
        %sign3A_2132 = arith.cmpi slt, %jit3A_2119, %sign3A_2131 : i32
        %sign3A_2133 = arith.extui %sign3A_2132 : i1 to i32
        %sign3A_2134 = arith.subi %sign3A_2130, %sign3A_2133 : i32
        %ne3A_2135 = arith.cmpi ne, %sign3A_2127, %sign3A_2134 : i32
        %rem3A_2136 = arith.remsi %scan3A_1098, %jit3A_2119 : i32
        %ne3A_2137 = arith.constant 0 : i32
        %ne3A_2138 = arith.cmpi ne, %rem3A_2136, %ne3A_2137 : i32
        %and3A_2139 = arith.andi %ne3A_2135, %ne3A_2138 : i1
        %sub3A_2140 = arith.constant 1 : i32
        %sub3A_2141 = arith.subi %div3A_2120, %sub3A_2140 : i32
        %select_n3A_2142 = arith.select %and3A_2139, %sub3A_2141, %div3A_2120 : i32
        %jit3A_2143 = arith.constant 32 : i32
        %eq3A_2144 = arith.constant 0 : i32
        %eq3A_2145 = arith.cmpi eq, %jit3A_2143, %eq3A_2144 : i32
        %jit3A_2146 = arith.constant 1 : i32
        %select_n3A_2147 = arith.select %eq3A_2145, %jit3A_2146, %jit3A_2143 : i32
        %rem3A_2148 = arith.remsi %scan3A_1098, %select_n3A_2147 : i32
        %ne3A_2149 = arith.constant 0 : i32
        %ne3A_2150 = arith.cmpi ne, %rem3A_2148, %ne3A_2149 : i32
        %lt3A_2151 = arith.constant 0 : i32
        %lt3A_2152 = arith.cmpi slt, %rem3A_2148, %lt3A_2151 : i32
        %lt3A_2153 = arith.constant 0 : i32
        %lt3A_2154 = arith.cmpi slt, %select_n3A_2147, %lt3A_2153 : i32
        %ne3A_2155 = arith.xori %lt3A_2152, %lt3A_2154 : i1
        %and3A_2156 = arith.andi %ne3A_2155, %ne3A_2150 : i1
        %add3A_2157 = arith.addi %rem3A_2148, %select_n3A_2147 : i32
        %select_n3A_2158 = arith.select %and3A_2156, %add3A_2157, %rem3A_2148 : i32
        %mul3A_2159 = arith.constant 64 : i32
        %mul3A_2160 = arith.muli %select_n3A_2158, %mul3A_2159 : i32
        %add3A_2161 = arith.constant 0 : i32
        %add3A_2162 = arith.addi %mul3A_2160, %add3A_2161 : i32
        %swap3A_2163 = arith.index_cast %select_n3A_2142 : i32 to index
        %swap3A_2164 = arith.index_cast %add3A_2162 : i32 to index
        %swap3A_2165 = tpu.vector_load %arg3[%swap3A_2163, %swap3A_2164] {strides = array<i32>} : memref<8x2048xf32, #tpu.memory_space<vmem>>, vector<1x16xf32>,
        %swap3A_2166 = vector.shape_cast %swap3A_2165 : vector<1x16xf32> to vector<16xf32>
        %swap3A_2167 = vector.shape_cast %max3A_2058 : vector<16xf32> to vector<1x16xf32>
        tpu.vector_store %arg3[%swap3A_2163, %swap3A_2164], %swap3A_2167 {strides = array<i32>} : memref<8x2048xf32, #tpu.memory_space<vmem>>, vector<1x16xf32>,
        %add3A_2168 = arith.constant 16 : i32
        %add3A_2169 = arith.addi %mul3A_2160, %add3A_2168 : i32
        %swap3A_2170 = arith.index_cast %select_n3A_2142 : i32 to index
        %swap3A_2171 = arith.index_cast %add3A_2169 : i32 to index
        %swap3A_2172 = tpu.vector_load %arg3[%swap3A_2170, %swap3A_2171] {strides = array<i32>} : memref<8x2048xf32, #tpu.memory_space<vmem>>, vector<1x16xf32>,
        %swap3A_2173 = vector.shape_cast %swap3A_2172 : vector<1x16xf32> to vector<16xf32>
        %swap3A_2174 = vector.shape_cast %max3A_2078 : vector<16xf32> to vector<1x16xf32>
        tpu.vector_store %arg3[%swap3A_2170, %swap3A_2171], %swap3A_2174 {strides = array<i32>} : memref<8x2048xf32, #tpu.memory_space<vmem>>, vector<1x16xf32>,
        %add3A_2175 = arith.constant 32 : i32
        %add3A_2176 = arith.addi %mul3A_2160, %add3A_2175 : i32
        %swap3A_2177 = arith.index_cast %select_n3A_2142 : i32 to index
        %swap3A_2178 = arith.index_cast %add3A_2176 : i32 to index
        %swap3A_2179 = tpu.vector_load %arg3[%swap3A_2177, %swap3A_2178] {strides = array<i32>} : memref<8x2048xf32, #tpu.memory_space<vmem>>, vector<1x16xf32>,
        %swap3A_2180 = vector.shape_cast %swap3A_2179 : vector<1x16xf32> to vector<16xf32>
        %swap3A_2181 = vector.shape_cast %max3A_2098 : vector<16xf32> to vector<1x16xf32>
        tpu.vector_store %arg3[%swap3A_2177, %swap3A_2178], %swap3A_2181 {strides = array<i32>} : memref<8x2048xf32, #tpu.memory_space<vmem>>, vector<1x16xf32>,
        %add3A_2182 = arith.constant 48 : i32
        %add3A_2183 = arith.addi %mul3A_2160, %add3A_2182 : i32
        %swap3A_2184 = arith.index_cast %select_n3A_2142 : i32 to index
        %swap3A_2185 = arith.index_cast %add3A_2183 : i32 to index
        %swap3A_2186 = tpu.vector_load %arg3[%swap3A_2184, %swap3A_2185] {strides = array<i32>} : memref<8x2048xf32, #tpu.memory_space<vmem>>, vector<1x16xf32>,
        %swap3A_2187 = vector.shape_cast %swap3A_2186 : vector<1x16xf32> to vector<16xf32>
        %swap3A_2188 = vector.shape_cast %max3A_2118 : vector<16xf32> to vector<1x16xf32>
        tpu.vector_store %arg3[%swap3A_2184, %swap3A_2185], %swap3A_2188 {strides = array<i32>} : memref<8x2048xf32, #tpu.memory_space<vmem>>, vector<1x16xf32>,
      }
      %scan3A_19 = arith.constant 256 : i32
      %mul3A_20 = arith.constant 176 : i32
      %mul3A_21 = arith.muli %add3A, %mul3A_20 : i32
      %mul3A_22 = arith.constant 8 : i32
      %mul3A_23 = arith.muli %scan3A_10, %mul3A_22 : i32
      %add3A_24 = arith.addi %mul3A_21, %mul3A_23 : i32
      "tpu.region"() ({
        %run_scoped3A = tpu.sem_alloc : memref<!tpu.dma_semaphore, #tpu.memory_space<semaphore_mem>>
        %dma_start3A = arith.constant 0 : i32
        %dma_start3A_25 = tpu.memref_slice %arg2[%add3A_24, %dma_start3A] : memref<5632x2048xf32, #tpu.memory_space<hbm>> -> memref<8x2048xf32, #tpu.memory_space<hbm>>
        %dma_start3A_26 = arith.constant 0 : i32
        %dma_start3A_27 = tpu.memref_slice %arg2[%add3A_24, %dma_start3A_26] : memref<5632x2048xf32, #tpu.memory_space<hbm>> -> memref<8x2048xf32, #tpu.memory_space<hbm>>
        tpu.enqueue_dma source(%arg3 : memref<8x2048xf32, #tpu.memory_space<vmem>>) target(%dma_start3A_27 : memref<8x2048xf32, #tpu.memory_space<hbm>>) target_semaphore(%run_scoped3A : memref<!tpu.dma_semaphore, #tpu.memory_space<semaphore_mem>>)
        %dma_wait3A = arith.constant 0 : i32
        %dma_wait3A_28 = tpu.memref_slice %arg2[%add3A_24, %dma_wait3A] : memref<5632x2048xf32, #tpu.memory_space<hbm>> -> memref<8x2048xf32, #tpu.memory_space<hbm>>
        %dma_wait3A_29 = arith.constant 0 : i32
        %dma_wait3A_30 = tpu.memref_slice %arg2[%add3A_24, %dma_wait3A_29] : memref<5632x2048xf32, #tpu.memory_space<hbm>> -> memref<8x2048xf32, #tpu.memory_space<hbm>>
        tpu.wait_dma2 semaphore(%run_scoped3A : memref<!tpu.dma_semaphore, #tpu.memory_space<semaphore_mem>>) src(%arg3 : memref<8x2048xf32, #tpu.memory_space<vmem>>) dst(%dma_wait3A_30 : memref<8x2048xf32, #tpu.memory_space<hbm>>)
        tpu.yield
      }) : () -> ()
    }
    %scan3A_9 = arith.constant 22 : i32
    return
  }
}

module attributes {stable_mosaic.version = 14 : i64} {
  func.func @_main_body(%arg0: i32, %arg1: memref<1024x2048xf32, #tpu.memory_space<vmem>>, %arg2: memref<256x2048xf32, #tpu.memory_space<vmem>>, %arg3: memref<256x2048xf32, #tpu.memory_space<vmem>>, %arg4: memref<4xf32, #tpu.memory_space<smem>>) attributes {dimension_semantics = [#tpu.dimension_semantics<arbitrary>], iteration_bounds = array<i64: 58>, scalar_prefetch = 0 : i64, scratch_operands = 0 : i64, tpu.core_type = #tpu.core_type<tc>, window_params = [{transform_indices = @transform_0, window_bounds = array<i64: 1024, 2048>}, {transform_indices = @transform_1, window_bounds = array<i64: 256, 2048>}, {transform_indices = @transform_2, window_bounds = array<i64: 256, 2048>}, {transform_indices = @transform_3, window_bounds = array<i64: 4>}]} {
    %eq3A = arith.constant 0 : i32
    %eq3A_0 = arith.cmpi eq, %arg0, %eq3A : i32
    %convert_element_type3A = arith.extui %eq3A_0 : i1 to i32
    %cond3A = arith.constant 0 : i32
    %cond3A_1 = arith.cmpi ne, %convert_element_type3A, %cond3A : i32
    scf.if %cond3A_1 {
      %swap3A = arith.constant 0.000000e+00 : f32
      %swap3A_15 = arith.constant 0 : index
      %swap3A_16 = memref.load %arg4[%swap3A_15] : memref<4xf32, #tpu.memory_space<smem>>
      memref.store %swap3A, %arg4[%swap3A_15] : memref<4xf32, #tpu.memory_space<smem>>
      %swap3A_17 = arith.constant 0.000000e+00 : f32
      %swap3A_18 = arith.constant 1 : index
      %swap3A_19 = memref.load %arg4[%swap3A_18] : memref<4xf32, #tpu.memory_space<smem>>
      memref.store %swap3A_17, %arg4[%swap3A_18] : memref<4xf32, #tpu.memory_space<smem>>
    } else {
    }
    %lt3A = arith.constant 16 : i32
    %lt3A_2 = arith.cmpi slt, %arg0, %lt3A : i32
    %convert_element_type3A_3 = arith.extui %lt3A_2 : i1 to i32
    %cond3A_4 = arith.constant 0 : i32
    %cond3A_5 = arith.cmpi ne, %convert_element_type3A_3, %cond3A_4 : i32
    scf.if %cond3A_5 {
      %get3A = arith.constant 0 : index
      %get3A_15 = arith.constant 0 : index
      %get3A_16 = vector.load %arg1[%get3A, %get3A_15] : memref<1024x2048xf32, #tpu.memory_space<vmem>>, vector<1024x2048xf32>
      %get3A_17 = arith.constant 0 : index
      %get3A_18 = memref.load %arg4[%get3A_17] : memref<4xf32, #tpu.memory_space<smem>>
      %reduce_sum3A = vector.shape_cast %get3A_16 : vector<1024x2048xf32> to vector<1x1024x2048xf32>
      %reduce_sum3A_19 = arith.constant dense<0.000000e+00> : vector<1xf32>
      %reduce_sum3A_20 = vector.multi_reduction <add>, %reduce_sum3A, %reduce_sum3A_19 [1, 2] : vector<1x1024x2048xf32> to vector<1xf32>
      %reduce_sum3A_21 = vector.shape_cast %reduce_sum3A_20 : vector<1xf32> to vector<1x1x1xf32>
      %reduce_sum3A_22 = vector.extract %reduce_sum3A_21[0, 0, 0] : f32 from vector<1x1x1xf32>
      %add3A = arith.addf %get3A_18, %reduce_sum3A_22 : f32
      %swap3A = arith.constant 0 : index
      %swap3A_23 = memref.load %arg4[%swap3A] : memref<4xf32, #tpu.memory_space<smem>>
      memref.store %add3A, %arg4[%swap3A] : memref<4xf32, #tpu.memory_space<smem>>
      %get3A_24 = arith.constant 1 : index
      %get3A_25 = memref.load %arg4[%get3A_24] : memref<4xf32, #tpu.memory_space<smem>>
      %mul3A = arith.mulf %get3A_16, %get3A_16 : vector<1024x2048xf32>
      %reduce_sum3A_26 = vector.shape_cast %mul3A : vector<1024x2048xf32> to vector<1x1024x2048xf32>
      %reduce_sum3A_27 = arith.constant dense<0.000000e+00> : vector<1xf32>
      %reduce_sum3A_28 = vector.multi_reduction <add>, %reduce_sum3A_26, %reduce_sum3A_27 [1, 2] : vector<1x1024x2048xf32> to vector<1xf32>
      %reduce_sum3A_29 = vector.shape_cast %reduce_sum3A_28 : vector<1xf32> to vector<1x1x1xf32>
      %reduce_sum3A_30 = vector.extract %reduce_sum3A_29[0, 0, 0] : f32 from vector<1x1x1xf32>
      %add3A_31 = arith.addf %get3A_25, %reduce_sum3A_30 : f32
      %swap3A_32 = arith.constant 1 : index
      %swap3A_33 = memref.load %arg4[%swap3A_32] : memref<4xf32, #tpu.memory_space<smem>>
      memref.store %add3A_31, %arg4[%swap3A_32] : memref<4xf32, #tpu.memory_space<smem>>
    } else {
    }
    %eq3A_6 = arith.constant 16 : i32
    %eq3A_7 = arith.cmpi eq, %arg0, %eq3A_6 : i32
    %convert_element_type3A_8 = arith.extui %eq3A_7 : i1 to i32
    %cond3A_9 = arith.constant 0 : i32
    %cond3A_10 = arith.cmpi ne, %convert_element_type3A_8, %cond3A_9 : i32
    scf.if %cond3A_10 {
      %get3A = arith.constant 0 : index
      %get3A_15 = memref.load %arg4[%get3A] : memref<4xf32, #tpu.memory_space<smem>>
      %div3A = arith.constant 0x4C000000 : f32
      %div3A_16 = arith.divf %get3A_15, %div3A : f32
      %get3A_17 = arith.constant 1 : index
      %get3A_18 = memref.load %arg4[%get3A_17] : memref<4xf32, #tpu.memory_space<smem>>
      %get3A_19 = arith.constant 0 : index
      %get3A_20 = memref.load %arg4[%get3A_19] : memref<4xf32, #tpu.memory_space<smem>>
      %mul3A = arith.mulf %get3A_20, %div3A_16 : f32
      %sub3A = arith.subf %get3A_18, %mul3A : f32
      %sub3A_21 = arith.constant 0x4C000000 : f32
      %sub3A_22 = arith.constant 1.000000e+00 : f32
      %sub3A_23 = arith.subf %sub3A_21, %sub3A_22 : f32
      %div3A_24 = arith.divf %sub3A, %sub3A_23 : f32
      %sqrt3A = math.sqrt %div3A_24 : f32
      %swap3A = arith.constant 2 : index
      %swap3A_25 = memref.load %arg4[%swap3A] : memref<4xf32, #tpu.memory_space<smem>>
      memref.store %sqrt3A, %arg4[%swap3A] : memref<4xf32, #tpu.memory_space<smem>>
      %swap3A_26 = arith.constant 3 : index
      %swap3A_27 = memref.load %arg4[%swap3A_26] : memref<4xf32, #tpu.memory_space<smem>>
      memref.store %div3A_16, %arg4[%swap3A_26] : memref<4xf32, #tpu.memory_space<smem>>
    } else {
    }
    %ge3A = arith.constant 16 : i32
    %ge3A_11 = arith.cmpi sge, %arg0, %ge3A : i32
    %convert_element_type3A_12 = arith.extui %ge3A_11 : i1 to i32
    %cond3A_13 = arith.constant 0 : i32
    %cond3A_14 = arith.cmpi ne, %convert_element_type3A_12, %cond3A_13 : i32
    scf.if %cond3A_14 {
      %sub3A = arith.constant 16 : i32
      %sub3A_15 = arith.subi %arg0, %sub3A : i32
      %mul3A = arith.constant 256 : i32
      %mul3A_16 = arith.muli %sub3A_15, %mul3A : i32
      %mul3A_17 = arith.constant 2048 : i32
      %mul3A_18 = arith.muli %mul3A_16, %mul3A_17 : i32
      %iota3A = tpu.iota {dimensions = array<i32: 0>} : vector<256x2048xi32>
      %iota3A_19 = tpu.iota {dimensions = array<i32: 1>} : vector<256x2048xi32>
      %mul3A_20 = arith.constant 2048 : i32
      %mul3A_21 = vector.broadcast %mul3A_20 : i32 to vector<256x2048xi32>
      %mul3A_22 = arith.muli %iota3A, %mul3A_21 : vector<256x2048xi32>
      %add3A = vector.broadcast %mul3A_18 : i32 to vector<256x2048xi32>
      %add3A_23 = arith.addi %add3A, %mul3A_22 : vector<256x2048xi32>
      %add3A_24 = arith.addi %add3A_23, %iota3A_19 : vector<256x2048xi32>
      %broadcast_in_dim3A = arith.constant 928981903 : i32
      %broadcast_in_dim3A_25 = vector.broadcast %broadcast_in_dim3A : i32 to vector<256x2048xi32>
      %add3A_26 = arith.constant -841280227 : i32
      %add3A_27 = vector.broadcast %add3A_26 : i32 to vector<256x2048xi32>
      %add3A_28 = arith.addi %add3A_24, %add3A_27 : vector<256x2048xi32>
      %add3A_29 = arith.addi %broadcast_in_dim3A_25, %add3A_28 : vector<256x2048xi32>
      %shift_left3A = arith.constant 13 : i32
      %shift_left3A_30 = vector.broadcast %shift_left3A : i32 to vector<256x2048xi32>
      %shift_left3A_31 = arith.shli %add3A_28, %shift_left3A_30 : vector<256x2048xi32>
      %shift_right_logical3A = arith.constant 19 : i32
      %shift_right_logical3A_32 = vector.broadcast %shift_right_logical3A : i32 to vector<256x2048xi32>
      %shift_right_logical3A_33 = arith.shrui %add3A_28, %shift_right_logical3A_32 : vector<256x2048xi32>
      %or3A = arith.ori %shift_left3A_31, %shift_right_logical3A_33 : vector<256x2048xi32>
      %xor3A = arith.xori %add3A_29, %or3A : vector<256x2048xi32>
      %add3A_34 = arith.addi %add3A_29, %xor3A : vector<256x2048xi32>
      %shift_left3A_35 = arith.constant 15 : i32
      %shift_left3A_36 = vector.broadcast %shift_left3A_35 : i32 to vector<256x2048xi32>
      %shift_left3A_37 = arith.shli %xor3A, %shift_left3A_36 : vector<256x2048xi32>
      %shift_right_logical3A_38 = arith.constant 17 : i32
      %shift_right_logical3A_39 = vector.broadcast %shift_right_logical3A_38 : i32 to vector<256x2048xi32>
      %shift_right_logical3A_40 = arith.shrui %xor3A, %shift_right_logical3A_39 : vector<256x2048xi32>
      %or3A_41 = arith.ori %shift_left3A_37, %shift_right_logical3A_40 : vector<256x2048xi32>
      %xor3A_42 = arith.xori %add3A_34, %or3A_41 : vector<256x2048xi32>
      %add3A_43 = arith.addi %add3A_34, %xor3A_42 : vector<256x2048xi32>
      %shift_left3A_44 = arith.constant 26 : i32
      %shift_left3A_45 = vector.broadcast %shift_left3A_44 : i32 to vector<256x2048xi32>
      %shift_left3A_46 = arith.shli %xor3A_42, %shift_left3A_45 : vector<256x2048xi32>
      %shift_right_logical3A_47 = arith.constant 6 : i32
      %shift_right_logical3A_48 = vector.broadcast %shift_right_logical3A_47 : i32 to vector<256x2048xi32>
      %shift_right_logical3A_49 = arith.shrui %xor3A_42, %shift_right_logical3A_48 : vector<256x2048xi32>
      %or3A_50 = arith.ori %shift_left3A_46, %shift_right_logical3A_49 : vector<256x2048xi32>
      %xor3A_51 = arith.xori %add3A_43, %or3A_50 : vector<256x2048xi32>
      %add3A_52 = arith.addi %add3A_43, %xor3A_51 : vector<256x2048xi32>
      %shift_left3A_53 = arith.constant 6 : i32
      %shift_left3A_54 = vector.broadcast %shift_left3A_53 : i32 to vector<256x2048xi32>
      %shift_left3A_55 = arith.shli %xor3A_51, %shift_left3A_54 : vector<256x2048xi32>
      %shift_right_logical3A_56 = arith.constant 26 : i32
      %shift_right_logical3A_57 = vector.broadcast %shift_right_logical3A_56 : i32 to vector<256x2048xi32>
      %shift_right_logical3A_58 = arith.shrui %xor3A_51, %shift_right_logical3A_57 : vector<256x2048xi32>
      %or3A_59 = arith.ori %shift_left3A_55, %shift_right_logical3A_58 : vector<256x2048xi32>
      %xor3A_60 = arith.xori %add3A_52, %or3A_59 : vector<256x2048xi32>
      %add3A_61 = arith.constant -841280227 : i32
      %add3A_62 = vector.broadcast %add3A_61 : i32 to vector<256x2048xi32>
      %add3A_63 = arith.addi %add3A_52, %add3A_62 : vector<256x2048xi32>
      %add3A_64 = arith.constant -514511544 : i32
      %add3A_65 = vector.broadcast %add3A_64 : i32 to vector<256x2048xi32>
      %add3A_66 = arith.addi %xor3A_60, %add3A_65 : vector<256x2048xi32>
      %add3A_67 = arith.constant 1 : i32
      %add3A_68 = vector.broadcast %add3A_67 : i32 to vector<256x2048xi32>
      %add3A_69 = arith.addi %add3A_66, %add3A_68 : vector<256x2048xi32>
      %add3A_70 = arith.addi %add3A_63, %add3A_69 : vector<256x2048xi32>
      %shift_left3A_71 = arith.constant 17 : i32
      %shift_left3A_72 = vector.broadcast %shift_left3A_71 : i32 to vector<256x2048xi32>
      %shift_left3A_73 = arith.shli %add3A_69, %shift_left3A_72 : vector<256x2048xi32>
      %shift_right_logical3A_74 = arith.constant 15 : i32
      %shift_right_logical3A_75 = vector.broadcast %shift_right_logical3A_74 : i32 to vector<256x2048xi32>
      %shift_right_logical3A_76 = arith.shrui %add3A_69, %shift_right_logical3A_75 : vector<256x2048xi32>
      %or3A_77 = arith.ori %shift_left3A_73, %shift_right_logical3A_76 : vector<256x2048xi32>
      %xor3A_78 = arith.xori %add3A_70, %or3A_77 : vector<256x2048xi32>
      %add3A_79 = arith.addi %add3A_70, %xor3A_78 : vector<256x2048xi32>
      %shift_left3A_80 = arith.constant 29 : i32
      %shift_left3A_81 = vector.broadcast %shift_left3A_80 : i32 to vector<256x2048xi32>
      %shift_left3A_82 = arith.shli %xor3A_78, %shift_left3A_81 : vector<256x2048xi32>
      %shift_right_logical3A_83 = arith.constant 3 : i32
      %shift_right_logical3A_84 = vector.broadcast %shift_right_logical3A_83 : i32 to vector<256x2048xi32>
      %shift_right_logical3A_85 = arith.shrui %xor3A_78, %shift_right_logical3A_84 : vector<256x2048xi32>
      %or3A_86 = arith.ori %shift_left3A_82, %shift_right_logical3A_85 : vector<256x2048xi32>
      %xor3A_87 = arith.xori %add3A_79, %or3A_86 : vector<256x2048xi32>
      %add3A_88 = arith.addi %add3A_79, %xor3A_87 : vector<256x2048xi32>
      %shift_left3A_89 = arith.constant 16 : i32
      %shift_left3A_90 = vector.broadcast %shift_left3A_89 : i32 to vector<256x2048xi32>
      %shift_left3A_91 = arith.shli %xor3A_87, %shift_left3A_90 : vector<256x2048xi32>
      %shift_right_logical3A_92 = arith.constant 16 : i32
      %shift_right_logical3A_93 = vector.broadcast %shift_right_logical3A_92 : i32 to vector<256x2048xi32>
      %shift_right_logical3A_94 = arith.shrui %xor3A_87, %shift_right_logical3A_93 : vector<256x2048xi32>
      %or3A_95 = arith.ori %shift_left3A_91, %shift_right_logical3A_94 : vector<256x2048xi32>
      %xor3A_96 = arith.xori %add3A_88, %or3A_95 : vector<256x2048xi32>
      %add3A_97 = arith.addi %add3A_88, %xor3A_96 : vector<256x2048xi32>
      %shift_left3A_98 = arith.constant 24 : i32
      %shift_left3A_99 = vector.broadcast %shift_left3A_98 : i32 to vector<256x2048xi32>
      %shift_left3A_100 = arith.shli %xor3A_96, %shift_left3A_99 : vector<256x2048xi32>
      %shift_right_logical3A_101 = arith.constant 8 : i32
      %shift_right_logical3A_102 = vector.broadcast %shift_right_logical3A_101 : i32 to vector<256x2048xi32>
      %shift_right_logical3A_103 = arith.shrui %xor3A_96, %shift_right_logical3A_102 : vector<256x2048xi32>
      %or3A_104 = arith.ori %shift_left3A_100, %shift_right_logical3A_103 : vector<256x2048xi32>
      %xor3A_105 = arith.xori %add3A_97, %or3A_104 : vector<256x2048xi32>
      %add3A_106 = arith.constant -514511544 : i32
      %add3A_107 = vector.broadcast %add3A_106 : i32 to vector<256x2048xi32>
      %add3A_108 = arith.addi %add3A_97, %add3A_107 : vector<256x2048xi32>
      %add3A_109 = arith.constant 928981903 : i32
      %add3A_110 = vector.broadcast %add3A_109 : i32 to vector<256x2048xi32>
      %add3A_111 = arith.addi %xor3A_105, %add3A_110 : vector<256x2048xi32>
      %add3A_112 = arith.constant 2 : i32
      %add3A_113 = vector.broadcast %add3A_112 : i32 to vector<256x2048xi32>
      %add3A_114 = arith.addi %add3A_111, %add3A_113 : vector<256x2048xi32>
      %add3A_115 = arith.addi %add3A_108, %add3A_114 : vector<256x2048xi32>
      %shift_left3A_116 = arith.constant 13 : i32
      %shift_left3A_117 = vector.broadcast %shift_left3A_116 : i32 to vector<256x2048xi32>
      %shift_left3A_118 = arith.shli %add3A_114, %shift_left3A_117 : vector<256x2048xi32>
      %shift_right_logical3A_119 = arith.constant 19 : i32
      %shift_right_logical3A_120 = vector.broadcast %shift_right_logical3A_119 : i32 to vector<256x2048xi32>
      %shift_right_logical3A_121 = arith.shrui %add3A_114, %shift_right_logical3A_120 : vector<256x2048xi32>
      %or3A_122 = arith.ori %shift_left3A_118, %shift_right_logical3A_121 : vector<256x2048xi32>
      %xor3A_123 = arith.xori %add3A_115, %or3A_122 : vector<256x2048xi32>
      %add3A_124 = arith.addi %add3A_115, %xor3A_123 : vector<256x2048xi32>
      %shift_left3A_125 = arith.constant 15 : i32
      %shift_left3A_126 = vector.broadcast %shift_left3A_125 : i32 to vector<256x2048xi32>
      %shift_left3A_127 = arith.shli %xor3A_123, %shift_left3A_126 : vector<256x2048xi32>
      %shift_right_logical3A_128 = arith.constant 17 : i32
      %shift_right_logical3A_129 = vector.broadcast %shift_right_logical3A_128 : i32 to vector<256x2048xi32>
      %shift_right_logical3A_130 = arith.shrui %xor3A_123, %shift_right_logical3A_129 : vector<256x2048xi32>
      %or3A_131 = arith.ori %shift_left3A_127, %shift_right_logical3A_130 : vector<256x2048xi32>
      %xor3A_132 = arith.xori %add3A_124, %or3A_131 : vector<256x2048xi32>
      %add3A_133 = arith.addi %add3A_124, %xor3A_132 : vector<256x2048xi32>
      %shift_left3A_134 = arith.constant 26 : i32
      %shift_left3A_135 = vector.broadcast %shift_left3A_134 : i32 to vector<256x2048xi32>
      %shift_left3A_136 = arith.shli %xor3A_132, %shift_left3A_135 : vector<256x2048xi32>
      %shift_right_logical3A_137 = arith.constant 6 : i32
      %shift_right_logical3A_138 = vector.broadcast %shift_right_logical3A_137 : i32 to vector<256x2048xi32>
      %shift_right_logical3A_139 = arith.shrui %xor3A_132, %shift_right_logical3A_138 : vector<256x2048xi32>
      %or3A_140 = arith.ori %shift_left3A_136, %shift_right_logical3A_139 : vector<256x2048xi32>
      %xor3A_141 = arith.xori %add3A_133, %or3A_140 : vector<256x2048xi32>
      %add3A_142 = arith.addi %add3A_133, %xor3A_141 : vector<256x2048xi32>
      %shift_left3A_143 = arith.constant 6 : i32
      %shift_left3A_144 = vector.broadcast %shift_left3A_143 : i32 to vector<256x2048xi32>
      %shift_left3A_145 = arith.shli %xor3A_141, %shift_left3A_144 : vector<256x2048xi32>
      %shift_right_logical3A_146 = arith.constant 26 : i32
      %shift_right_logical3A_147 = vector.broadcast %shift_right_logical3A_146 : i32 to vector<256x2048xi32>
      %shift_right_logical3A_148 = arith.shrui %xor3A_141, %shift_right_logical3A_147 : vector<256x2048xi32>
      %or3A_149 = arith.ori %shift_left3A_145, %shift_right_logical3A_148 : vector<256x2048xi32>
      %xor3A_150 = arith.xori %add3A_142, %or3A_149 : vector<256x2048xi32>
      %add3A_151 = arith.constant 928981903 : i32
      %add3A_152 = vector.broadcast %add3A_151 : i32 to vector<256x2048xi32>
      %add3A_153 = arith.addi %add3A_142, %add3A_152 : vector<256x2048xi32>
      %add3A_154 = arith.constant -841280227 : i32
      %add3A_155 = vector.broadcast %add3A_154 : i32 to vector<256x2048xi32>
      %add3A_156 = arith.addi %xor3A_150, %add3A_155 : vector<256x2048xi32>
      %add3A_157 = arith.constant 3 : i32
      %add3A_158 = vector.broadcast %add3A_157 : i32 to vector<256x2048xi32>
      %add3A_159 = arith.addi %add3A_156, %add3A_158 : vector<256x2048xi32>
      %add3A_160 = arith.addi %add3A_153, %add3A_159 : vector<256x2048xi32>
      %shift_left3A_161 = arith.constant 17 : i32
      %shift_left3A_162 = vector.broadcast %shift_left3A_161 : i32 to vector<256x2048xi32>
      %shift_left3A_163 = arith.shli %add3A_159, %shift_left3A_162 : vector<256x2048xi32>
      %shift_right_logical3A_164 = arith.constant 15 : i32
      %shift_right_logical3A_165 = vector.broadcast %shift_right_logical3A_164 : i32 to vector<256x2048xi32>
      %shift_right_logical3A_166 = arith.shrui %add3A_159, %shift_right_logical3A_165 : vector<256x2048xi32>
      %or3A_167 = arith.ori %shift_left3A_163, %shift_right_logical3A_166 : vector<256x2048xi32>
      %xor3A_168 = arith.xori %add3A_160, %or3A_167 : vector<256x2048xi32>
      %add3A_169 = arith.addi %add3A_160, %xor3A_168 : vector<256x2048xi32>
      %shift_left3A_170 = arith.constant 29 : i32
      %shift_left3A_171 = vector.broadcast %shift_left3A_170 : i32 to vector<256x2048xi32>
      %shift_left3A_172 = arith.shli %xor3A_168, %shift_left3A_171 : vector<256x2048xi32>
      %shift_right_logical3A_173 = arith.constant 3 : i32
      %shift_right_logical3A_174 = vector.broadcast %shift_right_logical3A_173 : i32 to vector<256x2048xi32>
      %shift_right_logical3A_175 = arith.shrui %xor3A_168, %shift_right_logical3A_174 : vector<256x2048xi32>
      %or3A_176 = arith.ori %shift_left3A_172, %shift_right_logical3A_175 : vector<256x2048xi32>
      %xor3A_177 = arith.xori %add3A_169, %or3A_176 : vector<256x2048xi32>
      %add3A_178 = arith.addi %add3A_169, %xor3A_177 : vector<256x2048xi32>
      %shift_left3A_179 = arith.constant 16 : i32
      %shift_left3A_180 = vector.broadcast %shift_left3A_179 : i32 to vector<256x2048xi32>
      %shift_left3A_181 = arith.shli %xor3A_177, %shift_left3A_180 : vector<256x2048xi32>
      %shift_right_logical3A_182 = arith.constant 16 : i32
      %shift_right_logical3A_183 = vector.broadcast %shift_right_logical3A_182 : i32 to vector<256x2048xi32>
      %shift_right_logical3A_184 = arith.shrui %xor3A_177, %shift_right_logical3A_183 : vector<256x2048xi32>
      %or3A_185 = arith.ori %shift_left3A_181, %shift_right_logical3A_184 : vector<256x2048xi32>
      %xor3A_186 = arith.xori %add3A_178, %or3A_185 : vector<256x2048xi32>
      %add3A_187 = arith.addi %add3A_178, %xor3A_186 : vector<256x2048xi32>
      %shift_left3A_188 = arith.constant 24 : i32
      %shift_left3A_189 = vector.broadcast %shift_left3A_188 : i32 to vector<256x2048xi32>
      %shift_left3A_190 = arith.shli %xor3A_186, %shift_left3A_189 : vector<256x2048xi32>
      %shift_right_logical3A_191 = arith.constant 8 : i32
      %shift_right_logical3A_192 = vector.broadcast %shift_right_logical3A_191 : i32 to vector<256x2048xi32>
      %shift_right_logical3A_193 = arith.shrui %xor3A_186, %shift_right_logical3A_192 : vector<256x2048xi32>
      %or3A_194 = arith.ori %shift_left3A_190, %shift_right_logical3A_193 : vector<256x2048xi32>
      %xor3A_195 = arith.xori %add3A_187, %or3A_194 : vector<256x2048xi32>
      %add3A_196 = arith.constant -841280227 : i32
      %add3A_197 = vector.broadcast %add3A_196 : i32 to vector<256x2048xi32>
      %add3A_198 = arith.addi %add3A_187, %add3A_197 : vector<256x2048xi32>
      %add3A_199 = arith.constant -514511544 : i32
      %add3A_200 = vector.broadcast %add3A_199 : i32 to vector<256x2048xi32>
      %add3A_201 = arith.addi %xor3A_195, %add3A_200 : vector<256x2048xi32>
      %add3A_202 = arith.constant 4 : i32
      %add3A_203 = vector.broadcast %add3A_202 : i32 to vector<256x2048xi32>
      %add3A_204 = arith.addi %add3A_201, %add3A_203 : vector<256x2048xi32>
      %add3A_205 = arith.addi %add3A_198, %add3A_204 : vector<256x2048xi32>
      %shift_left3A_206 = arith.constant 13 : i32
      %shift_left3A_207 = vector.broadcast %shift_left3A_206 : i32 to vector<256x2048xi32>
      %shift_left3A_208 = arith.shli %add3A_204, %shift_left3A_207 : vector<256x2048xi32>
      %shift_right_logical3A_209 = arith.constant 19 : i32
      %shift_right_logical3A_210 = vector.broadcast %shift_right_logical3A_209 : i32 to vector<256x2048xi32>
      %shift_right_logical3A_211 = arith.shrui %add3A_204, %shift_right_logical3A_210 : vector<256x2048xi32>
      %or3A_212 = arith.ori %shift_left3A_208, %shift_right_logical3A_211 : vector<256x2048xi32>
      %xor3A_213 = arith.xori %add3A_205, %or3A_212 : vector<256x2048xi32>
      %add3A_214 = arith.addi %add3A_205, %xor3A_213 : vector<256x2048xi32>
      %shift_left3A_215 = arith.constant 15 : i32
      %shift_left3A_216 = vector.broadcast %shift_left3A_215 : i32 to vector<256x2048xi32>
      %shift_left3A_217 = arith.shli %xor3A_213, %shift_left3A_216 : vector<256x2048xi32>
      %shift_right_logical3A_218 = arith.constant 17 : i32
      %shift_right_logical3A_219 = vector.broadcast %shift_right_logical3A_218 : i32 to vector<256x2048xi32>
      %shift_right_logical3A_220 = arith.shrui %xor3A_213, %shift_right_logical3A_219 : vector<256x2048xi32>
      %or3A_221 = arith.ori %shift_left3A_217, %shift_right_logical3A_220 : vector<256x2048xi32>
      %xor3A_222 = arith.xori %add3A_214, %or3A_221 : vector<256x2048xi32>
      %add3A_223 = arith.addi %add3A_214, %xor3A_222 : vector<256x2048xi32>
      %shift_left3A_224 = arith.constant 26 : i32
      %shift_left3A_225 = vector.broadcast %shift_left3A_224 : i32 to vector<256x2048xi32>
      %shift_left3A_226 = arith.shli %xor3A_222, %shift_left3A_225 : vector<256x2048xi32>
      %shift_right_logical3A_227 = arith.constant 6 : i32
      %shift_right_logical3A_228 = vector.broadcast %shift_right_logical3A_227 : i32 to vector<256x2048xi32>
      %shift_right_logical3A_229 = arith.shrui %xor3A_222, %shift_right_logical3A_228 : vector<256x2048xi32>
      %or3A_230 = arith.ori %shift_left3A_226, %shift_right_logical3A_229 : vector<256x2048xi32>
      %xor3A_231 = arith.xori %add3A_223, %or3A_230 : vector<256x2048xi32>
      %add3A_232 = arith.addi %add3A_223, %xor3A_231 : vector<256x2048xi32>
      %shift_left3A_233 = arith.constant 6 : i32
      %shift_left3A_234 = vector.broadcast %shift_left3A_233 : i32 to vector<256x2048xi32>
      %shift_left3A_235 = arith.shli %xor3A_231, %shift_left3A_234 : vector<256x2048xi32>
      %shift_right_logical3A_236 = arith.constant 26 : i32
      %shift_right_logical3A_237 = vector.broadcast %shift_right_logical3A_236 : i32 to vector<256x2048xi32>
      %shift_right_logical3A_238 = arith.shrui %xor3A_231, %shift_right_logical3A_237 : vector<256x2048xi32>
      %or3A_239 = arith.ori %shift_left3A_235, %shift_right_logical3A_238 : vector<256x2048xi32>
      %xor3A_240 = arith.xori %add3A_232, %or3A_239 : vector<256x2048xi32>
      %add3A_241 = arith.constant -514511544 : i32
      %add3A_242 = vector.broadcast %add3A_241 : i32 to vector<256x2048xi32>
      %add3A_243 = arith.addi %add3A_232, %add3A_242 : vector<256x2048xi32>
      %add3A_244 = arith.constant 928981903 : i32
      %add3A_245 = vector.broadcast %add3A_244 : i32 to vector<256x2048xi32>
      %add3A_246 = arith.addi %xor3A_240, %add3A_245 : vector<256x2048xi32>
      %add3A_247 = arith.constant 5 : i32
      %add3A_248 = vector.broadcast %add3A_247 : i32 to vector<256x2048xi32>
      %add3A_249 = arith.addi %add3A_246, %add3A_248 : vector<256x2048xi32>
      %xor3A_250 = arith.xori %add3A_243, %add3A_249 : vector<256x2048xi32>
      %shift_right_logical3A_251 = arith.constant 9 : i32
      %shift_right_logical3A_252 = vector.broadcast %shift_right_logical3A_251 : i32 to vector<256x2048xi32>
      %shift_right_logical3A_253 = arith.shrui %xor3A_250, %shift_right_logical3A_252 : vector<256x2048xi32>
      %or3A_254 = arith.constant 1065353216 : i32
      %or3A_255 = vector.broadcast %or3A_254 : i32 to vector<256x2048xi32>
      %or3A_256 = arith.ori %shift_right_logical3A_253, %or3A_255 : vector<256x2048xi32>
      %bitcast_convert_type3A = tpu.bitcast %or3A_256 : vector<256x2048xi32> -> vector<256x2048xf32>
      %sub3A_257 = arith.constant 1.000000e+00 : f32
      %sub3A_258 = vector.broadcast %sub3A_257 : f32 to vector<256x2048xf32>
      %sub3A_259 = arith.subf %bitcast_convert_type3A, %sub3A_258 : vector<256x2048xf32>
      %mul3A_260 = arith.constant 2.000000e+00 : f32
      %mul3A_261 = vector.broadcast %mul3A_260 : f32 to vector<256x2048xf32>
      %mul3A_262 = arith.mulf %sub3A_259, %mul3A_261 : vector<256x2048xf32>
      %add3A_263 = arith.constant -0.99999994 : f32
      %add3A_264 = vector.broadcast %add3A_263 : f32 to vector<256x2048xf32>
      %add3A_265 = arith.addf %mul3A_262, %add3A_264 : vector<256x2048xf32>
      %max3A = arith.constant -0.99999994 : f32
      %max3A_266 = vector.broadcast %max3A : f32 to vector<256x2048xf32>
      %max3A_267 = arith.maximumf %max3A_266, %add3A_265 : vector<256x2048xf32>
      %get3A = arith.constant 2 : index
      %get3A_268 = memref.load %arg4[%get3A] : memref<4xf32, #tpu.memory_space<smem>>
      %get3A_269 = arith.constant 3 : index
      %get3A_270 = memref.load %arg4[%get3A_269] : memref<4xf32, #tpu.memory_space<smem>>
      %get3A_271 = arith.constant 0 : index
      %get3A_272 = arith.constant 0 : index
      %get3A_273 = vector.load %arg2[%get3A_271, %get3A_272] : memref<256x2048xf32, #tpu.memory_space<vmem>>, vector<256x2048xf32>
      %neg3A = arith.constant 0.000000e+00 : f32
      %neg3A_274 = vector.broadcast %neg3A : f32 to vector<256x2048xf32>
      %neg3A_275 = arith.subf %neg3A_274, %max3A_267 : vector<256x2048xf32>
      %mul3A_276 = arith.mulf %neg3A_275, %max3A_267 : vector<256x2048xf32>
      %log1p3A = math.log1p %mul3A_276 : vector<256x2048xf32>
      %neg3A_277 = arith.constant 0.000000e+00 : f32
      %neg3A_278 = vector.broadcast %neg3A_277 : f32 to vector<256x2048xf32>
      %neg3A_279 = arith.subf %neg3A_278, %log1p3A : vector<256x2048xf32>
      %sub3A_280 = arith.constant 2.500000e+00 : f32
      %sub3A_281 = vector.broadcast %sub3A_280 : f32 to vector<256x2048xf32>
      %sub3A_282 = arith.subf %neg3A_279, %sub3A_281 : vector<256x2048xf32>
      %sqrt3A = math.sqrt %neg3A_279 : vector<256x2048xf32>
      %sub3A_283 = arith.constant 3.000000e+00 : f32
      %sub3A_284 = vector.broadcast %sub3A_283 : f32 to vector<256x2048xf32>
      %sub3A_285 = arith.subf %sqrt3A, %sub3A_284 : vector<256x2048xf32>
      %broadcast_in_dim3A_286 = arith.constant 2.81022636E-8 : f32
      %broadcast_in_dim3A_287 = vector.broadcast %broadcast_in_dim3A_286 : f32 to vector<256x2048xf32>
      %mul3A_288 = arith.mulf %broadcast_in_dim3A_287, %sub3A_282 : vector<256x2048xf32>
      %add3A_289 = arith.constant 3.43273939E-7 : f32
      %add3A_290 = vector.broadcast %add3A_289 : f32 to vector<256x2048xf32>
      %add3A_291 = arith.addf %mul3A_288, %add3A_290 : vector<256x2048xf32>
      %mul3A_292 = arith.mulf %add3A_291, %sub3A_282 : vector<256x2048xf32>
      %add3A_293 = arith.constant -3.5233877E-6 : f32
      %add3A_294 = vector.broadcast %add3A_293 : f32 to vector<256x2048xf32>
      %add3A_295 = arith.addf %mul3A_292, %add3A_294 : vector<256x2048xf32>
      %mul3A_296 = arith.mulf %add3A_295, %sub3A_282 : vector<256x2048xf32>
      %add3A_297 = arith.constant -4.39150654E-6 : f32
      %add3A_298 = vector.broadcast %add3A_297 : f32 to vector<256x2048xf32>
      %add3A_299 = arith.addf %mul3A_296, %add3A_298 : vector<256x2048xf32>
      %mul3A_300 = arith.mulf %add3A_299, %sub3A_282 : vector<256x2048xf32>
      %add3A_301 = arith.constant 2.1858087E-4 : f32
      %add3A_302 = vector.broadcast %add3A_301 : f32 to vector<256x2048xf32>
      %add3A_303 = arith.addf %mul3A_300, %add3A_302 : vector<256x2048xf32>
      %mul3A_304 = arith.mulf %add3A_303, %sub3A_282 : vector<256x2048xf32>
      %add3A_305 = arith.constant -0.00125372503 : f32
      %add3A_306 = vector.broadcast %add3A_305 : f32 to vector<256x2048xf32>
      %add3A_307 = arith.addf %mul3A_304, %add3A_306 : vector<256x2048xf32>
      %mul3A_308 = arith.mulf %add3A_307, %sub3A_282 : vector<256x2048xf32>
      %add3A_309 = arith.constant -0.00417768164 : f32
      %add3A_310 = vector.broadcast %add3A_309 : f32 to vector<256x2048xf32>
      %add3A_311 = arith.addf %mul3A_308, %add3A_310 : vector<256x2048xf32>
      %mul3A_312 = arith.mulf %add3A_311, %sub3A_282 : vector<256x2048xf32>
      %add3A_313 = arith.constant 0.246640727 : f32
      %add3A_314 = vector.broadcast %add3A_313 : f32 to vector<256x2048xf32>
      %add3A_315 = arith.addf %mul3A_312, %add3A_314 : vector<256x2048xf32>
      %mul3A_316 = arith.mulf %add3A_315, %sub3A_282 : vector<256x2048xf32>
      %add3A_317 = arith.constant 1.50140941 : f32
      %add3A_318 = vector.broadcast %add3A_317 : f32 to vector<256x2048xf32>
      %add3A_319 = arith.addf %mul3A_316, %add3A_318 : vector<256x2048xf32>
      %broadcast_in_dim3A_320 = arith.constant -2.00214257E-4 : f32
      %broadcast_in_dim3A_321 = vector.broadcast %broadcast_in_dim3A_320 : f32 to vector<256x2048xf32>
      %mul3A_322 = arith.mulf %broadcast_in_dim3A_321, %sub3A_285 : vector<256x2048xf32>
      %add3A_323 = arith.constant 1.00950558E-4 : f32
      %add3A_324 = vector.broadcast %add3A_323 : f32 to vector<256x2048xf32>
      %add3A_325 = arith.addf %mul3A_322, %add3A_324 : vector<256x2048xf32>
      %mul3A_326 = arith.mulf %add3A_325, %sub3A_285 : vector<256x2048xf32>
      %add3A_327 = arith.constant 0.00134934322 : f32
      %add3A_328 = vector.broadcast %add3A_327 : f32 to vector<256x2048xf32>
      %add3A_329 = arith.addf %mul3A_326, %add3A_328 : vector<256x2048xf32>
      %mul3A_330 = arith.mulf %add3A_329, %sub3A_285 : vector<256x2048xf32>
      %add3A_331 = arith.constant -0.00367342844 : f32
      %add3A_332 = vector.broadcast %add3A_331 : f32 to vector<256x2048xf32>
      %add3A_333 = arith.addf %mul3A_330, %add3A_332 : vector<256x2048xf32>
      %mul3A_334 = arith.mulf %add3A_333, %sub3A_285 : vector<256x2048xf32>
      %add3A_335 = arith.constant 0.00573950773 : f32
      %add3A_336 = vector.broadcast %add3A_335 : f32 to vector<256x2048xf32>
      %add3A_337 = arith.addf %mul3A_334, %add3A_336 : vector<256x2048xf32>
      %mul3A_338 = arith.mulf %add3A_337, %sub3A_285 : vector<256x2048xf32>
      %add3A_339 = arith.constant -0.0076224613 : f32
      %add3A_340 = vector.broadcast %add3A_339 : f32 to vector<256x2048xf32>
      %add3A_341 = arith.addf %mul3A_338, %add3A_340 : vector<256x2048xf32>
      %mul3A_342 = arith.mulf %add3A_341, %sub3A_285 : vector<256x2048xf32>
      %add3A_343 = arith.constant 0.00943887047 : f32
      %add3A_344 = vector.broadcast %add3A_343 : f32 to vector<256x2048xf32>
      %add3A_345 = arith.addf %mul3A_342, %add3A_344 : vector<256x2048xf32>
      %mul3A_346 = arith.mulf %add3A_345, %sub3A_285 : vector<256x2048xf32>
      %add3A_347 = arith.constant 1.00167406 : f32
      %add3A_348 = vector.broadcast %add3A_347 : f32 to vector<256x2048xf32>
      %add3A_349 = arith.addf %mul3A_346, %add3A_348 : vector<256x2048xf32>
      %mul3A_350 = arith.mulf %add3A_349, %sub3A_285 : vector<256x2048xf32>
      %add3A_351 = arith.constant 2.83297682 : f32
      %add3A_352 = vector.broadcast %add3A_351 : f32 to vector<256x2048xf32>
      %add3A_353 = arith.addf %mul3A_350, %add3A_352 : vector<256x2048xf32>
      %lt3A_354 = arith.constant 5.000000e+00 : f32
      %lt3A_355 = vector.broadcast %lt3A_354 : f32 to vector<256x2048xf32>
      %lt3A_356 = arith.cmpf olt, %neg3A_279, %lt3A_355 : vector<256x2048xf32>
      %select_n3A = arith.select %lt3A_356, %add3A_319, %add3A_353 : vector<256x2048xi1>, vector<256x2048xf32>
      %mul3A_357 = arith.mulf %select_n3A, %max3A_267 : vector<256x2048xf32>
      %mul3A_358 = arith.constant 1.41421354 : f32
      %mul3A_359 = vector.broadcast %mul3A_358 : f32 to vector<256x2048xf32>
      %mul3A_360 = arith.mulf %mul3A_359, %mul3A_357 : vector<256x2048xf32>
      %div3A = vector.broadcast %get3A_268 : f32 to vector<256x2048xf32>
      %div3A_361 = arith.divf %get3A_273, %div3A : vector<256x2048xf32>
      %sub3A_362 = vector.broadcast %get3A_270 : f32 to vector<256x2048xf32>
      %sub3A_363 = arith.subf %div3A_361, %sub3A_362 : vector<256x2048xf32>
      %abs3A = math.absf %sub3A_363 : vector<256x2048xf32>
      %div3A_364 = arith.constant 0.869673609 : f32
      %div3A_365 = vector.broadcast %div3A_364 : f32 to vector<256x2048xf32>
      %div3A_366 = arith.divf %abs3A, %div3A_365 : vector<256x2048xf32>
      %mul3A_367 = arith.mulf %mul3A_360, %div3A_366 : vector<256x2048xf32>
      %lt3A_368 = arith.constant 2.127491 : f32
      %lt3A_369 = vector.broadcast %lt3A_368 : f32 to vector<256x2048xf32>
      %lt3A_370 = arith.cmpf olt, %mul3A_367, %lt3A_369 : vector<256x2048xf32>
      %jit3A = arith.constant 0.000000e+00 : f32
      %broadcast_in_dim3A_371 = vector.broadcast %jit3A : f32 to vector<256x2048xf32>
      %select_n3A_372 = arith.select %lt3A_370, %broadcast_in_dim3A_371, %get3A_273 : vector<256x2048xi1>, vector<256x2048xf32>
      %swap3A = arith.constant 0 : index
      %swap3A_373 = arith.constant 0 : index
      %swap3A_374 = vector.load %arg3[%swap3A, %swap3A_373] : memref<256x2048xf32, #tpu.memory_space<vmem>>, vector<256x2048xf32>
      tpu.vector_store %arg3[%swap3A, %swap3A_373], %select_n3A_372 {strides = array<i32>} : memref<256x2048xf32, #tpu.memory_space<vmem>>, vector<256x2048xf32>,
    } else {
    }
    return
  }
  func.func @transform_0(%arg0: i32) -> (i32, i32) {
    %min3A = arith.constant 15 : i32
    %min3A_0 = arith.minsi %arg0, %min3A : i32
    %c0_i32 = arith.constant 0 : i32
    %c0_i32_1 = arith.constant 0 : i32
    return %min3A_0, %c0_i32 : i32, i32
  }
  func.func @transform_1(%arg0: i32) -> (i32, i32) {
    %sub3A = arith.constant 16 : i32
    %sub3A_0 = arith.subi %arg0, %sub3A : i32
    %max3A = arith.constant 0 : i32
    %max3A_1 = arith.maxsi %sub3A_0, %max3A : i32
    %c0_i32 = arith.constant 0 : i32
    %c0_i32_2 = arith.constant 0 : i32
    return %max3A_1, %c0_i32 : i32, i32
  }
  func.func @transform_2(%arg0: i32) -> (i32, i32) {
    %sub3A = arith.constant 16 : i32
    %sub3A_0 = arith.subi %arg0, %sub3A : i32
    %max3A = arith.constant 0 : i32
    %max3A_1 = arith.maxsi %sub3A_0, %max3A : i32
    %c0_i32 = arith.constant 0 : i32
    %c0_i32_2 = arith.constant 0 : i32
    return %max3A_1, %c0_i32 : i32, i32
  }
  func.func @transform_3(%arg0: i32) -> i32 {
    %c0_i32 = arith.constant 0 : i32
    %c0_i32_0 = arith.constant 0 : i32
    return %c0_i32 : i32
  }
}

module attributes {stable_mosaic.version = 14 : i64} {
  func.func @_mask_tail_body(%arg0: i32, %arg1: memref<4xf32, #tpu.memory_space<smem>>, %arg2: memref<256x2048xf32, #tpu.memory_space<vmem>>, %arg3: memref<256x2048xf32, #tpu.memory_space<vmem>>, %arg4: memref<16384x2048xf32, #tpu.memory_space<any>>, %arg5: memref<256x2048xf32, #tpu.memory_space<vmem>>) attributes {dimension_semantics = [#tpu.dimension_semantics<arbitrary>], iteration_bounds = array<i64: 22>, scalar_prefetch = 0 : i64, scratch_operands = 0 : i64, tpu.core_type = #tpu.core_type<tc>, window_params = [{transform_indices = @transform_0, window_bounds = array<i64: 4>}, {transform_indices = @transform_1, window_bounds = array<i64: 256, 2048>}, {transform_indices = @transform_2, window_bounds = array<i64: 256, 2048>}, {}, {transform_indices = @transform_4, window_bounds = array<i64: 256, 2048>}]} {
    %get3A = arith.constant 0 : index
    %get3A_0 = arith.constant 0 : index
    %get3A_1 = vector.load %arg3[%get3A, %get3A_0] : memref<256x2048xf32, #tpu.memory_space<vmem>>, vector<256x2048xf32>
    %get3A_2 = arith.constant 2 : index
    %get3A_3 = memref.load %arg1[%get3A_2] : memref<4xf32, #tpu.memory_space<smem>>
    %get3A_4 = arith.constant 3 : index
    %get3A_5 = memref.load %arg1[%get3A_4] : memref<4xf32, #tpu.memory_space<smem>>
    %get3A_6 = arith.constant 0 : index
    %get3A_7 = arith.constant 0 : index
    %get3A_8 = vector.load %arg2[%get3A_6, %get3A_7] : memref<256x2048xf32, #tpu.memory_space<vmem>>, vector<256x2048xf32>
    %neg3A = arith.constant 0.000000e+00 : f32
    %neg3A_9 = vector.broadcast %neg3A : f32 to vector<256x2048xf32>
    %neg3A_10 = arith.subf %neg3A_9, %get3A_1 : vector<256x2048xf32>
    %mul3A = arith.mulf %neg3A_10, %get3A_1 : vector<256x2048xf32>
    %log1p3A = math.log1p %mul3A : vector<256x2048xf32>
    %neg3A_11 = arith.constant 0.000000e+00 : f32
    %neg3A_12 = vector.broadcast %neg3A_11 : f32 to vector<256x2048xf32>
    %neg3A_13 = arith.subf %neg3A_12, %log1p3A : vector<256x2048xf32>
    %sub3A = arith.constant 2.500000e+00 : f32
    %sub3A_14 = vector.broadcast %sub3A : f32 to vector<256x2048xf32>
    %sub3A_15 = arith.subf %neg3A_13, %sub3A_14 : vector<256x2048xf32>
    %sqrt3A = math.sqrt %neg3A_13 : vector<256x2048xf32>
    %sub3A_16 = arith.constant 3.000000e+00 : f32
    %sub3A_17 = vector.broadcast %sub3A_16 : f32 to vector<256x2048xf32>
    %sub3A_18 = arith.subf %sqrt3A, %sub3A_17 : vector<256x2048xf32>
    %broadcast_in_dim3A = arith.constant 2.81022636E-8 : f32
    %broadcast_in_dim3A_19 = vector.broadcast %broadcast_in_dim3A : f32 to vector<256x2048xf32>
    %mul3A_20 = arith.mulf %broadcast_in_dim3A_19, %sub3A_15 : vector<256x2048xf32>
    %add3A = arith.constant 3.43273939E-7 : f32
    %add3A_21 = vector.broadcast %add3A : f32 to vector<256x2048xf32>
    %add3A_22 = arith.addf %mul3A_20, %add3A_21 : vector<256x2048xf32>
    %mul3A_23 = arith.mulf %add3A_22, %sub3A_15 : vector<256x2048xf32>
    %add3A_24 = arith.constant -3.5233877E-6 : f32
    %add3A_25 = vector.broadcast %add3A_24 : f32 to vector<256x2048xf32>
    %add3A_26 = arith.addf %mul3A_23, %add3A_25 : vector<256x2048xf32>
    %mul3A_27 = arith.mulf %add3A_26, %sub3A_15 : vector<256x2048xf32>
    %add3A_28 = arith.constant -4.39150654E-6 : f32
    %add3A_29 = vector.broadcast %add3A_28 : f32 to vector<256x2048xf32>
    %add3A_30 = arith.addf %mul3A_27, %add3A_29 : vector<256x2048xf32>
    %mul3A_31 = arith.mulf %add3A_30, %sub3A_15 : vector<256x2048xf32>
    %add3A_32 = arith.constant 2.1858087E-4 : f32
    %add3A_33 = vector.broadcast %add3A_32 : f32 to vector<256x2048xf32>
    %add3A_34 = arith.addf %mul3A_31, %add3A_33 : vector<256x2048xf32>
    %mul3A_35 = arith.mulf %add3A_34, %sub3A_15 : vector<256x2048xf32>
    %add3A_36 = arith.constant -0.00125372503 : f32
    %add3A_37 = vector.broadcast %add3A_36 : f32 to vector<256x2048xf32>
    %add3A_38 = arith.addf %mul3A_35, %add3A_37 : vector<256x2048xf32>
    %mul3A_39 = arith.mulf %add3A_38, %sub3A_15 : vector<256x2048xf32>
    %add3A_40 = arith.constant -0.00417768164 : f32
    %add3A_41 = vector.broadcast %add3A_40 : f32 to vector<256x2048xf32>
    %add3A_42 = arith.addf %mul3A_39, %add3A_41 : vector<256x2048xf32>
    %mul3A_43 = arith.mulf %add3A_42, %sub3A_15 : vector<256x2048xf32>
    %add3A_44 = arith.constant 0.246640727 : f32
    %add3A_45 = vector.broadcast %add3A_44 : f32 to vector<256x2048xf32>
    %add3A_46 = arith.addf %mul3A_43, %add3A_45 : vector<256x2048xf32>
    %mul3A_47 = arith.mulf %add3A_46, %sub3A_15 : vector<256x2048xf32>
    %add3A_48 = arith.constant 1.50140941 : f32
    %add3A_49 = vector.broadcast %add3A_48 : f32 to vector<256x2048xf32>
    %add3A_50 = arith.addf %mul3A_47, %add3A_49 : vector<256x2048xf32>
    %broadcast_in_dim3A_51 = arith.constant -2.00214257E-4 : f32
    %broadcast_in_dim3A_52 = vector.broadcast %broadcast_in_dim3A_51 : f32 to vector<256x2048xf32>
    %mul3A_53 = arith.mulf %broadcast_in_dim3A_52, %sub3A_18 : vector<256x2048xf32>
    %add3A_54 = arith.constant 1.00950558E-4 : f32
    %add3A_55 = vector.broadcast %add3A_54 : f32 to vector<256x2048xf32>
    %add3A_56 = arith.addf %mul3A_53, %add3A_55 : vector<256x2048xf32>
    %mul3A_57 = arith.mulf %add3A_56, %sub3A_18 : vector<256x2048xf32>
    %add3A_58 = arith.constant 0.00134934322 : f32
    %add3A_59 = vector.broadcast %add3A_58 : f32 to vector<256x2048xf32>
    %add3A_60 = arith.addf %mul3A_57, %add3A_59 : vector<256x2048xf32>
    %mul3A_61 = arith.mulf %add3A_60, %sub3A_18 : vector<256x2048xf32>
    %add3A_62 = arith.constant -0.00367342844 : f32
    %add3A_63 = vector.broadcast %add3A_62 : f32 to vector<256x2048xf32>
    %add3A_64 = arith.addf %mul3A_61, %add3A_63 : vector<256x2048xf32>
    %mul3A_65 = arith.mulf %add3A_64, %sub3A_18 : vector<256x2048xf32>
    %add3A_66 = arith.constant 0.00573950773 : f32
    %add3A_67 = vector.broadcast %add3A_66 : f32 to vector<256x2048xf32>
    %add3A_68 = arith.addf %mul3A_65, %add3A_67 : vector<256x2048xf32>
    %mul3A_69 = arith.mulf %add3A_68, %sub3A_18 : vector<256x2048xf32>
    %add3A_70 = arith.constant -0.0076224613 : f32
    %add3A_71 = vector.broadcast %add3A_70 : f32 to vector<256x2048xf32>
    %add3A_72 = arith.addf %mul3A_69, %add3A_71 : vector<256x2048xf32>
    %mul3A_73 = arith.mulf %add3A_72, %sub3A_18 : vector<256x2048xf32>
    %add3A_74 = arith.constant 0.00943887047 : f32
    %add3A_75 = vector.broadcast %add3A_74 : f32 to vector<256x2048xf32>
    %add3A_76 = arith.addf %mul3A_73, %add3A_75 : vector<256x2048xf32>
    %mul3A_77 = arith.mulf %add3A_76, %sub3A_18 : vector<256x2048xf32>
    %add3A_78 = arith.constant 1.00167406 : f32
    %add3A_79 = vector.broadcast %add3A_78 : f32 to vector<256x2048xf32>
    %add3A_80 = arith.addf %mul3A_77, %add3A_79 : vector<256x2048xf32>
    %mul3A_81 = arith.mulf %add3A_80, %sub3A_18 : vector<256x2048xf32>
    %add3A_82 = arith.constant 2.83297682 : f32
    %add3A_83 = vector.broadcast %add3A_82 : f32 to vector<256x2048xf32>
    %add3A_84 = arith.addf %mul3A_81, %add3A_83 : vector<256x2048xf32>
    %lt3A = arith.constant 5.000000e+00 : f32
    %lt3A_85 = vector.broadcast %lt3A : f32 to vector<256x2048xf32>
    %lt3A_86 = arith.cmpf olt, %neg3A_13, %lt3A_85 : vector<256x2048xf32>
    %select_n3A = arith.select %lt3A_86, %add3A_50, %add3A_84 : vector<256x2048xi1>, vector<256x2048xf32>
    %mul3A_87 = arith.mulf %select_n3A, %get3A_1 : vector<256x2048xf32>
    %mul3A_88 = arith.constant 1.41421354 : f32
    %mul3A_89 = vector.broadcast %mul3A_88 : f32 to vector<256x2048xf32>
    %mul3A_90 = arith.mulf %mul3A_89, %mul3A_87 : vector<256x2048xf32>
    %div3A = vector.broadcast %get3A_3 : f32 to vector<256x2048xf32>
    %div3A_91 = arith.divf %get3A_8, %div3A : vector<256x2048xf32>
    %sub3A_92 = vector.broadcast %get3A_5 : f32 to vector<256x2048xf32>
    %sub3A_93 = arith.subf %div3A_91, %sub3A_92 : vector<256x2048xf32>
    %abs3A = math.absf %sub3A_93 : vector<256x2048xf32>
    %div3A_94 = arith.constant 0.869673609 : f32
    %div3A_95 = vector.broadcast %div3A_94 : f32 to vector<256x2048xf32>
    %div3A_96 = arith.divf %abs3A, %div3A_95 : vector<256x2048xf32>
    %mul3A_97 = arith.mulf %mul3A_90, %div3A_96 : vector<256x2048xf32>
    %lt3A_98 = arith.constant 2.127491 : f32
    %lt3A_99 = vector.broadcast %lt3A_98 : f32 to vector<256x2048xf32>
    %lt3A_100 = arith.cmpf olt, %mul3A_97, %lt3A_99 : vector<256x2048xf32>
    %jit3A = arith.constant 0.000000e+00 : f32
    %broadcast_in_dim3A_101 = vector.broadcast %jit3A : f32 to vector<256x2048xf32>
    %select_n3A_102 = arith.select %lt3A_100, %broadcast_in_dim3A_101, %get3A_8 : vector<256x2048xi1>, vector<256x2048xf32>
    %swap3A = arith.constant 0 : index
    %swap3A_103 = arith.constant 0 : index
    %swap3A_104 = vector.load %arg5[%swap3A, %swap3A_103] : memref<256x2048xf32, #tpu.memory_space<vmem>>, vector<256x2048xf32>
    tpu.vector_store %arg5[%swap3A, %swap3A_103], %select_n3A_102 {strides = array<i32>} : memref<256x2048xf32, #tpu.memory_space<vmem>>, vector<256x2048xf32>,
    return
  }
  func.func @transform_0(%arg0: i32) -> i32 {
    %c0_i32 = arith.constant 0 : i32
    %c0_i32_0 = arith.constant 0 : i32
    return %c0_i32 : i32
  }
  func.func @transform_1(%arg0: i32) -> (i32, i32) {
    %add3A = arith.constant 42 : i32
    %add3A_0 = arith.addi %add3A, %arg0 : i32
    %c0_i32 = arith.constant 0 : i32
    %c0_i32_1 = arith.constant 0 : i32
    return %add3A_0, %c0_i32 : i32, i32
  }
  func.func @transform_2(%arg0: i32) -> (i32, i32) {
    %c0_i32 = arith.constant 0 : i32
    %c0_i32_0 = arith.constant 0 : i32
    return %arg0, %c0_i32 : i32, i32
  }
  func.func @transform_4(%arg0: i32) -> (i32, i32) {
    %add3A = arith.constant 42 : i32
    %add3A_0 = arith.addi %add3A, %arg0 : i32
    %c0_i32 = arith.constant 0 : i32
    %c0_i32_1 = arith.constant 0 : i32
    return %add3A_0, %c0_i32 : i32, i32
  }
}

</mosaic_0001>

<sc_bundles>
// kernel: kernel.5.cloned.1.call-start
scs
__scs_entry_jumppad:
0x0: {  	(pc) =	sbr.rel $0x88, $3  }
0x1: {  	(tag) =	ssettag $0x0;
	lr =	simm.s32 $0x1  }
0x2: {  	[smem:$0x3FA0] =	sst lr;
	_ =	strace $0xD0000000  }
0x3: {  	_ = 	snop  }
0x4: {  	_ = 	snop  }
0x5: {  	_ = 	snop  }
0x6: {  	_ = 	snop  }
0x7: {  	_ = 	snop  }
__scs_overlays_trampoline_lowered:
0x8: {  	[smem:$0x3FAF] =	sst s0  }
0x9: {  	[smem:$0x3FB0] =	sst s1  }
0xa: {  	[smem:$0x3FB1] =	sst s2  }
0xb: {  	[smem:$0x3FB2] =	sst s3  }
0xc: {  	[smem:$0x3FB3] =	sst s4  }
0xd: {  	[smem:$0x3FB4] =	sst s5  }
0xe: {  	[smem:$0x3FB5] =	sst s6  }
0xf: {  	[smem:$0x3FB6] =	sst s7  }
0x10: {  	[smem:$0x3FB7] =	sst s8  }
0x11: {  	[smem:$0x3FB8] =	sst s9;
	s0 =	simm.s32 @!p0 $0x0  }
0x12: {  	s1 =	sld [smem:$0x3F9E];
	s0 =	simm.s32 @p0 $0x1  }
0x13: {  	[smem:$0x3FB9] =	sst s0;
	s0 =	simm.s32 @!p1 $0x0  }
0x14: {  	s2 =	sld [smem:$0x3F9D];
	s0 =	simm.s32 @p1 $0x1  }
0x15: {  	[smem:$0x3FBA] =	sst s0;
	s0 =	simm.s32 @!p2 $0x0  }
0x16: {  	s3 =	sld [smem:$0x3FDB];
	s0 =	simm.s32 @p2 $0x1  }
0x17: {  	s4 =	simm.s32 $0x1BF5;
	[smem:$0x3FBC] =	sst s0  }
0x18: {  	s0 =	sld [smem:$0x3F9F];
	_ =	swait.ge [sflag:s4], $0x0  }
0x19: {  	s7 =	sld [smem:$0x3FA0]  }
0x1a: {  	s8 =	sadd.s32 $0xFFFFE003, lr  }
0x1b: {  	s9 =	sadd.s32 $0xFFFFFEF7, lr;
	s5 =	simm.s32 $0xFFFFFFFF;
	p2 =	slt.u32 s8, $0xFFFFF086  }
0x1c: {  	p1 =	slt.u32 s9, $0xF7A;
	s5 =	simm.s32 @!p2 $0x0  }
0x1d: {  	s5 =	simm.s32 @p1 $0x1;
	p0 =	seq.s32 s7, s2  }
0x1e: {  	s7 =	smul.u32 @!p0 $0xF7A, s2;
	p2 =	seq.s32 @!p0 s5, $0x0  }
0x1f: {  	s9 =	smul.u32 $0xF7A, s1;
	s8 =	simm.s32 @!p0 $0x1BF5;
	p2 =	por !p2, p0  }
0x20: {  	[sflag:s8] =	ssyncset.s32 @!p0 $0xFFFFF086;
	s6 =	sadd.s32 @!p0 s3, s7;
	s7 =	simm.s32 @!p0 $0x108  }
0x21: {  	s3 =	sadd.s32 s3, s9;
	s6 =	sadd.s32 @!p0 $0x88, s6;
	s7 =	simm.s32 @p2 $0x1082  }
0x22: {  	[simem:s7], [sflag:s8] =	dma.local @!p0 [hbm:s6], $0xF7A  }
0x23: {  	s9 =	sor.u32 $0xD0000000, s2;
	s6 =	simm.s32 $0x108;
	_ =	swait.ge @!p0 [sflag:s8], $0x0  }
0x24: {  	s3 =	sadd.s32 $0x88, s3;
	s6 =	simm.s32 @!p1 $0x1082;
	[sflag:s4] =	ssyncset.s32 $0xFFFFF086  }
0x25: {  	[simem:s6], [sflag:s4] =	dma.local [hbm:s3], $0xF7A  }
0x26: {  	[smem:$0x3FA0] =	sst s1;
	(tag) =	ssettag s2;
	_ =	strace s9  }
0x27: {  	s1 =	sld [smem:$0x3FB0]  }
0x28: {  	s2 =	sld [smem:$0x3FB1]  }
0x29: {  	s4 =	sld [smem:$0x3FB3]  }
0x2a: {  	p0 =	seq.s32 s5, $0x0;
	s5 =	sld [smem:$0x3FB4]  }
0x2b: {  	s6 =	sld [smem:$0x3FB5]  }
0x2c: {  	s7 =	sld [smem:$0x3FB6]  }
0x2d: {  	s3 =	simm.s32 $0x108;
	s8 =	sld [smem:$0x3FB7]  }
0x2e: {  	s3 =	simm.s32 @!p0 $0x1082;
	s9 =	sld [smem:$0x3FB8]  }
0x2f: {  	lr =	sadd.s32 s0, s3;
	s0 =	sld [smem:$0x3FAF]  }
0x30: {  	s3 =	sld [smem:$0x3FB2]  }
0x31: {  	[smem:$0x3FBB] =	sst s10  }
0x32: {  	s10 =	sld [smem:$0x3FB9];
	_ =	sdelay $0x3  }
0x33: {  	p0 =	seq.s32 s10, $0x1;
	s10 =	sld [smem:$0x3FBB];
	_ =	sdelay $0x3  }
0x34: {  	[smem:$0x3FBB] =	sst s10  }
0x35: {  	s10 =	sld [smem:$0x3FBA];
	_ =	sdelay $0x3  }
0x36: {  	p1 =	seq.s32 s10, $0x1;
	s10 =	sld [smem:$0x3FBB];
	_ =	sdelay $0x3  }
0x37: {  	[smem:$0x3FBB] =	sst s10  }
0x38: {  	s10 =	sld [smem:$0x3FBC]  }
0x39: {  	_ = 	snop;
	(pc) =	sbr.ind lr, $3  }
0x3a: {  	_ = 	snop  }
0x3b: {  	_ = 	snop  }
0x3c: {  	p2 =	seq.s32 s10, $0x1;
	s10 =	sld [smem:$0x3FBB]  }
0x3d: {  	_ =	shalt  }
0x3e: {  	_ =	shalt  }
0x3f: {  	_ =	shalt  }
0x40: {  	_ =	shalt  }
0x41: {  	_ =	shalt  }
0x42: {  	_ =	shalt  }
0x43: {  	_ =	shalt  }
0x44: {  	_ =	shalt  }
0x45: {  	_ =	shalt  }
0x46: {  	_ =	shalt  }
0x47: {  	_ =	shalt  }
0x48: {  	_ =	shalt  }
0x49: {  	_ =	shalt  }
0x4a: {  	_ =	shalt  }
0x4b: {  	_ =	shalt  }
0x4c: {  	_ =	shalt  }
0x4d: {  	_ =	shalt  }
0x4e: {  	_ =	shalt  }
0x4f: {  	_ =	shalt  }
0x50: {  	_ =	shalt  }
0x51: {  	_ =	shalt  }
0x52: {  	_ =	shalt  }
0x53: {  	_ =	shalt  }
0x54: {  	_ =	shalt  }
0x55: {  	_ =	shalt  }
0x56: {  	_ =	shalt  }
0x57: {  	_ =	shalt  }
0x58: {  	_ =	shalt  }
0x59: {  	_ =	shalt  }
0x5a: {  	_ =	shalt  }
0x5b: {  	_ =	shalt  }
0x5c: {  	_ =	shalt  }
0x5d: {  	_ =	shalt  }
0x5e: {  	_ =	shalt  }
0x5f: {  	_ =	shalt  }
0x60: {  	_ =	shalt  }
0x61: {  	_ =	shalt  }
0x62: {  	_ =	shalt  }
0x63: {  	_ =	shalt  }
0x64: {  	_ =	shalt  }
0x65: {  	_ =	shalt  }
0x66: {  	_ =	shalt  }
0x67: {  	_ =	shalt  }
0x68: {  	_ =	shalt  }
0x69: {  	_ =	shalt  }
0x6a: {  	_ =	shalt  }
0x6b: {  	_ =	shalt  }
0x6c: {  	_ =	shalt  }
0x6d: {  	_ =	shalt  }
0x6e: {  	_ =	shalt  }
0x6f: {  	_ =	shalt  }
0x70: {  	_ =	shalt  }
0x71: {  	_ =	shalt  }
0x72: {  	_ =	shalt  }
0x73: {  	_ =	shalt  }
0x74: {  	_ =	shalt  }
0x75: {  	_ =	shalt  }
0x76: {  	_ =	shalt  }
0x77: {  	_ =	shalt  }
0x78: {  	_ =	shalt  }
0x79: {  	_ =	shalt  }
0x7a: {  	_ =	shalt  }
0x7b: {  	_ =	shalt  }
0x7c: {  	_ =	shalt  }
0x7d: {  	_ =	shalt  }
0x7e: {  	_ =	shalt  }
0x7f: {  	_ =	shalt  }
0x80: {  	_ =	shalt  }
0x81: {  	_ =	shalt  }
0x82: {  	_ =	shalt  }
0x83: {  	_ =	shalt  }
0x84: {  	_ =	shalt  }
0x85: {  	_ =	shalt  }
0x86: {  	_ =	shalt  }
0x87: {  	_ =	shalt  }
.Lfunc_end0:
.L_simem_size_0:
called_computation_lowered:
.L_overlay_start_0:
0x88: {  	s2 =	sld [smem:$0x3FD9]  }
0x89: {  	s3 =	sld [smem:$0x3FFE];
	_ =	sdelay $0x1  }
0x8a: {  	s1 =	srdreg.scid  }
0x8b: {  	s0 =	sand.u32 $0x1, s1  }
0x8c: {  	s16 =	sshll.u32 s0, $0xA;
	s2 =	sadd.s32 s3, s2  }
0x8d: {  	s2 =	sadd.s32 s2, s16  }
0x8e: {  	[smem:$0x3FC7] =	sst s2  }
0x8f: {  	_ = 	snop  }
0x90: {  	(tm) =	ssettm $0x1  }
0x91: {  	s17 =	sld [smem:$0x3FFB];
	_ =	sdelay $0x3  }
0x92: {  	_ =	strace s17  }
0x93: {  	s2 =	sld [smem:$0x3FFC];
	_ =	sdelay $0x3  }
0x94: {  	_ =	strace s2  }
0x95: {  	s2 =	sld [smem:$0x3FFD];
	_ =	sdelay $0x3  }
0x96: {  	_ =	strace s2  }
0x97: {  	_ =	strace $0x8FFFFFFF  }
0x98: {  	s18 =	sld [smem:$0x3FDB];
	_ =	sdelay $0x1  }
0x99: {  	s19 =	simm.s32 $_scs_section_size  }
0x9a: {  	s4 =	simm.s32 $_size__tile_overlayer_lowered;
	s5 =	simm.s32 $_tile_overlayer_lowered  }
0x9b: {  	s22 =	simm.s32 $0x1BFF;
	s21 =	sshll.u32 s5, $0x1;
	s2 =	sadd.s32 s19, s18  }
0x9c: {  	s6 =	simm.s32 $0x0;
	s20 =	sshll.u32 s4, $0x1;
	s4 =	sadd.s32 s21, s2  }
0x9d: {  	[timem:s6], [sflag:s22] =	dma.local [hbm:s4], s20  }
0x9e: {  	_ =	swait.ge [sflag:s22], s20  }
0x9f: {  	s3 =	ssub.s32 $0x0, s20;
	[sflag:s22] =	ssyncset.done $0x0  }
0xa0: {  	[sflag:s22] =	ssyncadd.s32 s3;
	_ =	sdelay $0x1  }
0xa1: {  	s23 =	simm.s32 $0x1B8B  }
0xa2: {  	_ =	swait.ge [sflag:s23], $0x1  }
0xa3: {  	[sflag:s23] =	ssyncset.done $0x0  }
0xa4: {  	s25 =	simm.s32 $0x1B8E;
	s24 =	sld [smem:$0x3FFE];
	[sflag:s23] =	ssyncadd.s32 $0xFFFFFFFF  }
0xa5: {  	s26 =	simm.s32 $execute0_lowered;
	[smem:$0x3FD2] =	sst s25  }
0xa6: {  	s4 =	sshll.u32 s26, $0x1;
	_ =	strace $0x80000046;
	[dreg:$0x1] =	wrdreg $0xFFFFFFFF  }
0xa7: {  	s28 =	simm.s32 $_size_execute0_lowered;
	s2 =	sadd.s32 s2, s4;
	[dreg:$0x0] =	wrdreg $0x0  }
0xa8: {  	s4 =	sshll.u32 s28, $0x1;
	[dreg:$0x2] =	wrdreg s2  }
0xa9: {  	[dreg:$0x3] =	wrdreg s4  }
0xaa: {  	[dreg:$0x4] =	wrdreg $0xC0  }
0xab: {  	_ =	task [dreg:s6], $0x5FFFF  }
0xac: {  	[dreg:$0x1] =	wrdreg $0xFFFFFFFF  }
0xad: {  	[dreg:$0x0] =	wrdreg $0x60  }
0xae: {  	[dreg:$0x2] =	wrdreg s24  }
0xaf: {  	[dreg:$0x3] =	wrdreg $0x9  }
0xb0: {  	_ =	task.clear_ibuf [dreg:s6], $0x4FFFF;
	_ =	strace $0x90000046  }
0xb1: {  	s29 =	simm.s32 $0x9;
	_ =	strace $0x80000048  }
0xb2: {  	_ =	swait.ge [sflag:s29], $0x1  }
0xb3: {  	[sflag:s29] =	ssyncadd.s32 $0xFFFFFFFF  }
0xb4: {  	_ =	strace $0x90000048  }
0xb5: {  	_ =	sfence  }
0xb6: {  	s30 =	sld [smem:$0x0];
	_ =	sdelay $0x2  }
0xb7: {  	s31 =	sshll.u32 s1, $0xD;
	s1 =	sshrl.u32 s1, $0x2  }
0xb8: {  	s3 =	sand.u32 $0x4000, s31;
	s1 =	sadd.s32 s1, s30  }
0xb9: {  	s0 =	sor.u32 s3, s0;
	s1 =	sshll.u32 s1, $0x11  }
0xba: {  	s0 =	sor.u32 s1, s0  }
0xbb: {  	s0 =	sadd.s32 $0x8F2B, s0  }
0xbc: {  	[sflag:s0] =	ssyncadd.remote.s32 $0x1  }
0xbd: {  	_ =	sfence.sel $0xFFFF  }
0xbe: {  	[dreg:$0x0] =	wrdreg $0xFFFFFFFF;
	(pc) =	sbr.abs _section_cstart, $3  }
0xbf: {  	[dreg:$0x1] =	wrdreg $0xFFFFFFFF  }
0xc0: {  	_ =	task.clear_ibuf [dreg:s6], $0x2FFFF;
	_ =	strace $0x9FFFFFFF  }
0xc1: {  	(tm) =	ssettm $0x7FFFFFFF  }
tec
execute0_lowered:
.L_overlay_start_1:
0x0: {  	(tag) =	ssettag $0x1  }
0x1: {  	s3 =	rddreg [dreg:$0x0]  }
0x2: {  	s1 =	srdreg.scid;
	s0 =	rddreg [dreg:$0x1];
	s2 =	simm.s32 $0x0  }
0x3: {  	s4 =	sand.u32 $0x1, s1;
	s1 =	stileid.u32;
	[smem:$0x7FF] =	sst s2  }
0x4: {  	s3 =	sadd.s32 $0x600, s3;
	s5 =	ssub.s32 $0x2, s4;
	s7 =	smul.u32 $0xB0000, s1  }
0x5: {  	s30 =	sshll.u32 s1, $0x1;
	s8 =	smul.u32 $0x58000, s4;
	s6 =	sshrl.u32 s5, $0x1  }
0x6: {  	_ =	strace $0x80000047;
	s4 =	sor.u32 s4, s30;
	s5 =	ssub.s32 s5, s6  }
0x7: {  	v1 =	vlaneseq.u32;
	s4 =	smul.u32 $0x16, s4;
	s31 =	sadd.s32 s8, s7;
	s7 =	simm.s32 $0x1  }
0x8: {  	v0 =	vadd.s32 $0xCDDB151D, v1;
	v1 =	vadd.s32 $0x53A38AC, v1;
	s8 =	simm.s32 $0x0;
	s5 =	smax.u32 s5, $0x1;
	s6 =	sadd.s32 $0x1500070, s31  }
.LBB2_1:
0x9: {  	s9 =	smov.u32 s6;
	s10 =	simm.s32 $0x0  }
.LBB2_2:
0xa: {  	s11 =	sadd.s32 $0xFFFFFFA0, s9  }
0xb: {  	s12 =	sadd.s32 $0xFFFFFFB0, s9;
	s13 =	sadd.s32 $0xFFFFFFC0, s9;
	v3 =	vadd.s32 s9, v0;
	v2 =	vadd.s32 s9, v1;
	s14 =	sadd.s32 $0xFFFFFFD0, s9;
	v4 =	vadd.s32 s11, v1  }
0xc: {  	s15 =	sadd.s32 $0xFFFFFFE0, s9;
	s16 =	sadd.s32 $0xFFFFFFF0, s9;
	v5 =	vadd.s32 s12, v1;
	v6 =	vadd.s32 s13, v1;
	v7 =	vadd.s32 s14, v1  }
0xd: {  	v8 =	vadd.s32 s15, v1;
	v9 =	vadd.s32 s16, v1;
	v10 =	vadd.s32 s11, v0  }
0xe: {  	v11 =	vadd.s32 s12, v0;
	v12 =	vadd.s32 s13, v0;
	v13 =	vadd.s32 s14, v0  }
0xf: {  	v14 =	vadd.s32 s15, v0;
	v15 =	vadd.s32 s16, v0;
	v16 =	vshrl.u32 v10, $0x13  }
0x10: {  	v10 =	vshll.u32 v10, $0xD;
	v17 =	vshrl.u32 v11, $0x13;
	v11 =	vshll.u32 v11, $0xD  }
0x11: {  	v18 =	vshrl.u32 v12, $0x13;
	v12 =	vshll.u32 v12, $0xD;
	v19 =	vshrl.u32 v13, $0x13  }
0x12: {  	v13 =	vshll.u32 v13, $0xD;
	v20 =	vshrl.u32 v14, $0x13;
	v14 =	vshll.u32 v14, $0xD  }
0x13: {  	v21 =	vshrl.u32 v15, $0x13;
	v15 =	vshll.u32 v15, $0xD;
	v10 =	vor.u32 v16, v10  }
0x14: {  	v11 =	vor.u32 v17, v11;
	v12 =	vor.u32 v18, v12;
	v13 =	vor.u32 v19, v13  }
0x15: {  	v14 =	vor.u32 v20, v14;
	v15 =	vor.u32 v21, v15;
	v10 =	vxor.u32 v4, v10  }
0x16: {  	v11 =	vxor.u32 v5, v11;
	v12 =	vxor.u32 v6, v12;
	v13 =	vxor.u32 v7, v13  }
0x17: {  	v14 =	vxor.u32 v8, v14;
	v15 =	vxor.u32 v9, v15;
	v4 =	vadd.s32 v4, v10  }
0x18: {  	v5 =	vadd.s32 v5, v11;
	v6 =	vadd.s32 v6, v12;
	v7 =	vadd.s32 v7, v13  }
0x19: {  	v8 =	vadd.s32 v8, v14;
	v9 =	vadd.s32 v9, v15;
	v30 =	vshrl.u32 v10, $0x11  }
0x1a: {  	v10 =	vshll.u32 v10, $0xF;
	v31 =	vshrl.u32 v11, $0x11;
	v11 =	vshll.u32 v11, $0xF  }
0x1b: {  	v32 =	vshrl.u32 v12, $0x11;
	v12 =	vshll.u32 v12, $0xF;
	v33 =	vshrl.u32 v13, $0x11  }
0x1c: {  	v13 =	vshll.u32 v13, $0xF;
	v34 =	vshrl.u32 v14, $0x11;
	v14 =	vshll.u32 v14, $0xF  }
0x1d: {  	v35 =	vshrl.u32 v15, $0x11;
	v15 =	vshll.u32 v15, $0xF;
	v10 =	vor.u32 v30, v10  }
0x1e: {  	v11 =	vor.u32 v31, v11;
	v12 =	vor.u32 v32, v12;
	v13 =	vor.u32 v33, v13  }
0x1f: {  	v14 =	vor.u32 v34, v14;
	v15 =	vor.u32 v35, v15;
	v10 =	vxor.u32 v10, v4  }
0x20: {  	v11 =	vxor.u32 v11, v5;
	v12 =	vxor.u32 v12, v6;
	v13 =	vxor.u32 v13, v7  }
0x21: {  	v14 =	vxor.u32 v14, v8;
	v15 =	vxor.u32 v15, v9;
	v4 =	vadd.s32 v4, v10  }
0x22: {  	v5 =	vadd.s32 v5, v11;
	v6 =	vadd.s32 v6, v12;
	v7 =	vadd.s32 v7, v13  }
0x23: {  	v8 =	vadd.s32 v8, v14;
	v9 =	vadd.s32 v9, v15;
	v36 =	vshrl.u32 v10, $0x6  }
0x24: {  	v10 =	vshll.u32 v10, $0x1A;
	v37 =	vshrl.u32 v11, $0x6;
	v11 =	vshll.u32 v11, $0x1A  }
0x25: {  	v38 =	vshrl.u32 v12, $0x6;
	v12 =	vshll.u32 v12, $0x1A;
	v39 =	vshrl.u32 v13, $0x6  }
0x26: {  	v13 =	vshll.u32 v13, $0x1A;
	v40 =	vshrl.u32 v14, $0x6;
	v14 =	vshll.u32 v14, $0x1A  }
0x27: {  	v41 =	vshrl.u32 v15, $0x6;
	v15 =	vshll.u32 v15, $0x1A;
	v10 =	vor.u32 v36, v10  }
0x28: {  	v11 =	vor.u32 v37, v11;
	v12 =	vor.u32 v38, v12;
	v13 =	vor.u32 v39, v13  }
0x29: {  	v14 =	vor.u32 v40, v14;
	v15 =	vor.u32 v41, v15;
	v10 =	vxor.u32 v10, v4  }
0x2a: {  	v11 =	vxor.u32 v11, v5;
	v12 =	vxor.u32 v12, v6;
	v13 =	vxor.u32 v13, v7  }
0x2b: {  	v14 =	vxor.u32 v14, v8;
	v15 =	vxor.u32 v15, v9;
	v4 =	vadd.s32 v4, v10  }
0x2c: {  	v5 =	vadd.s32 v5, v11;
	v6 =	vadd.s32 v6, v12;
	v7 =	vadd.s32 v7, v13  }
0x2d: {  	v8 =	vadd.s32 v8, v14;
	v9 =	vadd.s32 v9, v15;
	v42 =	vshrl.u32 v10, $0x1A  }
0x2e: {  	v10 =	vshll.u32 v10, $0x6;
	v43 =	vshrl.u32 v11, $0x1A;
	v11 =	vshll.u32 v11, $0x6  }
0x2f: {  	v44 =	vshrl.u32 v12, $0x1A;
	v12 =	vshll.u32 v12, $0x6;
	v45 =	vshrl.u32 v13, $0x1A  }
0x30: {  	v13 =	vshll.u32 v13, $0x6;
	v46 =	vshrl.u32 v14, $0x1A;
	v14 =	vshll.u32 v14, $0x6  }
0x31: {  	v47 =	vshrl.u32 v15, $0x1A;
	v15 =	vshll.u32 v15, $0x6;
	v10 =	vor.u32 v42, v10  }
0x32: {  	v11 =	vor.u32 v43, v11;
	v12 =	vor.u32 v44, v12;
	v13 =	vor.u32 v45, v13  }
0x33: {  	v14 =	vor.u32 v46, v14;
	v15 =	vor.u32 v47, v15;
	v10 =	vxor.u32 v10, v4  }
0x34: {  	v11 =	vxor.u32 v11, v5;
	v12 =	vxor.u32 v12, v6;
	v13 =	vxor.u32 v13, v7  }
0x35: {  	v14 =	vxor.u32 v14, v8;
	v15 =	vxor.u32 v15, v9;
	v10 =	vadd.s32 $0xE1552D49, v10  }
0x36: {  	v11 =	vadd.s32 $0xE1552D49, v11;
	v12 =	vadd.s32 $0xE1552D49, v12;
	v13 =	vadd.s32 $0xE1552D49, v13  }
0x37: {  	v14 =	vadd.s32 $0xE1552D49, v14;
	v15 =	vadd.s32 $0xE1552D49, v15;
	v4 =	vadd.s32 v10, v4  }
0x38: {  	v5 =	vadd.s32 v11, v5;
	v6 =	vadd.s32 v12, v6;
	v48 =	vshrl.u32 v10, $0xF  }
0x39: {  	v10 =	vshll.u32 v10, $0x11;
	v49 =	vshrl.u32 v11, $0xF;
	v11 =	vshll.u32 v11, $0x11  }
0x3a: {  	v50 =	vshrl.u32 v12, $0xF;
	v12 =	vshll.u32 v12, $0x11;
	v7 =	vadd.s32 v13, v7  }
0x3b: {  	v8 =	vadd.s32 v14, v8;
	v9 =	vadd.s32 v15, v9;
	v51 =	vshrl.u32 v13, $0xF  }
0x3c: {  	v13 =	vshll.u32 v13, $0x11;
	v52 =	vshrl.u32 v14, $0xF;
	v14 =	vshll.u32 v14, $0x11  }
0x3d: {  	v53 =	vshrl.u32 v15, $0xF;
	v15 =	vshll.u32 v15, $0x11;
	v4 =	vadd.s32 $0xCDDB151D, v4  }
0x3e: {  	v5 =	vadd.s32 $0xCDDB151D, v5;
	v6 =	vadd.s32 $0xCDDB151D, v6;
	v10 =	vor.u32 v48, v10  }
0x3f: {  	v11 =	vor.u32 v49, v11;
	v12 =	vor.u32 v50, v12;
	v7 =	vadd.s32 $0xCDDB151D, v7  }
0x40: {  	v8 =	vadd.s32 $0xCDDB151D, v8;
	v9 =	vadd.s32 $0xCDDB151D, v9;
	v13 =	vor.u32 v51, v13  }
0x41: {  	v14 =	vor.u32 v52, v14;
	v15 =	vor.u32 v53, v15;
	v10 =	vxor.u32 v10, v4  }
0x42: {  	v11 =	vxor.u32 v11, v5;
	v12 =	vxor.u32 v12, v6;
	v13 =	vxor.u32 v13, v7  }
0x43: {  	v14 =	vxor.u32 v14, v8;
	v15 =	vxor.u32 v15, v9;
	v4 =	vadd.s32 v4, v10  }
0x44: {  	v5 =	vadd.s32 v5, v11;
	v6 =	vadd.s32 v6, v12;
	v7 =	vadd.s32 v7, v13  }
0x45: {  	v8 =	vadd.s32 v8, v14;
	v9 =	vadd.s32 v9, v15;
	v54 =	vshrl.u32 v10, $0x3  }
0x46: {  	v10 =	vshll.u32 v10, $0x1D;
	v55 =	vshrl.u32 v11, $0x3;
	v11 =	vshll.u32 v11, $0x1D  }
0x47: {  	v56 =	vshrl.u32 v12, $0x3;
	v12 =	vshll.u32 v12, $0x1D;
	v57 =	vshrl.u32 v13, $0x3  }
0x48: {  	v13 =	vshll.u32 v13, $0x1D;
	v58 =	vshrl.u32 v14, $0x3;
	v14 =	vshll.u32 v14, $0x1D  }
0x49: {  	v59 =	vshrl.u32 v15, $0x3;
	v15 =	vshll.u32 v15, $0x1D;
	v10 =	vor.u32 v54, v10  }
0x4a: {  	v11 =	vor.u32 v55, v11;
	v12 =	vor.u32 v56, v12;
	v13 =	vor.u32 v57, v13  }
0x4b: {  	v14 =	vor.u32 v58, v14;
	v15 =	vor.u32 v59, v15;
	v10 =	vxor.u32 v10, v4  }
0x4c: {  	v11 =	vxor.u32 v11, v5;
	v12 =	vxor.u32 v12, v6;
	v13 =	vxor.u32 v13, v7  }
0x4d: {  	v14 =	vxor.u32 v14, v8;
	v15 =	vxor.u32 v15, v9;
	v4 =	vadd.s32 v4, v10  }
0x4e: {  	v5 =	vadd.s32 v5, v11;
	v6 =	vadd.s32 v6, v12;
	v7 =	vadd.s32 v7, v13  }
0x4f: {  	v8 =	vadd.s32 v8, v14;
	v9 =	vadd.s32 v9, v15;
	v60 =	vshrl.u32 v10, $0x10  }
0x50: {  	v10 =	vshll.u32 v10, $0x10;
	v61 =	vshrl.u32 v11, $0x10;
	v11 =	vshll.u32 v11, $0x10  }
0x51: {  	v62 =	vshrl.u32 v12, $0x10;
	v12 =	vshll.u32 v12, $0x10;
	v63 =	vshrl.u32 v13, $0x10  }
0x52: {  	v13 =	vshll.u32 v13, $0x10;
	v24 =	vshrl.u32 v14, $0x10;
	v14 =	vshll.u32 v14, $0x10  }
0x53: {  	v25 =	vshrl.u32 v15, $0x10;
	v15 =	vshll.u32 v15, $0x10;
	v10 =	vor.u32 v60, v10  }
0x54: {  	v11 =	vor.u32 v61, v11;
	v12 =	vor.u32 v62, v12;
	v13 =	vor.u32 v63, v13  }
0x55: {  	v14 =	vor.u32 v24, v14;
	v15 =	vor.u32 v25, v15;
	v10 =	vxor.u32 v10, v4  }
0x56: {  	v11 =	vxor.u32 v11, v5;
	v12 =	vxor.u32 v12, v6;
	v13 =	vxor.u32 v13, v7  }
0x57: {  	v14 =	vxor.u32 v14, v8;
	v15 =	vxor.u32 v15, v9;
	v4 =	vadd.s32 v4, v10  }
0x58: {  	v5 =	vadd.s32 v5, v11;
	v6 =	vadd.s32 v6, v12;
	v7 =	vadd.s32 v7, v13  }
0x59: {  	v8 =	vadd.s32 v8, v14;
	v9 =	vadd.s32 v9, v15;
	v26 =	vshrl.u32 v10, $0x8  }
0x5a: {  	v10 =	vshll.u32 v10, $0x18;
	v27 =	vshrl.u32 v11, $0x8;
	v11 =	vshll.u32 v11, $0x18  }
0x5b: {  	v28 =	vshrl.u32 v12, $0x8;
	v12 =	vshll.u32 v12, $0x18;
	v29 =	vshrl.u32 v13, $0x8  }
0x5c: {  	v13 =	vshll.u32 v13, $0x18;
	v30 =	vshrl.u32 v14, $0x8;
	v14 =	vshll.u32 v14, $0x18  }
0x5d: {  	v31 =	vshrl.u32 v15, $0x8;
	v15 =	vshll.u32 v15, $0x18;
	v10 =	vor.u32 v26, v10  }
0x5e: {  	v11 =	vor.u32 v27, v11;
	v12 =	vor.u32 v28, v12;
	v13 =	vor.u32 v29, v13  }
0x5f: {  	v14 =	vor.u32 v30, v14;
	v15 =	vor.u32 v31, v15;
	v10 =	vxor.u32 v10, v4  }
0x60: {  	v11 =	vxor.u32 v11, v5;
	v12 =	vxor.u32 v12, v6;
	v13 =	vxor.u32 v13, v7  }
0x61: {  	v14 =	vxor.u32 v14, v8;
	v15 =	vxor.u32 v15, v9;
	v10 =	vadd.s32 $0x375F2391, v10  }
0x62: {  	v11 =	vadd.s32 $0x375F2391, v11;
	v12 =	vadd.s32 $0x375F2391, v12;
	v13 =	vadd.s32 $0x375F2391, v13  }
0x63: {  	v14 =	vadd.s32 $0x375F2391, v14;
	v15 =	vadd.s32 $0x375F2391, v15;
	v4 =	vadd.s32 v10, v4  }
0x64: {  	v5 =	vadd.s32 v11, v5;
	v6 =	vadd.s32 v12, v6;
	v32 =	vshrl.u32 v10, $0x13  }
0x65: {  	v10 =	vshll.u32 v10, $0xD;
	v33 =	vshrl.u32 v11, $0x13;
	v11 =	vshll.u32 v11, $0xD  }
0x66: {  	v34 =	vshrl.u32 v12, $0x13;
	v12 =	vshll.u32 v12, $0xD;
	v7 =	vadd.s32 v13, v7  }
0x67: {  	v8 =	vadd.s32 v14, v8;
	v9 =	vadd.s32 v15, v9;
	v35 =	vshrl.u32 v13, $0x13  }
0x68: {  	v13 =	vshll.u32 v13, $0xD;
	v36 =	vshrl.u32 v14, $0x13;
	v14 =	vshll.u32 v14, $0xD  }
0x69: {  	v37 =	vshrl.u32 v15, $0x13;
	v15 =	vshll.u32 v15, $0xD;
	v4 =	vadd.s32 $0xE1552D48, v4  }
0x6a: {  	v5 =	vadd.s32 $0xE1552D48, v5;
	v6 =	vadd.s32 $0xE1552D48, v6;
	v10 =	vor.u32 v32, v10  }
0x6b: {  	v11 =	vor.u32 v33, v11;
	v12 =	vor.u32 v34, v12;
	v7 =	vadd.s32 $0xE1552D48, v7  }
0x6c: {  	v8 =	vadd.s32 $0xE1552D48, v8;
	v9 =	vadd.s32 $0xE1552D48, v9;
	v13 =	vor.u32 v35, v13  }
0x6d: {  	v14 =	vor.u32 v36, v14;
	v15 =	vor.u32 v37, v15;
	v10 =	vxor.u32 v10, v4  }
0x6e: {  	v11 =	vxor.u32 v11, v5;
	v12 =	vxor.u32 v12, v6;
	v13 =	vxor.u32 v13, v7  }
0x6f: {  	v14 =	vxor.u32 v14, v8;
	v15 =	vxor.u32 v15, v9;
	v4 =	vadd.s32 v4, v10  }
0x70: {  	v5 =	vadd.s32 v5, v11;
	v6 =	vadd.s32 v6, v12;
	v7 =	vadd.s32 v7, v13  }
0x71: {  	v8 =	vadd.s32 v8, v14;
	v9 =	vadd.s32 v9, v15;
	v38 =	vshrl.u32 v10, $0x11  }
0x72: {  	v10 =	vshll.u32 v10, $0xF;
	v39 =	vshrl.u32 v11, $0x11;
	v11 =	vshll.u32 v11, $0xF  }
0x73: {  	v40 =	vshrl.u32 v12, $0x11;
	v12 =	vshll.u32 v12, $0xF;
	v41 =	vshrl.u32 v13, $0x11  }
0x74: {  	v13 =	vshll.u32 v13, $0xF;
	v42 =	vshrl.u32 v14, $0x11;
	v14 =	vshll.u32 v14, $0xF  }
0x75: {  	v43 =	vshrl.u32 v15, $0x11;
	v15 =	vshll.u32 v15, $0xF;
	v10 =	vor.u32 v38, v10  }
0x76: {  	v11 =	vor.u32 v39, v11;
	v12 =	vor.u32 v40, v12;
	v13 =	vor.u32 v41, v13  }
0x77: {  	v14 =	vor.u32 v42, v14;
	v15 =	vor.u32 v43, v15;
	v10 =	vxor.u32 v10, v4  }
0x78: {  	v11 =	vxor.u32 v11, v5;
	v12 =	vxor.u32 v12, v6;
	v13 =	vxor.u32 v13, v7  }
0x79: {  	v14 =	vxor.u32 v14, v8;
	v15 =	vxor.u32 v15, v9;
	v4 =	vadd.s32 v4, v10  }
0x7a: {  	v5 =	vadd.s32 v5, v11;
	v6 =	vadd.s32 v6, v12;
	v7 =	vadd.s32 v7, v13  }
0x7b: {  	v8 =	vadd.s32 v8, v14;
	v9 =	vadd.s32 v9, v15;
	v44 =	vshrl.u32 v10, $0x6  }
0x7c: {  	v10 =	vshll.u32 v10, $0x1A;
	v45 =	vshrl.u32 v11, $0x6;
	v11 =	vshll.u32 v11, $0x1A  }
0x7d: {  	v46 =	vshrl.u32 v12, $0x6;
	v12 =	vshll.u32 v12, $0x1A;
	v47 =	vshrl.u32 v13, $0x6  }
0x7e: {  	v13 =	vshll.u32 v13, $0x1A;
	v48 =	vshrl.u32 v14, $0x6;
	v14 =	vshll.u32 v14, $0x1A  }
0x7f: {  	v49 =	vshrl.u32 v15, $0x6;
	v15 =	vshll.u32 v15, $0x1A;
	v10 =	vor.u32 v44, v10  }
0x80: {  	v11 =	vor.u32 v45, v11;
	v12 =	vor.u32 v46, v12;
	v13 =	vor.u32 v47, v13  }
0x81: {  	v14 =	vor.u32 v48, v14;
	v15 =	vor.u32 v49, v15;
	v10 =	vxor.u32 v10, v4  }
0x82: {  	v11 =	vxor.u32 v11, v5;
	v12 =	vxor.u32 v12, v6;
	v13 =	vxor.u32 v13, v7  }
0x83: {  	v14 =	vxor.u32 v14, v8;
	v15 =	vxor.u32 v15, v9;
	v4 =	vadd.s32 v4, v10  }
0x84: {  	v5 =	vadd.s32 v5, v11;
	v6 =	vadd.s32 v6, v12;
	v7 =	vadd.s32 v7, v13  }
0x85: {  	v8 =	vadd.s32 v8, v14;
	v9 =	vadd.s32 v9, v15;
	v50 =	vshrl.u32 v10, $0x1A  }
0x86: {  	v10 =	vshll.u32 v10, $0x6;
	v51 =	vshrl.u32 v11, $0x1A;
	v11 =	vshll.u32 v11, $0x6  }
0x87: {  	v52 =	vshrl.u32 v12, $0x1A;
	v12 =	vshll.u32 v12, $0x6;
	v53 =	vshrl.u32 v13, $0x1A  }
0x88: {  	v13 =	vshll.u32 v13, $0x6;
	v54 =	vshrl.u32 v14, $0x1A;
	v14 =	vshll.u32 v14, $0x6  }
0x89: {  	v55 =	vshrl.u32 v15, $0x1A;
	v15 =	vshll.u32 v15, $0x6;
	v10 =	vor.u32 v50, v10  }
0x8a: {  	v11 =	vor.u32 v51, v11;
	v12 =	vor.u32 v52, v12;
	v13 =	vor.u32 v53, v13  }
0x8b: {  	v14 =	vor.u32 v54, v14;
	v15 =	vor.u32 v55, v15;
	v10 =	vxor.u32 v10, v4  }
0x8c: {  	v11 =	vxor.u32 v11, v5;
	v12 =	vxor.u32 v12, v6;
	v13 =	vxor.u32 v13, v7  }
0x8d: {  	v14 =	vxor.u32 v14, v8;
	v15 =	vxor.u32 v15, v9;
	v10 =	vadd.s32 $0xCDDB1520, v10  }
0x8e: {  	v11 =	vadd.s32 $0xCDDB1520, v11;
	v12 =	vadd.s32 $0xCDDB1520, v12;
	v13 =	vadd.s32 $0xCDDB1520, v13  }
0x8f: {  	v14 =	vadd.s32 $0xCDDB1520, v14;
	v15 =	vadd.s32 $0xCDDB1520, v15;
	v4 =	vadd.s32 v10, v4  }
0x90: {  	v5 =	vadd.s32 v11, v5;
	v6 =	vadd.s32 v12, v6;
	v56 =	vshrl.u32 v10, $0xF  }
0x91: {  	v10 =	vshll.u32 v10, $0x11;
	v57 =	vshrl.u32 v11, $0xF;
	v11 =	vshll.u32 v11, $0x11  }
0x92: {  	v58 =	vshrl.u32 v12, $0xF;
	v12 =	vshll.u32 v12, $0x11;
	v7 =	vadd.s32 v13, v7  }
0x93: {  	v8 =	vadd.s32 v14, v8;
	v9 =	vadd.s32 v15, v9;
	v59 =	vshrl.u32 v13, $0xF  }
0x94: {  	v13 =	vshll.u32 v13, $0x11;
	v60 =	vshrl.u32 v14, $0xF;
	v14 =	vshll.u32 v14, $0x11  }
0x95: {  	v61 =	vshrl.u32 v15, $0xF;
	v15 =	vshll.u32 v15, $0x11;
	v4 =	vadd.s32 $0x375F238F, v4  }
0x96: {  	v5 =	vadd.s32 $0x375F238F, v5;
	v6 =	vadd.s32 $0x375F238F, v6;
	v10 =	vor.u32 v56, v10  }
0x97: {  	v11 =	vor.u32 v57, v11;
	v12 =	vor.u32 v58, v12;
	v7 =	vadd.s32 $0x375F238F, v7  }
0x98: {  	v8 =	vadd.s32 $0x375F238F, v8;
	v9 =	vadd.s32 $0x375F238F, v9;
	v13 =	vor.u32 v59, v13  }
0x99: {  	v14 =	vor.u32 v60, v14;
	v15 =	vor.u32 v61, v15;
	v10 =	vxor.u32 v10, v4  }
0x9a: {  	v11 =	vxor.u32 v11, v5;
	v12 =	vxor.u32 v12, v6;
	v13 =	vxor.u32 v13, v7  }
0x9b: {  	v14 =	vxor.u32 v14, v8;
	v15 =	vxor.u32 v15, v9;
	v4 =	vadd.s32 v4, v10  }
0x9c: {  	v5 =	vadd.s32 v5, v11;
	v6 =	vadd.s32 v6, v12;
	v7 =	vadd.s32 v7, v13  }
0x9d: {  	v8 =	vadd.s32 v8, v14;
	v9 =	vadd.s32 v9, v15;
	v62 =	vshrl.u32 v10, $0x3  }
0x9e: {  	v10 =	vshll.u32 v10, $0x1D;
	v63 =	vshrl.u32 v11, $0x3;
	v11 =	vshll.u32 v11, $0x1D  }
0x9f: {  	v24 =	vshrl.u32 v12, $0x3;
	v12 =	vshll.u32 v12, $0x1D;
	v25 =	vshrl.u32 v13, $0x3  }
0xa0: {  	v13 =	vshll.u32 v13, $0x1D;
	v26 =	vshrl.u32 v14, $0x3;
	v14 =	vshll.u32 v14, $0x1D  }
0xa1: {  	v27 =	vshrl.u32 v15, $0x3;
	v15 =	vshll.u32 v15, $0x1D;
	v10 =	vor.u32 v62, v10  }
0xa2: {  	v11 =	vor.u32 v63, v11;
	v12 =	vor.u32 v24, v12;
	v13 =	vor.u32 v25, v13  }
0xa3: {  	v14 =	vor.u32 v26, v14;
	v15 =	vor.u32 v27, v15;
	v10 =	vxor.u32 v10, v4  }
0xa4: {  	v11 =	vxor.u32 v11, v5;
	v12 =	vxor.u32 v12, v6;
	v13 =	vxor.u32 v13, v7  }
0xa5: {  	v14 =	vxor.u32 v14, v8;
	v15 =	vxor.u32 v15, v9;
	v4 =	vadd.s32 v4, v10  }
0xa6: {  	v5 =	vadd.s32 v5, v11;
	v6 =	vadd.s32 v6, v12;
	v7 =	vadd.s32 v7, v13  }
0xa7: {  	v8 =	vadd.s32 v8, v14;
	v9 =	vadd.s32 v9, v15;
	v28 =	vshrl.u32 v10, $0x10  }
0xa8: {  	v10 =	vshll.u32 v10, $0x10;
	v29 =	vshrl.u32 v11, $0x10;
	v11 =	vshll.u32 v11, $0x10  }
0xa9: {  	v30 =	vshrl.u32 v12, $0x10;
	v12 =	vshll.u32 v12, $0x10;
	v31 =	vshrl.u32 v13, $0x10  }
0xaa: {  	v13 =	vshll.u32 v13, $0x10;
	v32 =	vshrl.u32 v14, $0x10;
	v14 =	vshll.u32 v14, $0x10  }
0xab: {  	v33 =	vshrl.u32 v15, $0x10;
	v15 =	vshll.u32 v15, $0x10;
	v10 =	vor.u32 v28, v10  }
0xac: {  	v11 =	vor.u32 v29, v11;
	v12 =	vor.u32 v30, v12;
	v13 =	vor.u32 v31, v13  }
0xad: {  	s28 =	sadd.s32 $0xFFFFFF90, s9;
	v14 =	vor.u32 v32, v14;
	v15 =	vor.u32 v33, v15;
	v28 =	vshrl.u32 v3, $0x13  }
0xae: {  	v3 =	vshll.u32 v3, $0xD;
	v29 =	vadd.s32 s28, v1;
	v10 =	vxor.u32 v10, v4  }
0xaf: {  	v11 =	vxor.u32 v11, v5;
	v12 =	vxor.u32 v12, v6;
	v13 =	vxor.u32 v13, v7  }
0xb0: {  	v14 =	vxor.u32 v14, v8;
	v15 =	vxor.u32 v15, v9;
	v3 =	vor.u32 v28, v3  }
0xb1: {  	v4 =	vadd.s32 v4, v10;
	v5 =	vadd.s32 v5, v11;
	v6 =	vadd.s32 v6, v12  }
0xb2: {  	v7 =	vadd.s32 v7, v13;
	v8 =	vadd.s32 v8, v14;
	v9 =	vadd.s32 v9, v15  }
0xb3: {  	v34 =	vshrl.u32 v10, $0x8;
	v10 =	vshll.u32 v10, $0x18;
	v35 =	vshrl.u32 v11, $0x8  }
0xb4: {  	v11 =	vshll.u32 v11, $0x18;
	v36 =	vshrl.u32 v12, $0x8;
	v12 =	vshll.u32 v12, $0x18  }
0xb5: {  	v37 =	vshrl.u32 v13, $0x8;
	v13 =	vshll.u32 v13, $0x18;
	v38 =	vshrl.u32 v14, $0x8  }
0xb6: {  	v14 =	vshll.u32 v14, $0x18;
	v39 =	vshrl.u32 v15, $0x8;
	v15 =	vshll.u32 v15, $0x18  }
0xb7: {  	v3 =	vxor.u32 v2, v3;
	v10 =	vor.u32 v34, v10;
	v11 =	vor.u32 v35, v11  }
0xb8: {  	v12 =	vor.u32 v36, v12;
	v13 =	vor.u32 v37, v13;
	v14 =	vor.u32 v38, v14  }
0xb9: {  	v15 =	vor.u32 v39, v15;
	v30 =	vshrl.u32 v3, $0x11;
	v33 =	vshll.u32 v3, $0xF  }
0xba: {  	v2 =	vadd.s32 v2, v3;
	v10 =	vxor.u32 v10, v4;
	v11 =	vxor.u32 v11, v5  }
0xbb: {  	v12 =	vxor.u32 v12, v6;
	v13 =	vxor.u32 v13, v7;
	v14 =	vxor.u32 v14, v8  }
0xbc: {  	v15 =	vxor.u32 v15, v9;
	v3 =	vor.u32 v30, v33;
	v10 =	vadd.s32 $0xE1552D4C, v10  }
0xbd: {  	v11 =	vadd.s32 $0xE1552D4C, v11;
	v12 =	vadd.s32 $0xE1552D4C, v12;
	v13 =	vadd.s32 $0xE1552D4C, v13  }
0xbe: {  	v14 =	vadd.s32 $0xE1552D4C, v14;
	v15 =	vadd.s32 $0xE1552D4C, v15;
	v3 =	vxor.u32 v3, v2  }
0xbf: {  	v4 =	vadd.s32 v10, v4;
	v5 =	vadd.s32 v11, v5;
	v6 =	vadd.s32 v12, v6  }
0xc0: {  	v40 =	vshrl.u32 v10, $0x13;
	v10 =	vshll.u32 v10, $0xD;
	v41 =	vshrl.u32 v11, $0x13  }
0xc1: {  	v11 =	vshll.u32 v11, $0xD;
	v42 =	vshrl.u32 v12, $0x13;
	v12 =	vshll.u32 v12, $0xD  }
0xc2: {  	v7 =	vadd.s32 v13, v7;
	v8 =	vadd.s32 v14, v8;
	v9 =	vadd.s32 v15, v9  }
0xc3: {  	v43 =	vshrl.u32 v13, $0x13;
	v13 =	vshll.u32 v13, $0xD;
	v44 =	vshrl.u32 v14, $0x13  }
0xc4: {  	v14 =	vshll.u32 v14, $0xD;
	v45 =	vshrl.u32 v15, $0x13;
	v15 =	vshll.u32 v15, $0xD  }
0xc5: {  	v37 =	vshrl.u32 v3, $0x6;
	v39 =	vshll.u32 v3, $0x1A;
	v2 =	vadd.s32 v2, v3  }
0xc6: {  	v4 =	vadd.s32 $0xCDDB151D, v4;
	v5 =	vadd.s32 $0xCDDB151D, v5;
	v6 =	vadd.s32 $0xCDDB151D, v6  }
0xc7: {  	v10 =	vor.u32 v40, v10;
	v11 =	vor.u32 v41, v11;
	v12 =	vor.u32 v42, v12  }
0xc8: {  	v7 =	vadd.s32 $0xCDDB151D, v7;
	v8 =	vadd.s32 $0xCDDB151D, v8;
	v9 =	vadd.s32 $0xCDDB151D, v9  }
0xc9: {  	v13 =	vor.u32 v43, v13;
	v14 =	vor.u32 v44, v14;
	v15 =	vor.u32 v45, v15  }
0xca: {  	v3 =	vor.u32 v37, v39;
	v10 =	vxor.u32 v10, v4;
	v11 =	vxor.u32 v11, v5  }
0xcb: {  	v12 =	vxor.u32 v12, v6;
	v13 =	vxor.u32 v13, v7;
	v14 =	vxor.u32 v14, v8  }
0xcc: {  	v15 =	vxor.u32 v15, v9;
	v3 =	vxor.u32 v3, v2;
	v4 =	vadd.s32 v4, v10  }
0xcd: {  	v5 =	vadd.s32 v5, v11;
	v6 =	vadd.s32 v6, v12;
	v7 =	vadd.s32 v7, v13  }
0xce: {  	v8 =	vadd.s32 v8, v14;
	v9 =	vadd.s32 v9, v15;
	v46 =	vshrl.u32 v10, $0x11  }
0xcf: {  	v10 =	vshll.u32 v10, $0xF;
	v47 =	vshrl.u32 v11, $0x11;
	v11 =	vshll.u32 v11, $0xF  }
0xd0: {  	v48 =	vshrl.u32 v12, $0x11;
	v12 =	vshll.u32 v12, $0xF;
	v49 =	vshrl.u32 v13, $0x11  }
0xd1: {  	v13 =	vshll.u32 v13, $0xF;
	v50 =	vshrl.u32 v14, $0x11;
	v14 =	vshll.u32 v14, $0xF  }
0xd2: {  	v51 =	vshrl.u32 v15, $0x11;
	v15 =	vshll.u32 v15, $0xF;
	v42 =	vshrl.u32 v3, $0x1A  }
0xd3: {  	v43 =	vshll.u32 v3, $0x6;
	v2 =	vadd.s32 v2, v3;
	v10 =	vor.u32 v46, v10  }
0xd4: {  	v11 =	vor.u32 v47, v11;
	v12 =	vor.u32 v48, v12;
	v13 =	vor.u32 v49, v13  }
0xd5: {  	v14 =	vor.u32 v50, v14;
	v15 =	vor.u32 v51, v15;
	v3 =	vor.u32 v42, v43  }
0xd6: {  	v10 =	vxor.u32 v10, v4;
	v11 =	vxor.u32 v11, v5;
	v12 =	vxor.u32 v12, v6  }
0xd7: {  	v13 =	vxor.u32 v13, v7;
	v14 =	vxor.u32 v14, v8;
	v15 =	vxor.u32 v15, v9  }
0xd8: {  	v3 =	vxor.u32 v3, v2;
	v4 =	vadd.s32 v4, v10;
	v5 =	vadd.s32 v5, v11  }
0xd9: {  	v6 =	vadd.s32 v6, v12;
	v7 =	vadd.s32 v7, v13;
	v8 =	vadd.s32 v8, v14  }
0xda: {  	v9 =	vadd.s32 v9, v15;
	v52 =	vshrl.u32 v10, $0x6;
	v10 =	vshll.u32 v10, $0x1A  }
0xdb: {  	v53 =	vshrl.u32 v11, $0x6;
	v11 =	vshll.u32 v11, $0x1A;
	v54 =	vshrl.u32 v12, $0x6  }
0xdc: {  	v12 =	vshll.u32 v12, $0x1A;
	v55 =	vshrl.u32 v13, $0x6;
	v13 =	vshll.u32 v13, $0x1A  }
0xdd: {  	v56 =	vshrl.u32 v14, $0x6;
	v14 =	vshll.u32 v14, $0x1A;
	v57 =	vshrl.u32 v15, $0x6  }
0xde: {  	v15 =	vshll.u32 v15, $0x1A;
	v3 =	vadd.s32 $0xE1552D49, v3;
	v10 =	vor.u32 v52, v10  }
0xdf: {  	v11 =	vor.u32 v53, v11;
	v12 =	vor.u32 v54, v12;
	v13 =	vor.u32 v55, v13  }
0xe0: {  	v14 =	vor.u32 v56, v14;
	v15 =	vor.u32 v57, v15;
	v2 =	vadd.s32 v3, v2  }
0xe1: {  	v45 =	vshrl.u32 v3, $0xF;
	v3 =	vshll.u32 v3, $0x11;
	v10 =	vxor.u32 v10, v4  }
0xe2: {  	v11 =	vxor.u32 v11, v5;
	v12 =	vxor.u32 v12, v6;
	v13 =	vxor.u32 v13, v7  }
0xe3: {  	v14 =	vxor.u32 v14, v8;
	v15 =	vxor.u32 v15, v9;
	v46 =	vadd.s32 $0xCDDB151D, v2  }
0xe4: {  	v3 =	vor.u32 v45, v3;
	v4 =	vadd.s32 v4, v10;
	v5 =	vadd.s32 v5, v11  }
0xe5: {  	v6 =	vadd.s32 v6, v12;
	v7 =	vadd.s32 v7, v13;
	v8 =	vadd.s32 v8, v14  }
0xe6: {  	v9 =	vadd.s32 v9, v15;
	v58 =	vshrl.u32 v10, $0x1A;
	v10 =	vshll.u32 v10, $0x6  }
0xe7: {  	v59 =	vshrl.u32 v11, $0x1A;
	v11 =	vshll.u32 v11, $0x6;
	v60 =	vshrl.u32 v12, $0x1A  }
0xe8: {  	v12 =	vshll.u32 v12, $0x6;
	v61 =	vshrl.u32 v13, $0x1A;
	v13 =	vshll.u32 v13, $0x6  }
0xe9: {  	v62 =	vshrl.u32 v14, $0x1A;
	v14 =	vshll.u32 v14, $0x6;
	v63 =	vshrl.u32 v15, $0x1A  }
0xea: {  	v15 =	vshll.u32 v15, $0x6;
	v3 =	vxor.u32 v3, v46;
	v22 =	vadd.s32 $0xE1552D48, v4  }
0xeb: {  	v23 =	vadd.s32 $0xE1552D48, v5;
	v24 =	vadd.s32 $0xE1552D48, v6;
	v25 =	vadd.s32 $0xE1552D48, v7  }
0xec: {  	v26 =	vadd.s32 $0xE1552D48, v8;
	v27 =	vadd.s32 $0xE1552D48, v9;
	v10 =	vor.u32 v58, v10  }
0xed: {  	v11 =	vor.u32 v59, v11;
	v12 =	vor.u32 v60, v12;
	v13 =	vor.u32 v61, v13  }
0xee: {  	v14 =	vor.u32 v62, v14;
	v15 =	vor.u32 v63, v15;
	v49 =	vshrl.u32 v3, $0x3  }
0xef: {  	v50 =	vshll.u32 v3, $0x1D;
	v3 =	vadd.s32 v46, v3;
	v4 =	vxor.u32 v10, v4  }
0xf0: {  	v5 =	vxor.u32 v11, v5;
	v6 =	vxor.u32 v12, v6;
	v7 =	vxor.u32 v13, v7  }
0xf1: {  	v8 =	vxor.u32 v14, v8;
	v9 =	vxor.u32 v15, v9;
	v51 =	vor.u32 v49, v50  }
0xf2: {  	v4 =	vadd.s32 $0x375F2394, v4;
	v5 =	vadd.s32 $0x375F2394, v5;
	v6 =	vadd.s32 $0x375F2394, v6  }
0xf3: {  	v7 =	vadd.s32 $0x375F2394, v7;
	v8 =	vadd.s32 $0x375F2394, v8;
	v9 =	vadd.s32 $0x375F2394, v9  }
0xf4: {  	v4 =	vxor.u32 v22, v4;
	v5 =	vxor.u32 v23, v5;
	v6 =	vxor.u32 v24, v6  }
0xf5: {  	v7 =	vxor.u32 v25, v7;
	v8 =	vxor.u32 v26, v8;
	v9 =	vxor.u32 v27, v9  }
0xf6: {  	v26 =	vadd.s32 s28, v0;
	v4 =	vshrl.u32 v4, $0x9;
	v5 =	vshrl.u32 v5, $0x9  }
0xf7: {  	v6 =	vshrl.u32 v6, $0x9;
	v7 =	vshrl.u32 v7, $0x9;
	v8 =	vshrl.u32 v8, $0x9  }
0xf8: {  	v9 =	vshrl.u32 v9, $0x9;
	v27 =	vshrl.u32 v26, $0x13;
	v10 =	vshll.u32 v26, $0xD  }
0xf9: {  	v4 =	vor.u32 $0x3F800000, v4;
	v5 =	vor.u32 $0x3F800000, v5;
	v6 =	vor.u32 $0x3F800000, v6  }
0xfa: {  	v7 =	vor.u32 $0x3F800000, v7;
	v8 =	vor.u32 $0x3F800000, v8;
	v10 =	vor.u32 v27, v10  }
0xfb: {  	v9 =	vor.u32 $0x3F800000, v9;
	v4 =	vadd.f32 $-1.000000000e+00, v4;
	v10 =	vxor.u32 v29, v10  }
0xfc: {  	v5 =	vadd.f32 $-1.000000000e+00, v5;
	v31 =	vshrl.u32 v10, $0x11;
	v32 =	vshll.u32 v10, $0xF  }
0xfd: {  	v6 =	vadd.f32 $-1.000000000e+00, v6;
	v10 =	vadd.s32 v29, v10;
	v34 =	vor.u32 v31, v32  }
0xfe: {  	v7 =	vadd.f32 $-1.000000000e+00, v7;
	v8 =	vadd.f32 $-1.000000000e+00, v8;
	v11 =	vxor.u32 v34, v10  }
0xff: {  	v9 =	vadd.f32 $-1.000000000e+00, v9;
	v35 =	vshrl.u32 v11, $0x6;
	v36 =	vshll.u32 v11, $0x1A  }
0x100: {  	v4 =	vadd.f32 v4, v4;
	v10 =	vadd.s32 v10, v11;
	v38 =	vor.u32 v35, v36  }
0x101: {  	v5 =	vadd.f32 v5, v5;
	v6 =	vadd.f32 v6, v6;
	v11 =	vxor.u32 v38, v10  }
0x102: {  	v8 =	vadd.f32 v8, v8;
	v40 =	vshrl.u32 v11, $0x1A;
	v41 =	vshll.u32 v11, $0x6  }
0x103: {  	v7 =	vadd.f32 v7, v7;
	v10 =	vadd.s32 v10, v11;
	v12 =	vor.u32 v40, v41  }
0x104: {  	v9 =	vadd.f32 v9, v9;
	v4 =	vadd.f32 $-9.999999400e-01, v4;
	v11 =	vxor.u32 v12, v10  }
0x105: {  	v5 =	vadd.f32 $-9.999999400e-01, v5;
	v6 =	vadd.f32 $-9.999999400e-01, v6;
	v11 =	vadd.s32 $0xE1552D49, v11  }
0x106: {  	v10 =	vadd.s32 v11, v10;
	v44 =	vshrl.u32 v11, $0xF;
	v11 =	vshll.u32 v11, $0x11  }
0x107: {  	v8 =	vadd.f32 $-9.999999400e-01, v8;
	v10 =	vadd.s32 $0xCDDB151D, v10;
	v11 =	vor.u32 v44, v11  }
0x108: {  	v7 =	vadd.f32 $-9.999999400e-01, v7;
	v9 =	vadd.f32 $-9.999999400e-01, v9;
	v11 =	vxor.u32 v11, v10  }
0x109: {  	v2 =	vmax.f32 v4, $-9.999999400e-01;
	v6 =	vmax.f32 v6, $-9.999999400e-01;
	v47 =	vshrl.u32 v11, $0x3  }
0x10a: {  	v48 =	vshll.u32 v11, $0x1D;
	v10 =	vadd.s32 v10, v11;
	v11 =	vxor.u32 v51, v3  }
0x10b: {  	v4 =	vor.u32 v47, v48;
	v54 =	vshrl.u32 v11, $0x10;
	v56 =	vshll.u32 v11, $0x10  }
0x10c: {  	v3 =	vadd.s32 v3, v11;
	v4 =	vxor.u32 v4, v10;
	v57 =	vor.u32 v54, v56  }
0x10d: {  	v52 =	vshrl.u32 v4, $0x10;
	v53 =	vshll.u32 v4, $0x10;
	v11 =	vxor.u32 v57, v3  }
0x10e: {  	v4 =	vadd.s32 v10, v4;
	v55 =	vor.u32 v52, v53;
	v60 =	vshrl.u32 v11, $0x8  }
0x10f: {  	v61 =	vshll.u32 v11, $0x18;
	v62 =	vadd.s32 v3, v11;
	v10 =	vxor.u32 v55, v4  }
0x110: {  	v3 =	vor.u32 v60, v61;
	v58 =	vshrl.u32 v10, $0x8;
	v59 =	vshll.u32 v10, $0x18  }
0x111: {  	v4 =	vadd.s32 v4, v10;
	v16 =	vxor.u32 v3, v62;
	v12 =	vor.u32 v58, v59  }
0x112: {  	v3 =	vmax.f32 v5, $-9.999999400e-01;
	v5 =	vadd.s32 $0x375F2391, v16;
	v63 =	vxor.u32 v12, v4  }
0x113: {  	v10 =	vadd.s32 v5, v62;
	v18 =	vshrl.u32 v5, $0x13;
	v5 =	vshll.u32 v5, $0xD  }
0x114: {  	v11 =	vadd.s32 $0x375F2391, v63;
	v10 =	vadd.s32 $0xE1552D48, v10;
	v5 =	vor.u32 v18, v5  }
0x115: {  	v4 =	vadd.s32 v11, v4;
	v17 =	vshrl.u32 v11, $0x13;
	v11 =	vshll.u32 v11, $0xD  }
0x116: {  	v5 =	vxor.u32 v5, v10;
	v4 =	vadd.s32 $0xE1552D48, v4;
	v11 =	vor.u32 v17, v11  }
0x117: {  	v21 =	vshrl.u32 v5, $0x11;
	v22 =	vshll.u32 v5, $0xF;
	v11 =	vxor.u32 v11, v4  }
0x118: {  	v5 =	vadd.s32 v10, v5;
	v23 =	vor.u32 v21, v22;
	v19 =	vshrl.u32 v11, $0x11  }
0x119: {  	v20 =	vshll.u32 v11, $0xF;
	v4 =	vadd.s32 v4, v11;
	v10 =	vxor.u32 v23, v5  }
0x11a: {  	v12 =	vor.u32 v19, v20;
	v25 =	vshrl.u32 v10, $0x6;
	v27 =	vshll.u32 v10, $0x1A  }
0x11b: {  	v5 =	vadd.s32 v5, v10;
	v11 =	vxor.u32 v12, v4;
	v28 =	vor.u32 v25, v27  }
0x11c: {  	v12 =	vshrl.u32 v11, $0x6;
	v24 =	vshll.u32 v11, $0x1A;
	v10 =	vxor.u32 v28, v5  }
0x11d: {  	v4 =	vadd.s32 v4, v11;
	v26 =	vor.u32 v12, v24;
	v31 =	vshrl.u32 v10, $0x1A  }
0x11e: {  	v32 =	vshll.u32 v10, $0x6;
	v5 =	vadd.s32 v5, v10;
	v11 =	vxor.u32 v26, v4  }
0x11f: {  	v33 =	vor.u32 v31, v32;
	v29 =	vshrl.u32 v11, $0x1A;
	v30 =	vshll.u32 v11, $0x6  }
0x120: {  	v4 =	vadd.s32 v4, v11;
	v10 =	vxor.u32 v33, v5;
	v12 =	vor.u32 v29, v30  }
0x121: {  	v8 =	vmax.f32 v8, $-9.999999400e-01;
	v10 =	vadd.s32 $0xCDDB1520, v10;
	v11 =	vxor.u32 v12, v4  }
0x122: {  	v5 =	vadd.s32 v10, v5;
	v35 =	vshrl.u32 v10, $0xF;
	v10 =	vshll.u32 v10, $0x11  }
0x123: {  	v11 =	vadd.s32 $0xCDDB1520, v11;
	v5 =	vadd.s32 $0x375F238F, v5;
	v10 =	vor.u32 v35, v10  }
0x124: {  	v4 =	vadd.s32 v11, v4;
	v34 =	vshrl.u32 v11, $0xF;
	v11 =	vshll.u32 v11, $0x11  }
0x125: {  	v10 =	vxor.u32 v10, v5;
	v4 =	vadd.s32 $0x375F238F, v4;
	v11 =	vor.u32 v34, v11  }
0x126: {  	v38 =	vshrl.u32 v10, $0x3;
	v39 =	vshll.u32 v10, $0x1D;
	v11 =	vxor.u32 v11, v4  }
0x127: {  	v5 =	vadd.s32 v5, v10;
	v40 =	vor.u32 v38, v39;
	v36 =	vshrl.u32 v11, $0x3  }
0x128: {  	v37 =	vshll.u32 v11, $0x1D;
	v4 =	vadd.s32 v4, v11;
	v10 =	vxor.u32 v40, v5  }
0x129: {  	v12 =	vor.u32 v36, v37;
	v42 =	vshrl.u32 v10, $0x10;
	v44 =	vshll.u32 v10, $0x10  }
0x12a: {  	v5 =	vadd.s32 v5, v10;
	v11 =	vxor.u32 v12, v4;
	v45 =	vor.u32 v42, v44  }
0x12b: {  	v12 =	vshrl.u32 v11, $0x10;
	v41 =	vshll.u32 v11, $0x10;
	v10 =	vxor.u32 v45, v5  }
0x12c: {  	v4 =	vadd.s32 v4, v11;
	v43 =	vor.u32 v12, v41;
	v48 =	vshrl.u32 v10, $0x8  }
0x12d: {  	v49 =	vshll.u32 v10, $0x18;
	v5 =	vadd.s32 v5, v10;
	v11 =	vxor.u32 v43, v4  }
0x12e: {  	v50 =	vor.u32 v48, v49;
	v46 =	vshrl.u32 v11, $0x8;
	v47 =	vshll.u32 v11, $0x18  }
0x12f: {  	v4 =	vadd.s32 v4, v11;
	v10 =	vxor.u32 v50, v5;
	v12 =	vor.u32 v46, v47  }
0x130: {  	v7 =	vmax.f32 v7, $-9.999999400e-01;
	v10 =	vadd.s32 $0xE1552D4C, v10;
	v11 =	vxor.u32 v12, v4  }
0x131: {  	v5 =	vadd.s32 v10, v5;
	v52 =	vshrl.u32 v10, $0x13;
	v10 =	vshll.u32 v10, $0xD  }
0x132: {  	v11 =	vadd.s32 $0xE1552D4C, v11;
	v5 =	vadd.s32 $0xCDDB151D, v5;
	v10 =	vor.u32 v52, v10  }
0x133: {  	v4 =	vadd.s32 v11, v4;
	v51 =	vshrl.u32 v11, $0x13;
	v11 =	vshll.u32 v11, $0xD  }
0x134: {  	v10 =	vxor.u32 v10, v5;
	v4 =	vadd.s32 $0xCDDB151D, v4;
	v11 =	vor.u32 v51, v11  }
0x135: {  	v55 =	vshrl.u32 v10, $0x11;
	v56 =	vshll.u32 v10, $0xF;
	v11 =	vxor.u32 v11, v4  }
0x136: {  	s12 =	simm.s32 $0x0;
	v5 =	vadd.s32 v5, v10;
	v53 =	vshrl.u32 v11, $0x11;
	v54 =	vshll.u32 v11, $0xF  }
0x137: {  	s29 =	sand.u32 $0xF000, s12;
	v57 =	vor.u32 v55, v56;
	v4 =	vadd.s32 v4, v11;
	v12 =	vor.u32 v53, v54  }
0x138: {  	s30 =	sand.u32 $0x380, s12;
	s11 =	sshrl.u32 s29, $0x2;
	v9 =	vmax.f32 v9, $-9.999999400e-01;
	v10 =	vxor.u32 v57, v5;
	v11 =	vxor.u32 v12, v4  }
0x139: {  	s11 =	sor.u32 s30, s11;
	v59 =	vshrl.u32 v10, $0x6;
	v12 =	vshrl.u32 v11, $0x6;
	v58 =	vshll.u32 v11, $0x1A  }
0x13a: {  	[tilespmem:s11+$0x10] =	vst v2;
	v60 =	vshll.u32 v10, $0x1A;
	v2 =	vadd.s32 v4, v11;
	v4 =	vor.u32 v12, v58  }
0x13b: {  	s31 =	sand.u32 $0x3C00, s12;
	[tilespmem:s11+$0x20] =	vst v3;
	v3 =	vxor.u32 v4, v2;
	v4 =	vadd.s32 v5, v10;
	v5 =	vor.u32 v59, v60  }
0x13c: {  	s13 =	sor.u32 s30, s31;
	[tilespmem:s11+$0x30] =	vst v6;
	v6 =	vshrl.u32 v3, $0x1A;
	v61 =	vshll.u32 v3, $0x6;
	v5 =	vxor.u32 v5, v4  }
0x13d: {  	[tilespmem:s13+$0x60] =	vst v9;
	v3 =	vadd.s32 v2, v3;
	v62 =	vshrl.u32 v5, $0x1A;
	v63 =	vshll.u32 v5, $0x6  }
0x13e: {  	s17 =	simm.s32 $0x0;
	[tilespmem:s13+$0x50] =	vst v8;
	v6 =	vor.u32 v6, v61;
	v2 =	vadd.s32 v4, v5;
	v5 =	vor.u32 v62, v63  }
0x13f: {  	s14 =	simm.s32 $0x0;
	s15 =	sadd.s32 $0x80, s9;
	s16 =	simm.s32 $0x0;
	[tilespmem:s13+$0x40] =	vst v7;
	v4 =	vxor.u32 v6, v3;
	v3 =	vadd.s32 $0xE1552D48, v3;
	v5 =	vxor.u32 v5, v2  }
.LBB2_3:
0x140: {  	s19 =	sadd.s32 $0xFFFFFFA0, s15;
	s20 =	sadd.s32 $0xFFFFFFB0, s15;
	s21 =	sadd.s32 $0xFFFFFFC0, s15;
	v7 =	vadd.s32 s15, v0;
	v6 =	vadd.s32 s15, v1;
	v4 =	vadd.s32 $0x375F2394, v4  }
0x141: {  	s22 =	sadd.s32 $0xFFFFFFD0, s15;
	s23 =	sadd.s32 $0xFFFFFFE0, s15;
	s24 =	sadd.s32 $0xFFFFFFF0, s15;
	v8 =	vadd.s32 s19, v1;
	v9 =	vadd.s32 s20, v1;
	v10 =	vadd.s32 s21, v1  }
0x142: {  	s18 =	sadd.s32 $0xFFFFFF90, s15;
	v11 =	vadd.s32 s22, v1;
	v12 =	vadd.s32 s23, v1;
	v13 =	vadd.s32 s24, v1  }
0x143: {  	v14 =	vadd.s32 s19, v0;
	v15 =	vadd.s32 s20, v0;
	v16 =	vadd.s32 s21, v0  }
0x144: {  	v17 =	vadd.s32 s22, v0;
	v18 =	vadd.s32 s23, v0;
	v19 =	vadd.s32 s24, v0  }
0x145: {  	v20 =	vshrl.u32 v14, $0x13;
	v14 =	vshll.u32 v14, $0xD;
	v21 =	vshrl.u32 v15, $0x13  }
0x146: {  	v15 =	vshll.u32 v15, $0xD;
	v22 =	vshrl.u32 v16, $0x13;
	v16 =	vshll.u32 v16, $0xD  }
0x147: {  	v23 =	vshrl.u32 v17, $0x13;
	v17 =	vshll.u32 v17, $0xD;
	v24 =	vshrl.u32 v18, $0x13  }
0x148: {  	v18 =	vshll.u32 v18, $0xD;
	v25 =	vshrl.u32 v19, $0x13;
	v19 =	vshll.u32 v19, $0xD  }
0x149: {  	v14 =	vor.u32 v20, v14;
	v15 =	vor.u32 v21, v15;
	v16 =	vor.u32 v22, v16  }
0x14a: {  	v17 =	vor.u32 v23, v17;
	v18 =	vor.u32 v24, v18;
	v19 =	vor.u32 v25, v19  }
0x14b: {  	v14 =	vxor.u32 v8, v14;
	v15 =	vxor.u32 v9, v15;
	v16 =	vxor.u32 v10, v16  }
0x14c: {  	v17 =	vxor.u32 v11, v17;
	v18 =	vxor.u32 v12, v18;
	v19 =	vxor.u32 v13, v19  }
0x14d: {  	v8 =	vadd.s32 v8, v14;
	v9 =	vadd.s32 v9, v15;
	v10 =	vadd.s32 v10, v16  }
0x14e: {  	v11 =	vadd.s32 v11, v17;
	v12 =	vadd.s32 v12, v18;
	v13 =	vadd.s32 v13, v19  }
0x14f: {  	v20 =	vshrl.u32 v14, $0x11;
	v14 =	vshll.u32 v14, $0xF;
	v21 =	vshrl.u32 v15, $0x11  }
0x150: {  	v15 =	vshll.u32 v15, $0xF;
	v22 =	vshrl.u32 v16, $0x11;
	v16 =	vshll.u32 v16, $0xF  }
0x151: {  	v23 =	vshrl.u32 v17, $0x11;
	v17 =	vshll.u32 v17, $0xF;
	v24 =	vshrl.u32 v18, $0x11  }
0x152: {  	v18 =	vshll.u32 v18, $0xF;
	v25 =	vshrl.u32 v19, $0x11;
	v19 =	vshll.u32 v19, $0xF  }
0x153: {  	v14 =	vor.u32 v20, v14;
	v15 =	vor.u32 v21, v15;
	v16 =	vor.u32 v22, v16  }
0x154: {  	v17 =	vor.u32 v23, v17;
	v18 =	vor.u32 v24, v18;
	v19 =	vor.u32 v25, v19  }
0x155: {  	v14 =	vxor.u32 v14, v8;
	v15 =	vxor.u32 v15, v9;
	v16 =	vxor.u32 v16, v10  }
0x156: {  	v17 =	vxor.u32 v17, v11;
	v18 =	vxor.u32 v18, v12;
	v19 =	vxor.u32 v19, v13  }
0x157: {  	v8 =	vadd.s32 v8, v14;
	v9 =	vadd.s32 v9, v15;
	v10 =	vadd.s32 v10, v16  }
0x158: {  	v11 =	vadd.s32 v11, v17;
	v12 =	vadd.s32 v12, v18;
	v13 =	vadd.s32 v13, v19  }
0x159: {  	v20 =	vshrl.u32 v14, $0x6;
	v14 =	vshll.u32 v14, $0x1A;
	v21 =	vshrl.u32 v15, $0x6  }
0x15a: {  	v15 =	vshll.u32 v15, $0x1A;
	v22 =	vshrl.u32 v16, $0x6;
	v16 =	vshll.u32 v16, $0x1A  }
0x15b: {  	v23 =	vshrl.u32 v17, $0x6;
	v17 =	vshll.u32 v17, $0x1A;
	v24 =	vshrl.u32 v18, $0x6  }
0x15c: {  	v18 =	vshll.u32 v18, $0x1A;
	v25 =	vshrl.u32 v19, $0x6;
	v19 =	vshll.u32 v19, $0x1A  }
0x15d: {  	v14 =	vor.u32 v20, v14;
	v15 =	vor.u32 v21, v15;
	v16 =	vor.u32 v22, v16  }
0x15e: {  	v17 =	vor.u32 v23, v17;
	v18 =	vor.u32 v24, v18;
	v19 =	vor.u32 v25, v19  }
0x15f: {  	v14 =	vxor.u32 v14, v8;
	v15 =	vxor.u32 v15, v9;
	v16 =	vxor.u32 v16, v10  }
0x160: {  	v17 =	vxor.u32 v17, v11;
	v18 =	vxor.u32 v18, v12;
	v19 =	vxor.u32 v19, v13  }
0x161: {  	v8 =	vadd.s32 v8, v14;
	v9 =	vadd.s32 v9, v15;
	v10 =	vadd.s32 v10, v16  }
0x162: {  	v11 =	vadd.s32 v11, v17;
	v12 =	vadd.s32 v12, v18;
	v13 =	vadd.s32 v13, v19  }
0x163: {  	v20 =	vshrl.u32 v14, $0x1A;
	v14 =	vshll.u32 v14, $0x6;
	v21 =	vshrl.u32 v15, $0x1A  }
0x164: {  	v15 =	vshll.u32 v15, $0x6;
	v22 =	vshrl.u32 v16, $0x1A;
	v16 =	vshll.u32 v16, $0x6  }
0x165: {  	v23 =	vshrl.u32 v17, $0x1A;
	v17 =	vshll.u32 v17, $0x6;
	v24 =	vshrl.u32 v18, $0x1A  }
0x166: {  	v18 =	vshll.u32 v18, $0x6;
	v25 =	vshrl.u32 v19, $0x1A;
	v19 =	vshll.u32 v19, $0x6  }
0x167: {  	v14 =	vor.u32 v20, v14;
	v15 =	vor.u32 v21, v15;
	v16 =	vor.u32 v22, v16  }
0x168: {  	v17 =	vor.u32 v23, v17;
	v18 =	vor.u32 v24, v18;
	v19 =	vor.u32 v25, v19  }
0x169: {  	v14 =	vxor.u32 v14, v8;
	v15 =	vxor.u32 v15, v9;
	v16 =	vxor.u32 v16, v10  }
0x16a: {  	v17 =	vxor.u32 v17, v11;
	v18 =	vxor.u32 v18, v12;
	v19 =	vxor.u32 v19, v13  }
0x16b: {  	v14 =	vadd.s32 $0xE1552D49, v14;
	v15 =	vadd.s32 $0xE1552D49, v15;
	v16 =	vadd.s32 $0xE1552D49, v16  }
0x16c: {  	v17 =	vadd.s32 $0xE1552D49, v17;
	v18 =	vadd.s32 $0xE1552D49, v18;
	v19 =	vadd.s32 $0xE1552D49, v19  }
0x16d: {  	v8 =	vadd.s32 v14, v8;
	v9 =	vadd.s32 v15, v9;
	v10 =	vadd.s32 v16, v10  }
0x16e: {  	v20 =	vshrl.u32 v14, $0xF;
	v14 =	vshll.u32 v14, $0x11;
	v21 =	vshrl.u32 v15, $0xF  }
0x16f: {  	v15 =	vshll.u32 v15, $0x11;
	v22 =	vshrl.u32 v16, $0xF;
	v16 =	vshll.u32 v16, $0x11  }
0x170: {  	v11 =	vadd.s32 v17, v11;
	v12 =	vadd.s32 v18, v12;
	v13 =	vadd.s32 v19, v13  }
0x171: {  	v23 =	vshrl.u32 v17, $0xF;
	v17 =	vshll.u32 v17, $0x11;
	v24 =	vshrl.u32 v18, $0xF  }
0x172: {  	v18 =	vshll.u32 v18, $0x11;
	v25 =	vshrl.u32 v19, $0xF;
	v19 =	vshll.u32 v19, $0x11  }
0x173: {  	v8 =	vadd.s32 $0xCDDB151D, v8;
	v9 =	vadd.s32 $0xCDDB151D, v9;
	v10 =	vadd.s32 $0xCDDB151D, v10  }
0x174: {  	v14 =	vor.u32 v20, v14;
	v15 =	vor.u32 v21, v15;
	v16 =	vor.u32 v22, v16  }
0x175: {  	v11 =	vadd.s32 $0xCDDB151D, v11;
	v12 =	vadd.s32 $0xCDDB151D, v12;
	v13 =	vadd.s32 $0xCDDB151D, v13  }
0x176: {  	v17 =	vor.u32 v23, v17;
	v18 =	vor.u32 v24, v18;
	v19 =	vor.u32 v25, v19  }
0x177: {  	v14 =	vxor.u32 v14, v8;
	v15 =	vxor.u32 v15, v9;
	v16 =	vxor.u32 v16, v10  }
0x178: {  	v17 =	vxor.u32 v17, v11;
	v18 =	vxor.u32 v18, v12;
	v19 =	vxor.u32 v19, v13  }
0x179: {  	v8 =	vadd.s32 v8, v14;
	v9 =	vadd.s32 v9, v15;
	v10 =	vadd.s32 v10, v16  }
0x17a: {  	v11 =	vadd.s32 v11, v17;
	v12 =	vadd.s32 v12, v18;
	v13 =	vadd.s32 v13, v19  }
0x17b: {  	v20 =	vshrl.u32 v14, $0x3;
	v14 =	vshll.u32 v14, $0x1D;
	v21 =	vshrl.u32 v15, $0x3  }
0x17c: {  	v15 =	vshll.u32 v15, $0x1D;
	v22 =	vshrl.u32 v16, $0x3;
	v16 =	vshll.u32 v16, $0x1D  }
0x17d: {  	v23 =	vshrl.u32 v17, $0x3;
	v17 =	vshll.u32 v17, $0x1D;
	v24 =	vshrl.u32 v18, $0x3  }
0x17e: {  	v18 =	vshll.u32 v18, $0x1D;
	v25 =	vshrl.u32 v19, $0x3;
	v19 =	vshll.u32 v19, $0x1D  }
0x17f: {  	v14 =	vor.u32 v20, v14;
	v15 =	vor.u32 v21, v15;
	v16 =	vor.u32 v22, v16  }
0x180: {  	v17 =	vor.u32 v23, v17;
	v18 =	vor.u32 v24, v18;
	v19 =	vor.u32 v25, v19  }
0x181: {  	v14 =	vxor.u32 v14, v8;
	v15 =	vxor.u32 v15, v9;
	v16 =	vxor.u32 v16, v10  }
0x182: {  	v17 =	vxor.u32 v17, v11;
	v18 =	vxor.u32 v18, v12;
	v19 =	vxor.u32 v19, v13  }
0x183: {  	v8 =	vadd.s32 v8, v14;
	v9 =	vadd.s32 v9, v15;
	v10 =	vadd.s32 v10, v16  }
0x184: {  	v11 =	vadd.s32 v11, v17;
	v12 =	vadd.s32 v12, v18;
	v13 =	vadd.s32 v13, v19  }
0x185: {  	v20 =	vshrl.u32 v14, $0x10;
	v14 =	vshll.u32 v14, $0x10;
	v21 =	vshrl.u32 v15, $0x10  }
0x186: {  	v15 =	vshll.u32 v15, $0x10;
	v22 =	vshrl.u32 v16, $0x10;
	v16 =	vshll.u32 v16, $0x10  }
0x187: {  	v23 =	vshrl.u32 v17, $0x10;
	v17 =	vshll.u32 v17, $0x10;
	v24 =	vshrl.u32 v18, $0x10  }
0x188: {  	v18 =	vshll.u32 v18, $0x10;
	v25 =	vshrl.u32 v19, $0x10;
	v19 =	vshll.u32 v19, $0x10  }
0x189: {  	v14 =	vor.u32 v20, v14;
	v15 =	vor.u32 v21, v15;
	v16 =	vor.u32 v22, v16  }
0x18a: {  	v17 =	vor.u32 v23, v17;
	v18 =	vor.u32 v24, v18;
	v19 =	vor.u32 v25, v19  }
0x18b: {  	v14 =	vxor.u32 v14, v8;
	v15 =	vxor.u32 v15, v9;
	v16 =	vxor.u32 v16, v10  }
0x18c: {  	v17 =	vxor.u32 v17, v11;
	v18 =	vxor.u32 v18, v12;
	v19 =	vxor.u32 v19, v13  }
0x18d: {  	v8 =	vadd.s32 v8, v14;
	v9 =	vadd.s32 v9, v15;
	v10 =	vadd.s32 v10, v16  }
0x18e: {  	v11 =	vadd.s32 v11, v17;
	v12 =	vadd.s32 v12, v18;
	v13 =	vadd.s32 v13, v19  }
0x18f: {  	v20 =	vshrl.u32 v14, $0x8;
	v14 =	vshll.u32 v14, $0x18;
	v21 =	vshrl.u32 v15, $0x8  }
0x190: {  	v15 =	vshll.u32 v15, $0x18;
	v22 =	vshrl.u32 v16, $0x8;
	v16 =	vshll.u32 v16, $0x18  }
0x191: {  	v23 =	vshrl.u32 v17, $0x8;
	v17 =	vshll.u32 v17, $0x18;
	v24 =	vshrl.u32 v18, $0x8  }
0x192: {  	v18 =	vshll.u32 v18, $0x18;
	v25 =	vshrl.u32 v19, $0x8;
	v19 =	vshll.u32 v19, $0x18  }
0x193: {  	v14 =	vor.u32 v20, v14;
	v15 =	vor.u32 v21, v15;
	v16 =	vor.u32 v22, v16  }
0x194: {  	v17 =	vor.u32 v23, v17;
	v18 =	vor.u32 v24, v18;
	v19 =	vor.u32 v25, v19  }
0x195: {  	v14 =	vxor.u32 v14, v8;
	v15 =	vxor.u32 v15, v9;
	v16 =	vxor.u32 v16, v10  }
0x196: {  	v17 =	vxor.u32 v17, v11;
	v18 =	vxor.u32 v18, v12;
	v19 =	vxor.u32 v19, v13  }
0x197: {  	v14 =	vadd.s32 $0x375F2391, v14;
	v15 =	vadd.s32 $0x375F2391, v15;
	v16 =	vadd.s32 $0x375F2391, v16  }
0x198: {  	v17 =	vadd.s32 $0x375F2391, v17;
	v18 =	vadd.s32 $0x375F2391, v18;
	v19 =	vadd.s32 $0x375F2391, v19  }
0x199: {  	v8 =	vadd.s32 v14, v8;
	v9 =	vadd.s32 v15, v9;
	v10 =	vadd.s32 v16, v10  }
0x19a: {  	v20 =	vshrl.u32 v14, $0x13;
	v14 =	vshll.u32 v14, $0xD;
	v21 =	vshrl.u32 v15, $0x13  }
0x19b: {  	v15 =	vshll.u32 v15, $0xD;
	v22 =	vshrl.u32 v16, $0x13;
	v16 =	vshll.u32 v16, $0xD  }
0x19c: {  	v11 =	vadd.s32 v17, v11;
	v12 =	vadd.s32 v18, v12;
	v13 =	vadd.s32 v19, v13  }
0x19d: {  	v23 =	vshrl.u32 v17, $0x13;
	v17 =	vshll.u32 v17, $0xD;
	v24 =	vshrl.u32 v18, $0x13  }
0x19e: {  	v18 =	vshll.u32 v18, $0xD;
	v25 =	vshrl.u32 v19, $0x13;
	v19 =	vshll.u32 v19, $0xD  }
0x19f: {  	v8 =	vadd.s32 $0xE1552D48, v8;
	v9 =	vadd.s32 $0xE1552D48, v9;
	v10 =	vadd.s32 $0xE1552D48, v10  }
0x1a0: {  	v14 =	vor.u32 v20, v14;
	v15 =	vor.u32 v21, v15;
	v16 =	vor.u32 v22, v16  }
0x1a1: {  	v11 =	vadd.s32 $0xE1552D48, v11;
	v12 =	vadd.s32 $0xE1552D48, v12;
	v13 =	vadd.s32 $0xE1552D48, v13  }
0x1a2: {  	v17 =	vor.u32 v23, v17;
	v18 =	vor.u32 v24, v18;
	v19 =	vor.u32 v25, v19  }
0x1a3: {  	v14 =	vxor.u32 v14, v8;
	v15 =	vxor.u32 v15, v9;
	v16 =	vxor.u32 v16, v10  }
0x1a4: {  	v17 =	vxor.u32 v17, v11;
	v18 =	vxor.u32 v18, v12;
	v19 =	vxor.u32 v19, v13  }
0x1a5: {  	v8 =	vadd.s32 v8, v14;
	v9 =	vadd.s32 v9, v15;
	v10 =	vadd.s32 v10, v16  }
0x1a6: {  	v11 =	vadd.s32 v11, v17;
	v12 =	vadd.s32 v12, v18;
	v13 =	vadd.s32 v13, v19  }
0x1a7: {  	v20 =	vshrl.u32 v14, $0x11;
	v14 =	vshll.u32 v14, $0xF;
	v21 =	vshrl.u32 v15, $0x11  }
0x1a8: {  	v15 =	vshll.u32 v15, $0xF;
	v22 =	vshrl.u32 v16, $0x11;
	v16 =	vshll.u32 v16, $0xF  }
0x1a9: {  	v23 =	vshrl.u32 v17, $0x11;
	v17 =	vshll.u32 v17, $0xF;
	v24 =	vshrl.u32 v18, $0x11  }
0x1aa: {  	v18 =	vshll.u32 v18, $0xF;
	v25 =	vshrl.u32 v19, $0x11;
	v19 =	vshll.u32 v19, $0xF  }
0x1ab: {  	v14 =	vor.u32 v20, v14;
	v15 =	vor.u32 v21, v15;
	v16 =	vor.u32 v22, v16  }
0x1ac: {  	v17 =	vor.u32 v23, v17;
	v18 =	vor.u32 v24, v18;
	v19 =	vor.u32 v25, v19  }
0x1ad: {  	v14 =	vxor.u32 v14, v8;
	v15 =	vxor.u32 v15, v9;
	v16 =	vxor.u32 v16, v10  }
0x1ae: {  	v17 =	vxor.u32 v17, v11;
	v18 =	vxor.u32 v18, v12;
	v19 =	vxor.u32 v19, v13  }
0x1af: {  	v8 =	vadd.s32 v8, v14;
	v9 =	vadd.s32 v9, v15;
	v10 =	vadd.s32 v10, v16  }
0x1b0: {  	v11 =	vadd.s32 v11, v17;
	v12 =	vadd.s32 v12, v18;
	v13 =	vadd.s32 v13, v19  }
0x1b1: {  	v20 =	vshrl.u32 v14, $0x6;
	v14 =	vshll.u32 v14, $0x1A;
	v21 =	vshrl.u32 v15, $0x6  }
0x1b2: {  	v15 =	vshll.u32 v15, $0x1A;
	v22 =	vshrl.u32 v16, $0x6;
	v16 =	vshll.u32 v16, $0x1A  }
0x1b3: {  	v23 =	vshrl.u32 v17, $0x6;
	v17 =	vshll.u32 v17, $0x1A;
	v24 =	vshrl.u32 v18, $0x6  }
0x1b4: {  	v18 =	vshll.u32 v18, $0x1A;
	v25 =	vshrl.u32 v19, $0x6;
	v19 =	vshll.u32 v19, $0x1A  }
0x1b5: {  	v14 =	vor.u32 v20, v14;
	v15 =	vor.u32 v21, v15;
	v16 =	vor.u32 v22, v16  }
0x1b6: {  	v17 =	vor.u32 v23, v17;
	v18 =	vor.u32 v24, v18;
	v19 =	vor.u32 v25, v19  }
0x1b7: {  	v14 =	vxor.u32 v14, v8;
	v15 =	vxor.u32 v15, v9;
	v16 =	vxor.u32 v16, v10  }
0x1b8: {  	v17 =	vxor.u32 v17, v11;
	v18 =	vxor.u32 v18, v12;
	v19 =	vxor.u32 v19, v13  }
0x1b9: {  	v8 =	vadd.s32 v8, v14;
	v9 =	vadd.s32 v9, v15;
	v10 =	vadd.s32 v10, v16  }
0x1ba: {  	v11 =	vadd.s32 v11, v17;
	v12 =	vadd.s32 v12, v18;
	v13 =	vadd.s32 v13, v19  }
0x1bb: {  	v20 =	vshrl.u32 v14, $0x1A;
	v14 =	vshll.u32 v14, $0x6;
	v21 =	vshrl.u32 v15, $0x1A  }
0x1bc: {  	v15 =	vshll.u32 v15, $0x6;
	v22 =	vshrl.u32 v16, $0x1A;
	v16 =	vshll.u32 v16, $0x6  }
0x1bd: {  	v23 =	vshrl.u32 v17, $0x1A;
	v17 =	vshll.u32 v17, $0x6;
	v24 =	vshrl.u32 v18, $0x1A  }
0x1be: {  	v18 =	vshll.u32 v18, $0x6;
	v25 =	vshrl.u32 v19, $0x1A;
	v19 =	vshll.u32 v19, $0x6  }
0x1bf: {  	v14 =	vor.u32 v20, v14;
	v15 =	vor.u32 v21, v15;
	v16 =	vor.u32 v22, v16  }
0x1c0: {  	v17 =	vor.u32 v23, v17;
	v18 =	vor.u32 v24, v18;
	v19 =	vor.u32 v25, v19  }
0x1c1: {  	v14 =	vxor.u32 v14, v8;
	v15 =	vxor.u32 v15, v9;
	v16 =	vxor.u32 v16, v10  }
0x1c2: {  	v17 =	vxor.u32 v17, v11;
	v18 =	vxor.u32 v18, v12;
	v19 =	vxor.u32 v19, v13  }
0x1c3: {  	v14 =	vadd.s32 $0xCDDB1520, v14;
	v15 =	vadd.s32 $0xCDDB1520, v15;
	v16 =	vadd.s32 $0xCDDB1520, v16  }
0x1c4: {  	v17 =	vadd.s32 $0xCDDB1520, v17;
	v18 =	vadd.s32 $0xCDDB1520, v18;
	v19 =	vadd.s32 $0xCDDB1520, v19  }
0x1c5: {  	v8 =	vadd.s32 v14, v8;
	v9 =	vadd.s32 v15, v9;
	v10 =	vadd.s32 v16, v10  }
0x1c6: {  	v20 =	vshrl.u32 v14, $0xF;
	v14 =	vshll.u32 v14, $0x11;
	v21 =	vshrl.u32 v15, $0xF  }
0x1c7: {  	v15 =	vshll.u32 v15, $0x11;
	v22 =	vshrl.u32 v16, $0xF;
	v16 =	vshll.u32 v16, $0x11  }
0x1c8: {  	v11 =	vadd.s32 v17, v11;
	v12 =	vadd.s32 v18, v12;
	v13 =	vadd.s32 v19, v13  }
0x1c9: {  	v23 =	vshrl.u32 v17, $0xF;
	v17 =	vshll.u32 v17, $0x11;
	v24 =	vshrl.u32 v18, $0xF  }
0x1ca: {  	v18 =	vshll.u32 v18, $0x11;
	v25 =	vshrl.u32 v19, $0xF;
	v19 =	vshll.u32 v19, $0x11  }
0x1cb: {  	v8 =	vadd.s32 $0x375F238F, v8;
	v9 =	vadd.s32 $0x375F238F, v9;
	v10 =	vadd.s32 $0x375F238F, v10  }
0x1cc: {  	v14 =	vor.u32 v20, v14;
	v15 =	vor.u32 v21, v15;
	v16 =	vor.u32 v22, v16  }
0x1cd: {  	v11 =	vadd.s32 $0x375F238F, v11;
	v12 =	vadd.s32 $0x375F238F, v12;
	v13 =	vadd.s32 $0x375F238F, v13  }
0x1ce: {  	v17 =	vor.u32 v23, v17;
	v18 =	vor.u32 v24, v18;
	v19 =	vor.u32 v25, v19  }
0x1cf: {  	v14 =	vxor.u32 v14, v8;
	v15 =	vxor.u32 v15, v9;
	v16 =	vxor.u32 v16, v10  }
0x1d0: {  	v17 =	vxor.u32 v17, v11;
	v18 =	vxor.u32 v18, v12;
	v19 =	vxor.u32 v19, v13  }
0x1d1: {  	v8 =	vadd.s32 v8, v14;
	v9 =	vadd.s32 v9, v15;
	v10 =	vadd.s32 v10, v16  }
0x1d2: {  	v11 =	vadd.s32 v11, v17;
	v12 =	vadd.s32 v12, v18;
	v13 =	vadd.s32 v13, v19  }
0x1d3: {  	v20 =	vshrl.u32 v14, $0x3;
	v14 =	vshll.u32 v14, $0x1D;
	v21 =	vshrl.u32 v15, $0x3  }
0x1d4: {  	v15 =	vshll.u32 v15, $0x1D;
	v22 =	vshrl.u32 v16, $0x3;
	v16 =	vshll.u32 v16, $0x1D  }
0x1d5: {  	v23 =	vshrl.u32 v17, $0x3;
	v17 =	vshll.u32 v17, $0x1D;
	v24 =	vshrl.u32 v18, $0x3  }
0x1d6: {  	v18 =	vshll.u32 v18, $0x1D;
	v25 =	vshrl.u32 v19, $0x3;
	v19 =	vshll.u32 v19, $0x1D  }
0x1d7: {  	v14 =	vor.u32 v20, v14;
	v15 =	vor.u32 v21, v15;
	v16 =	vor.u32 v22, v16  }
0x1d8: {  	v17 =	vor.u32 v23, v17;
	v18 =	vor.u32 v24, v18;
	v19 =	vor.u32 v25, v19  }
0x1d9: {  	v14 =	vxor.u32 v14, v8;
	v15 =	vxor.u32 v15, v9;
	v16 =	vxor.u32 v16, v10  }
0x1da: {  	v17 =	vxor.u32 v17, v11;
	v18 =	vxor.u32 v18, v12;
	v19 =	vxor.u32 v19, v13  }
0x1db: {  	v8 =	vadd.s32 v8, v14;
	v9 =	vadd.s32 v9, v15;
	v10 =	vadd.s32 v10, v16  }
0x1dc: {  	v11 =	vadd.s32 v11, v17;
	v12 =	vadd.s32 v12, v18;
	v13 =	vadd.s32 v13, v19  }
0x1dd: {  	v20 =	vshrl.u32 v14, $0x10;
	v14 =	vshll.u32 v14, $0x10;
	v21 =	vshrl.u32 v15, $0x10  }
0x1de: {  	v15 =	vshll.u32 v15, $0x10;
	v22 =	vshrl.u32 v16, $0x10;
	v16 =	vshll.u32 v16, $0x10  }
0x1df: {  	v23 =	vshrl.u32 v17, $0x10;
	v17 =	vshll.u32 v17, $0x10;
	v24 =	vshrl.u32 v18, $0x10  }
0x1e0: {  	v18 =	vshll.u32 v18, $0x10;
	v25 =	vshrl.u32 v19, $0x10;
	v19 =	vshll.u32 v19, $0x10  }
0x1e1: {  	s14 =	sadd.s32 $0x2, s14;
	v14 =	vor.u32 v20, v14;
	v15 =	vor.u32 v21, v15;
	v16 =	vor.u32 v22, v16  }
0x1e2: {  	p0 =	slt.u32 s14, $0xFE;
	v17 =	vor.u32 v23, v17;
	v18 =	vor.u32 v24, v18;
	v19 =	vor.u32 v25, v19  }
0x1e3: {  	v14 =	vxor.u32 v14, v8;
	v15 =	vxor.u32 v15, v9;
	v16 =	vxor.u32 v16, v10  }
0x1e4: {  	v17 =	vxor.u32 v17, v11;
	v18 =	vxor.u32 v18, v12;
	v19 =	vxor.u32 v19, v13  }
0x1e5: {  	v8 =	vadd.s32 v8, v14;
	v9 =	vadd.s32 v9, v15;
	v10 =	vadd.s32 v10, v16  }
0x1e6: {  	v11 =	vadd.s32 v11, v17;
	v12 =	vadd.s32 v12, v18;
	v13 =	vadd.s32 v13, v19  }
0x1e7: {  	v20 =	vshrl.u32 v14, $0x8;
	v14 =	vshll.u32 v14, $0x18;
	v21 =	vshrl.u32 v15, $0x8  }
0x1e8: {  	v15 =	vshll.u32 v15, $0x18;
	v22 =	vshrl.u32 v16, $0x8;
	v16 =	vshll.u32 v16, $0x18  }
0x1e9: {  	v23 =	vshrl.u32 v17, $0x8;
	v17 =	vshll.u32 v17, $0x18;
	v24 =	vshrl.u32 v18, $0x8  }
0x1ea: {  	v18 =	vshll.u32 v18, $0x18;
	v25 =	vshrl.u32 v19, $0x8;
	v19 =	vshll.u32 v19, $0x18  }
0x1eb: {  	v14 =	vor.u32 v20, v14;
	v15 =	vor.u32 v21, v15;
	v16 =	vor.u32 v22, v16  }
0x1ec: {  	v17 =	vor.u32 v23, v17;
	v18 =	vor.u32 v24, v18;
	v19 =	vor.u32 v25, v19  }
0x1ed: {  	v14 =	vxor.u32 v14, v8;
	v15 =	vxor.u32 v15, v9;
	v16 =	vxor.u32 v16, v10  }
0x1ee: {  	v17 =	vxor.u32 v17, v11;
	v18 =	vxor.u32 v18, v12;
	v19 =	vxor.u32 v19, v13  }
0x1ef: {  	v14 =	vadd.s32 $0xE1552D4C, v14;
	v15 =	vadd.s32 $0xE1552D4C, v15;
	v16 =	vadd.s32 $0xE1552D4C, v16  }
0x1f0: {  	v17 =	vadd.s32 $0xE1552D4C, v17;
	v18 =	vadd.s32 $0xE1552D4C, v18;
	v19 =	vadd.s32 $0xE1552D4C, v19  }
0x1f1: {  	v8 =	vadd.s32 v14, v8;
	v9 =	vadd.s32 v15, v9;
	v10 =	vadd.s32 v16, v10  }
0x1f2: {  	v20 =	vshrl.u32 v14, $0x13;
	v14 =	vshll.u32 v14, $0xD;
	v21 =	vshrl.u32 v15, $0x13  }
0x1f3: {  	v15 =	vshll.u32 v15, $0xD;
	v22 =	vshrl.u32 v16, $0x13;
	v16 =	vshll.u32 v16, $0xD  }
0x1f4: {  	v11 =	vadd.s32 v17, v11;
	v12 =	vadd.s32 v18, v12;
	v13 =	vadd.s32 v19, v13  }
0x1f5: {  	v23 =	vshrl.u32 v17, $0x13;
	v17 =	vshll.u32 v17, $0xD;
	v24 =	vshrl.u32 v18, $0x13  }
0x1f6: {  	v18 =	vshll.u32 v18, $0xD;
	v25 =	vshrl.u32 v19, $0x13;
	v19 =	vshll.u32 v19, $0xD  }
0x1f7: {  	v8 =	vadd.s32 $0xCDDB151D, v8;
	v9 =	vadd.s32 $0xCDDB151D, v9;
	v10 =	vadd.s32 $0xCDDB151D, v10  }
0x1f8: {  	v14 =	vor.u32 v20, v14;
	v15 =	vor.u32 v21, v15;
	v16 =	vor.u32 v22, v16  }
0x1f9: {  	v11 =	vadd.s32 $0xCDDB151D, v11;
	v12 =	vadd.s32 $0xCDDB151D, v12;
	v13 =	vadd.s32 $0xCDDB151D, v13  }
0x1fa: {  	v17 =	vor.u32 v23, v17;
	v18 =	vor.u32 v24, v18;
	v19 =	vor.u32 v25, v19  }
0x1fb: {  	v14 =	vxor.u32 v14, v8;
	v15 =	vxor.u32 v15, v9;
	v16 =	vxor.u32 v16, v10  }
0x1fc: {  	v17 =	vxor.u32 v17, v11;
	v18 =	vxor.u32 v18, v12;
	v19 =	vxor.u32 v19, v13  }
0x1fd: {  	v8 =	vadd.s32 v8, v14;
	v9 =	vadd.s32 v9, v15;
	v10 =	vadd.s32 v10, v16  }
0x1fe: {  	v11 =	vadd.s32 v11, v17;
	v12 =	vadd.s32 v12, v18;
	v13 =	vadd.s32 v13, v19  }
0x1ff: {  	v20 =	vshrl.u32 v14, $0x11;
	v14 =	vshll.u32 v14, $0xF;
	v21 =	vshrl.u32 v15, $0x11  }
0x200: {  	v15 =	vshll.u32 v15, $0xF;
	v22 =	vshrl.u32 v16, $0x11;
	v16 =	vshll.u32 v16, $0xF  }
0x201: {  	v23 =	vshrl.u32 v17, $0x11;
	v17 =	vshll.u32 v17, $0xF;
	v24 =	vshrl.u32 v18, $0x11  }
0x202: {  	v18 =	vshll.u32 v18, $0xF;
	v25 =	vshrl.u32 v19, $0x11;
	v19 =	vshll.u32 v19, $0xF  }
0x203: {  	v14 =	vor.u32 v20, v14;
	v15 =	vor.u32 v21, v15;
	v16 =	vor.u32 v22, v16  }
0x204: {  	v17 =	vor.u32 v23, v17;
	v18 =	vor.u32 v24, v18;
	v19 =	vor.u32 v25, v19  }
0x205: {  	v14 =	vxor.u32 v14, v8;
	v15 =	vxor.u32 v15, v9;
	v16 =	vxor.u32 v16, v10  }
0x206: {  	v17 =	vxor.u32 v17, v11;
	v18 =	vxor.u32 v18, v12;
	v19 =	vxor.u32 v19, v13  }
0x207: {  	v8 =	vadd.s32 v8, v14;
	v9 =	vadd.s32 v9, v15;
	v10 =	vadd.s32 v10, v16  }
0x208: {  	v11 =	vadd.s32 v11, v17;
	v12 =	vadd.s32 v12, v18;
	v13 =	vadd.s32 v13, v19  }
0x209: {  	v20 =	vshrl.u32 v14, $0x6;
	v14 =	vshll.u32 v14, $0x1A;
	v21 =	vshrl.u32 v15, $0x6  }
0x20a: {  	v15 =	vshll.u32 v15, $0x1A;
	v22 =	vshrl.u32 v16, $0x6;
	v16 =	vshll.u32 v16, $0x1A  }
0x20b: {  	v23 =	vshrl.u32 v17, $0x6;
	v17 =	vshll.u32 v17, $0x1A;
	v24 =	vshrl.u32 v18, $0x6  }
0x20c: {  	v18 =	vshll.u32 v18, $0x1A;
	v25 =	vshrl.u32 v19, $0x6;
	v19 =	vshll.u32 v19, $0x1A  }
0x20d: {  	v14 =	vor.u32 v20, v14;
	v15 =	vor.u32 v21, v15;
	v16 =	vor.u32 v22, v16  }
0x20e: {  	v17 =	vor.u32 v23, v17;
	v18 =	vor.u32 v24, v18;
	v19 =	vor.u32 v25, v19  }
0x20f: {  	v14 =	vxor.u32 v14, v8;
	v15 =	vxor.u32 v15, v9;
	v16 =	vxor.u32 v16, v10  }
0x210: {  	v17 =	vxor.u32 v17, v11;
	v18 =	vxor.u32 v18, v12;
	v19 =	vxor.u32 v19, v13  }
0x211: {  	v8 =	vadd.s32 v8, v14;
	v9 =	vadd.s32 v9, v15;
	v10 =	vadd.s32 v10, v16  }
0x212: {  	v11 =	vadd.s32 v11, v17;
	v12 =	vadd.s32 v12, v18;
	v13 =	vadd.s32 v13, v19  }
0x213: {  	v20 =	vshrl.u32 v14, $0x1A;
	v14 =	vshll.u32 v14, $0x6;
	v21 =	vshrl.u32 v15, $0x1A  }
0x214: {  	v15 =	vshll.u32 v15, $0x6;
	v22 =	vshrl.u32 v16, $0x1A;
	v16 =	vshll.u32 v16, $0x6  }
0x215: {  	v23 =	vshrl.u32 v17, $0x1A;
	v17 =	vshll.u32 v17, $0x6;
	v24 =	vshrl.u32 v18, $0x1A  }
0x216: {  	v18 =	vshll.u32 v18, $0x6;
	v25 =	vshrl.u32 v19, $0x1A;
	v19 =	vshll.u32 v19, $0x6  }
0x217: {  	v26 =	vadd.s32 $0xE1552D48, v8;
	v27 =	vadd.s32 $0xE1552D48, v9;
	v28 =	vadd.s32 $0xE1552D48, v10  }
0x218: {  	v29 =	vadd.s32 $0xE1552D48, v11;
	v30 =	vadd.s32 $0xE1552D48, v12;
	v31 =	vadd.s32 $0xE1552D48, v13  }
0x219: {  	v14 =	vor.u32 v20, v14;
	v15 =	vor.u32 v21, v15;
	v16 =	vor.u32 v22, v16  }
0x21a: {  	v17 =	vor.u32 v23, v17;
	v18 =	vor.u32 v24, v18;
	v19 =	vor.u32 v25, v19  }
0x21b: {  	v8 =	vxor.u32 v14, v8;
	v9 =	vxor.u32 v15, v9;
	v10 =	vxor.u32 v16, v10  }
0x21c: {  	v11 =	vxor.u32 v17, v11;
	v12 =	vxor.u32 v18, v12;
	v13 =	vxor.u32 v19, v13  }
0x21d: {  	v8 =	vadd.s32 $0x375F2394, v8;
	v9 =	vadd.s32 $0x375F2394, v9;
	v10 =	vadd.s32 $0x375F2394, v10  }
0x21e: {  	v11 =	vadd.s32 $0x375F2394, v11;
	v12 =	vadd.s32 $0x375F2394, v12;
	v13 =	vadd.s32 $0x375F2394, v13  }
0x21f: {  	v8 =	vxor.u32 v26, v8;
	v9 =	vxor.u32 v27, v9;
	v10 =	vxor.u32 v28, v10  }
0x220: {  	v11 =	vxor.u32 v29, v11;
	v12 =	vxor.u32 v30, v12;
	v13 =	vxor.u32 v31, v13  }
0x221: {  	v8 =	vshrl.u32 v8, $0x9;
	v9 =	vshrl.u32 v9, $0x9;
	v10 =	vshrl.u32 v10, $0x9  }
0x222: {  	v11 =	vshrl.u32 v11, $0x9;
	v12 =	vshrl.u32 v12, $0x9;
	v13 =	vshrl.u32 v13, $0x9  }
0x223: {  	v8 =	vor.u32 $0x3F800000, v8;
	v9 =	vor.u32 $0x3F800000, v9;
	v10 =	vor.u32 $0x3F800000, v10  }
0x224: {  	v11 =	vor.u32 $0x3F800000, v11;
	v8 =	vadd.f32 $-1.000000000e+00, v8;
	v9 =	vadd.f32 $-1.000000000e+00, v9  }
0x225: {  	v12 =	vor.u32 $0x3F800000, v12;
	v10 =	vadd.f32 $-1.000000000e+00, v10;
	v11 =	vadd.f32 $-1.000000000e+00, v11  }
0x226: {  	v13 =	vor.u32 $0x3F800000, v13;
	v12 =	vadd.f32 $-1.000000000e+00, v12;
	v8 =	vadd.f32 v8, v8  }
0x227: {  	s12 =	sadd.s32 $0x1000, s12;
	v14 =	vadd.s32 s18, v0;
	v13 =	vadd.f32 $-1.000000000e+00, v13;
	v9 =	vadd.f32 v9, v9  }
0x228: {  	s16 =	sadd.s32 $0x8, s16;
	s19 =	sand.u32 $0xF000, s12;
	v15 =	vshrl.u32 v14, $0x13;
	v10 =	vadd.f32 v10, v10;
	v8 =	vadd.f32 $-9.999999400e-01, v8  }
0x229: {  	s20 =	sand.u32 $0x380, s16;
	s19 =	sshrl.u32 s19, $0x2;
	v14 =	vshll.u32 v14, $0xD;
	v12 =	vadd.f32 v12, v12;
	v9 =	vadd.f32 $-9.999999400e-01, v9  }
0x22a: {  	s19 =	sor.u32 s20, s19;
	v11 =	vadd.f32 v11, v11;
	v10 =	vadd.f32 $-9.999999400e-01, v10;
	v8 =	vmax.f32 v8, $-9.999999400e-01  }
0x22b: {  	s17 =	sadd.s32 $0x400, s17;
	v9 =	vmax.f32 v9, $-9.999999400e-01;
	[tilespmem:s19+$0x10] =	vst v8;
	v8 =	vadd.f32 $-9.999999400e-01, v12;
	v12 =	vadd.f32 v13, v13  }
0x22c: {  	s21 =	sand.u32 $0x3C00, s17;
	v11 =	vadd.f32 $-9.999999400e-01, v11;
	v10 =	vmax.f32 v10, $-9.999999400e-01;
	[tilespmem:s19+$0x20] =	vst v9;
	v9 =	vshrl.u32 v7, $0x13  }
0x22d: {  	s20 =	sor.u32 s20, s21;
	v7 =	vshll.u32 v7, $0xD;
	[tilespmem:s19+$0x30] =	vst v10;
	v8 =	vmax.f32 v8, $-9.999999400e-01;
	v10 =	vadd.f32 $-9.999999400e-01, v12  }
0x22e: {  	v12 =	vor.u32 v15, v14;
	v7 =	vor.u32 v9, v7;
	v9 =	vmax.f32 v11, $-9.999999400e-01;
	[tilespmem:s20+$0x50] =	vst v8  }
0x22f: {  	v8 =	vadd.s32 s18, v1;
	v7 =	vxor.u32 v6, v7;
	v10 =	vmax.f32 v10, $-9.999999400e-01;
	[tilespmem:s20+$0x40] =	vst v9  }
0x230: {  	v9 =	vxor.u32 v8, v12;
	v11 =	vshrl.u32 v7, $0x11;
	v12 =	vshll.u32 v7, $0xF;
	[tilespmem:s20+$0x60] =	vst v10  }
0x231: {  	v8 =	vadd.s32 v8, v9;
	v10 =	vshrl.u32 v9, $0x11;
	v9 =	vshll.u32 v9, $0xF  }
0x232: {  	v6 =	vadd.s32 v6, v7;
	v7 =	vor.u32 v11, v12;
	v9 =	vor.u32 v10, v9  }
0x233: {  	v5 =	vadd.s32 $0x375F2394, v5;
	v7 =	vxor.u32 v7, v6;
	v9 =	vxor.u32 v9, v8  }
0x234: {  	v12 =	vshrl.u32 v7, $0x6;
	v10 =	vshrl.u32 v9, $0x6;
	v11 =	vshll.u32 v9, $0x1A  }
0x235: {  	v8 =	vadd.s32 v8, v9;
	v9 =	vor.u32 v10, v11;
	v10 =	vshll.u32 v7, $0x1A  }
0x236: {  	v6 =	vadd.s32 v6, v7;
	v9 =	vxor.u32 v9, v8;
	v7 =	vor.u32 v12, v10  }
0x237: {  	v10 =	vshrl.u32 v9, $0x1A;
	v11 =	vshll.u32 v9, $0x6;
	v7 =	vxor.u32 v7, v6  }
0x238: {  	v10 =	vor.u32 v10, v11;
	v11 =	vshrl.u32 v7, $0x1A;
	v12 =	vshll.u32 v7, $0x6  }
0x239: {  	v8 =	vadd.s32 v8, v9;
	v6 =	vadd.s32 v6, v7;
	v7 =	vor.u32 v11, v12  }
0x23a: {  	v2 =	vadd.s32 $0xE1552D48, v2;
	v9 =	vxor.u32 v10, v8;
	v7 =	vxor.u32 v7, v6  }
0x23b: {  	v3 =	vxor.u32 v3, v4;
	v9 =	vadd.s32 $0xE1552D49, v9;
	v7 =	vadd.s32 $0xE1552D49, v7  }
0x23c: {  	v4 =	vadd.s32 v9, v8;
	v8 =	vshrl.u32 v9, $0xF;
	v9 =	vshll.u32 v9, $0x11  }
0x23d: {  	v6 =	vadd.s32 v7, v6;
	v10 =	vshrl.u32 v7, $0xF;
	v7 =	vshll.u32 v7, $0x11  }
0x23e: {  	v4 =	vadd.s32 $0xCDDB151D, v4;
	v8 =	vor.u32 v8, v9;
	v6 =	vadd.s32 $0xCDDB151D, v6  }
0x23f: {  	v2 =	vxor.u32 v2, v5;
	v8 =	vxor.u32 v8, v4;
	v7 =	vor.u32 v10, v7  }
0x240: {  	v5 =	vshrl.u32 v8, $0x3;
	v9 =	vshll.u32 v8, $0x1D;
	v7 =	vxor.u32 v7, v6  }
0x241: {  	v5 =	vor.u32 v5, v9;
	v9 =	vshrl.u32 v7, $0x3;
	v10 =	vshll.u32 v7, $0x1D  }
0x242: {  	v4 =	vadd.s32 v4, v8;
	v6 =	vadd.s32 v6, v7;
	v7 =	vor.u32 v9, v10  }
0x243: {  	v3 =	vshrl.u32 v3, $0x9;
	v5 =	vxor.u32 v5, v4;
	v7 =	vxor.u32 v7, v6  }
0x244: {  	v8 =	vshrl.u32 v5, $0x10;
	v9 =	vshll.u32 v5, $0x10;
	v10 =	vshrl.u32 v7, $0x10  }
0x245: {  	v4 =	vadd.s32 v4, v5;
	v5 =	vor.u32 v8, v9;
	v8 =	vshll.u32 v7, $0x10  }
0x246: {  	v6 =	vadd.s32 v6, v7;
	v5 =	vxor.u32 v5, v4;
	v7 =	vor.u32 v10, v8  }
0x247: {  	v8 =	vshrl.u32 v5, $0x8;
	v9 =	vshll.u32 v5, $0x18;
	v7 =	vxor.u32 v7, v6  }
0x248: {  	v8 =	vor.u32 v8, v9;
	v9 =	vshrl.u32 v7, $0x8;
	v10 =	vshll.u32 v7, $0x18  }
0x249: {  	v4 =	vadd.s32 v4, v5;
	v5 =	vadd.s32 v6, v7;
	v6 =	vor.u32 v9, v10  }
0x24a: {  	v2 =	vshrl.u32 v2, $0x9;
	v7 =	vxor.u32 v8, v4;
	v6 =	vxor.u32 v6, v5  }
0x24b: {  	v3 =	vor.u32 $0x3F800000, v3;
	v7 =	vadd.s32 $0x375F2391, v7;
	v6 =	vadd.s32 $0x375F2391, v6  }
0x24c: {  	v4 =	vadd.s32 v7, v4;
	v8 =	vshrl.u32 v7, $0x13;
	v7 =	vshll.u32 v7, $0xD  }
0x24d: {  	v5 =	vadd.s32 v6, v5;
	v9 =	vshrl.u32 v6, $0x13;
	v6 =	vshll.u32 v6, $0xD  }
0x24e: {  	v4 =	vadd.s32 $0xE1552D48, v4;
	v7 =	vor.u32 v8, v7;
	v5 =	vadd.s32 $0xE1552D48, v5  }
0x24f: {  	v2 =	vor.u32 $0x3F800000, v2;
	v7 =	vxor.u32 v7, v4;
	v6 =	vor.u32 v9, v6  }
0x250: {  	v8 =	vshrl.u32 v7, $0x11;
	v9 =	vshll.u32 v7, $0xF;
	v6 =	vxor.u32 v6, v5  }
0x251: {  	v8 =	vor.u32 v8, v9;
	v9 =	vshrl.u32 v6, $0x11;
	v10 =	vshll.u32 v6, $0xF  }
0x252: {  	v4 =	vadd.s32 v4, v7;
	v5 =	vadd.s32 v5, v6;
	v6 =	vor.u32 v9, v10  }
0x253: {  	v3 =	vadd.f32 $-1.000000000e+00, v3;
	v7 =	vxor.u32 v8, v4;
	v6 =	vxor.u32 v6, v5  }
0x254: {  	v8 =	vshrl.u32 v7, $0x6;
	v9 =	vshll.u32 v7, $0x1A;
	v10 =	vshrl.u32 v6, $0x6  }
0x255: {  	v4 =	vadd.s32 v4, v7;
	v7 =	vor.u32 v8, v9;
	v8 =	vshll.u32 v6, $0x1A  }
0x256: {  	v5 =	vadd.s32 v5, v6;
	v7 =	vxor.u32 v7, v4;
	v6 =	vor.u32 v10, v8  }
0x257: {  	v8 =	vshrl.u32 v7, $0x1A;
	v9 =	vshll.u32 v7, $0x6;
	v6 =	vxor.u32 v6, v5  }
0x258: {  	v8 =	vor.u32 v8, v9;
	v9 =	vshrl.u32 v6, $0x1A;
	v10 =	vshll.u32 v6, $0x6  }
0x259: {  	v4 =	vadd.s32 v4, v7;
	v5 =	vadd.s32 v5, v6;
	v6 =	vor.u32 v9, v10  }
0x25a: {  	v2 =	vadd.f32 $-1.000000000e+00, v2;
	v7 =	vxor.u32 v8, v4;
	v6 =	vxor.u32 v6, v5  }
0x25b: {  	v3 =	vadd.f32 v3, v3;
	v7 =	vadd.s32 $0xCDDB1520, v7;
	v6 =	vadd.s32 $0xCDDB1520, v6  }
0x25c: {  	v4 =	vadd.s32 v7, v4;
	v8 =	vshrl.u32 v7, $0xF;
	v7 =	vshll.u32 v7, $0x11  }
0x25d: {  	v5 =	vadd.s32 v6, v5;
	v9 =	vshrl.u32 v6, $0xF;
	v6 =	vshll.u32 v6, $0x11  }
0x25e: {  	v4 =	vadd.s32 $0x375F238F, v4;
	v7 =	vor.u32 v8, v7;
	v5 =	vadd.s32 $0x375F238F, v5  }
0x25f: {  	v2 =	vadd.f32 v2, v2;
	v7 =	vxor.u32 v7, v4;
	v6 =	vor.u32 v9, v6  }
0x260: {  	v8 =	vshrl.u32 v7, $0x3;
	v9 =	vshll.u32 v7, $0x1D;
	v6 =	vxor.u32 v6, v5  }
0x261: {  	v8 =	vor.u32 v8, v9;
	v9 =	vshrl.u32 v6, $0x3;
	v10 =	vshll.u32 v6, $0x1D  }
0x262: {  	v4 =	vadd.s32 v4, v7;
	v5 =	vadd.s32 v5, v6;
	v6 =	vor.u32 v9, v10  }
0x263: {  	v3 =	vadd.f32 $-9.999999400e-01, v3;
	v7 =	vxor.u32 v8, v4;
	v6 =	vxor.u32 v6, v5  }
0x264: {  	v8 =	vshrl.u32 v7, $0x10;
	v9 =	vshll.u32 v7, $0x10;
	v10 =	vshrl.u32 v6, $0x10  }
0x265: {  	v4 =	vadd.s32 v4, v7;
	v7 =	vor.u32 v8, v9;
	v8 =	vshll.u32 v6, $0x10  }
0x266: {  	v5 =	vadd.s32 v5, v6;
	v7 =	vxor.u32 v7, v4;
	v6 =	vor.u32 v10, v8  }
0x267: {  	v8 =	vshrl.u32 v7, $0x8;
	v9 =	vshll.u32 v7, $0x18;
	v6 =	vxor.u32 v6, v5  }
0x268: {  	v8 =	vor.u32 v8, v9;
	v9 =	vshrl.u32 v6, $0x8;
	v10 =	vshll.u32 v6, $0x18  }
0x269: {  	v4 =	vadd.s32 v4, v7;
	v5 =	vadd.s32 v5, v6;
	v6 =	vor.u32 v9, v10  }
0x26a: {  	v2 =	vadd.f32 $-9.999999400e-01, v2;
	v7 =	vxor.u32 v8, v4;
	v6 =	vxor.u32 v6, v5  }
0x26b: {  	v3 =	vmax.f32 v3, $-9.999999400e-01;
	v7 =	vadd.s32 $0xE1552D4C, v7;
	v6 =	vadd.s32 $0xE1552D4C, v6  }
0x26c: {  	v4 =	vadd.s32 v7, v4;
	v8 =	vshrl.u32 v7, $0x13;
	v7 =	vshll.u32 v7, $0xD;
	[tilespmem:s11+$0x0] =	vst v3;
	s11 =	smov.u32 s19  }
0x26d: {  	v3 =	vadd.s32 v6, v5;
	v5 =	vshrl.u32 v6, $0x13;
	v6 =	vshll.u32 v6, $0xD  }
0x26e: {  	v4 =	vadd.s32 $0xCDDB151D, v4;
	v7 =	vor.u32 v8, v7;
	v3 =	vadd.s32 $0xCDDB151D, v3  }
0x26f: {  	v2 =	vmax.f32 v2, $-9.999999400e-01;
	v7 =	vxor.u32 v7, v4;
	v5 =	vor.u32 v5, v6  }
0x270: {  	v8 =	vshll.u32 v7, $0xF;
	v6 =	vshrl.u32 v7, $0x11;
	v5 =	vxor.u32 v5, v3;
	[tilespmem:s13+$0x70] =	vst v2;
	s13 =	smov.u32 s20  }
0x271: {  	v2 =	vor.u32 v6, v8;
	v6 =	vshrl.u32 v5, $0x11;
	v8 =	vshll.u32 v5, $0xF  }
0x272: {  	v4 =	vadd.s32 v4, v7;
	v3 =	vadd.s32 v3, v5;
	v5 =	vor.u32 v6, v8  }
0x273: {  	v2 =	vxor.u32 v2, v4;
	v5 =	vxor.u32 v5, v3  }
0x274: {  	v6 =	vshrl.u32 v2, $0x6;
	v7 =	vshll.u32 v2, $0x1A;
	v8 =	vshrl.u32 v5, $0x6  }
0x275: {  	v2 =	vadd.s32 v4, v2;
	v4 =	vor.u32 v6, v7;
	v6 =	vshll.u32 v5, $0x1A  }
.Ltmp0:
0x276: {  	v3 =	vadd.s32 v3, v5;
	v4 =	vxor.u32 v4, v2;
	v5 =	vor.u32 v8, v6;
	(pc) =	sbr.rel @p0 .LBB2_3-.Ltmp0, $4  }
0x277: {  	v6 =	vshrl.u32 v4, $0x1A;
	v7 =	vshll.u32 v4, $0x6;
	v5 =	vxor.u32 v5, v3  }
0x278: {  	v6 =	vor.u32 v6, v7;
	v7 =	vshrl.u32 v5, $0x1A;
	v8 =	vshll.u32 v5, $0x6  }
0x279: {  	v9 =	vadd.s32 v2, v4;
	v2 =	vadd.s32 v3, v5;
	v5 =	vor.u32 v7, v8  }
0x27a: {  	s15 =	sadd.s32 $0x80, s15;
	v3 =	vadd.s32 $0xE1552D48, v9;
	v4 =	vxor.u32 v6, v9;
	v5 =	vxor.u32 v5, v2  }
0x27b: {  	v4 =	vadd.s32 $0x375F2394, v4  }
0x27c: {  	v5 =	vadd.s32 $0x375F2394, v5;
	v2 =	vadd.s32 $0xE1552D48, v2;
	v3 =	vxor.u32 v3, v4  }
0x27d: {  	v2 =	vxor.u32 v2, v5;
	v3 =	vshrl.u32 v3, $0x9  }
0x27e: {  	v2 =	vshrl.u32 v2, $0x9;
	v3 =	vor.u32 $0x3F800000, v3  }
0x27f: {  	v2 =	vor.u32 $0x3F800000, v2;
	v3 =	vadd.f32 $-1.000000000e+00, v3  }
0x280: {  	v2 =	vadd.f32 $-1.000000000e+00, v2  }
0x281: {  	v3 =	vadd.f32 v3, v3  }
0x282: {  	v2 =	vadd.f32 v2, v2  }
0x283: {  	v3 =	vadd.f32 $-9.999999400e-01, v3  }
0x284: {  	v2 =	vadd.f32 $-9.999999400e-01, v2  }
0x285: {  	s12 =	sadd.s32 s4, s10;
	s10 =	sadd.s32 $0x1, s10;
	v3 =	vmax.f32 v3, $-9.999999400e-01  }
0x286: {  	s31 =	sshll.u32 s12, $0xB;
	p0 =	sne.s32 s10, $0x16;
	v2 =	vmax.f32 v2, $-9.999999400e-01;
	[tilespmem:s11+$0x0] =	vst v3  }
.Ltmp1:
0x287: {  	[tilespmem:s13+$0x70] =	vst v2;
	s11 =	sadd.s32 s3, s31;
	(pc) =	sbr.rel @p0 .LBB2_2-.Ltmp1, $4  }
0x288: {  	[hbm4b:s11+s2] =	stream.linear.scatter [tilespmem:s2], [sflag:$0x1], $0x4000, $0x38;
	[tilespmem:$0x4000] =	vst v63  }
0x289: {  	_ =	swait.ge [sflag:s7], $0x4000  }
0x28a: {  	[sflag:s7] =	ssyncset.done $0x0  }
0x28b: {  	s9 =	sadd.s32 $0x4000, s9;
	[sflag:s7] =	ssyncadd.s32 $0xFFFFC000  }
0x28c: {  	s8 =	sadd.s32 $0x1, s8  }
0x28d: {  	p0 =	sne.s32 s8, s5  }
.Ltmp2:
0x28e: {  	_ = 	snop;
	(pc) =	sbr.rel @p0 .LBB2_1-.Ltmp2, $1  }
0x28f: {  	_ =	sdelay $0x3  }
0x290: {  	_ =	sfence.sel $0x180000  }
0x291: {  	[bflag:$0x0] =	sbarrier.arrive $0xFFFF  }
0x292: {  	p0 =	sne.s32 s1, $0x0;
	_ =	strace $0x90000047  }
0x293: {  	s0 =	sadd.s32 @!p0 $0x100000, s0;
	[bflag:$0x2] =	sbarrier.arrive $0xFFFF  }
0x294: {  	[sflag:s0] =	ssyncadd.tile.s32 @!p0 $0x1;
	_ =	shalt  }
.Lfunc_end2:
_tile_overlayer_lowered:
.L_overlay_start_2:
0x295: {  	(tag) =	ssettag $0x2  }
0x296: {  	s0 =	rddreg [dreg:$0x0];
	s2 =	stileid.u32  }
0x297: {  	s1 =	rddreg [dreg:$0x1];
	p0 =	sne.s32 s2, $0x0  }
0x298: {  	s3 =	rddreg [dreg:$0x2];
	[bflag:$0x3] =	sbarrier.arrive $0xFFFF;
	s2 =	simm.s32 @!p0 $0x1C01  }
0x299: {  	[timem:s3], [sflag:s2] =	dma.local @!p0 [hbm:s0], s1  }
0x29a: {  	s0 =	simm.s32 @!p0 $0x1  }
0x29b: {  	_ =	swait.ge @!p0 [sflag:s0], s1  }
0x29c: {  	s1 =	ssub.s32 @!p0 $0x0, s1;
	[sflag:s0] =	ssyncset.done @!p0 $0x0  }
0x29d: {  	[sflag:s0] =	ssyncadd.s32 @!p0 s1  }
0x29e: {  	[bflag:$0x3] =	sbarrier.arrive $0xFFFF  }
0x29f: {  	_ =	shalt  }

</sc_bundles>
